<compile_context>
chip_gen: v7x
topology: tpu7x:2x2x1
jax: 0.10.2.dev20260603
libtpu: 0.0.44.dev20260713+nightly
codegen_flags: <defaults>
</compile_context>

<pallas_src>
import functools

import jax
import jax.numpy as jnp
from jax import lax
from jax.experimental import pallas as pl
from jax.experimental.pallas import tpu as pltpu
from jax.experimental.pallas import tpu_sc as plsc

_N = 10000
_E = 320000
_D = 128
_K = 1024
_NP = 10240
_RPW = _NP // 32
_SCH = 2560
_NCH = _E // _SCH
_GCH = 128
_NGC = _E // _GCH
_NW = 32
_SEL = 512


def _lane0():
  return lax.iota(jnp.int32, 16) == 0


def _prefix16(v):
  lanes = lax.iota(jnp.int32, 16)
  dnums = lax.GatherDimensionNumbers(
      offset_dims=(), collapsed_slice_dims=(0,), start_index_map=(0,))
  for s in (1, 2, 4, 8):
    idx = jnp.maximum(lanes - s, 0)
    g = lax.gather(v, idx[:, None], dnums, (1,),
                   mode=lax.GatherScatterMode.PROMISE_IN_BOUNDS)
    v = v + jnp.where(lanes >= s, g, 0)
  return v


def _worker_id():
  ci = lax.axis_index("c")
  si = lax.axis_index("s")
  return si * 2 + ci, ci, si


def _sc_fold_body(h_hbm, eac_hbm, dstc_hbm, srcc_hbm, zr_hbm, zd_hbm,
                  acc_out, deg_out,
                  dstb_v, srcb_v, seld_v, sels_v, selp_v, cntv_v,
                  rowa_v, rowb_v, accl_v, degl_v, sem1, sem2, semd, sems):
  w, ci, si = _worker_id()
  lo = w * _RPW
  pltpu.sync_copy(zr_hbm, accl_v)
  pltpu.sync_copy(zd_hbm, degl_v)
  z16 = jnp.zeros((16,), jnp.int32)

  def zinit(k, carry):
    sels_v[pl.ds(k * 16, 16)] = z16
    selp_v[pl.ds(k * 16, 16)] = z16
    return carry

  lax.fori_loop(0, _SEL // 16, zinit, 0)

  def fold_first(nfold):
    cpa = pltpu.async_copy(h_hbm.at[sels_v.at[pl.ds(0, 128)]], rowa_v, sem1)
    cpb = pltpu.async_copy(eac_hbm.at[selp_v.at[pl.ds(0, 128)]], rowb_v, sem2)
    cpa.wait()
    cpb.wait()

    def fold_one(i, carry):
      @pl.when(i < nfold)
      def _():
        dloc = seld_v[pl.ds(i, 16)][0]
        plsc.addupdate_scatter(degl_v, [jnp.full((16,), dloc, jnp.int32)],
                               jnp.ones((16,), jnp.float32), mask=_lane0())
        for jj in range(8):
          sl = pl.ds(jj * 16, 16)
          plsc.addupdate(accl_v.at[dloc, sl], rowa_v[i, sl] + rowb_v[i, sl])
      return carry

    lax.fori_loop(0, 128, fold_one, 0)

  def shift_sel(k, carry):
    sl_from = pl.ds(128 + k * 16, 16)
    sl_to = pl.ds(k * 16, 16)
    seld_v[sl_to] = seld_v[sl_from]
    sels_v[sl_to] = sels_v[sl_from]
    selp_v[sl_to] = selp_v[sl_from]
    return carry

  def start_load(c, b):
    base = c * _SCH
    pltpu.async_copy(dstc_hbm.at[pl.ds(base, _SCH)], dstb_v.at[b],
                     semd.at[b])
    pltpu.async_copy(srcc_hbm.at[pl.ds(base, _SCH)], srcb_v.at[b],
                     sems.at[b])

  def wait_load(b):
    pltpu.make_async_copy(dstc_hbm.at[pl.ds(0, _SCH)], dstb_v.at[b],
                          semd.at[b]).wait()
    pltpu.make_async_copy(srcc_hbm.at[pl.ds(0, _SCH)], srcb_v.at[b],
                          sems.at[b]).wait()

  def chunk_body(c, cnt):
    base = c * _SCH
    b = lax.rem(c, 2)
    wait_load(b)

    @pl.when(c + 1 < 2 * _NCH)
    def _():
      start_load(c + 1, 1 - b)

    def subvec(j, cnt):
      sl = pl.ds(j * 16, 16)
      d = dstb_v[b, sl]
      m = (d >= lo) & (d < lo + _RPW)
      cadd = plsc.all_reduce_population_count(m)[0]

      @pl.when(cadd > 0)
      def _():
        pos = lax.iota(jnp.int32, 16) + (base + j * 16)
        csum = _prefix16(m.astype(jnp.int32))
        slot = cnt + csum - 1
        plsc.store_scatter(seld_v, [slot], d - lo, mask=m)
        plsc.store_scatter(sels_v, [slot], srcb_v[b, sl], mask=m)
        plsc.store_scatter(selp_v, [slot], pos, mask=m)

      cnt = cnt + cadd
      isfull = cnt >= 128

      @pl.when(isfull)
      def _():
        fold_first(jnp.int32(128))
        shifter = lax.fori_loop(0, 8, shift_sel, 0)

      return jnp.where(isfull, cnt - 128, cnt)

    return lax.fori_loop(0, _SCH // 16, subvec, cnt)

  start_load(0, 0)
  cnt = lax.fori_loop(0, 2 * _NCH, chunk_body, jnp.int32(0))
  fold_first(cnt)

  pltpu.sync_copy(accl_v, acc_out.at[pl.ds(lo, _RPW), :])
  pltpu.sync_copy(degl_v, deg_out.at[pl.ds(lo, _RPW)])


def _sc_gather4_body(h1_hbm, h2_hbm, hid_hbm, tid_hbm,
                     gh1_out, gh2_out, gt1_out, gt2_out,
                     idxh_v, idxt_v, b1_v, b2_v, b3_v, b4_v,
                     sem1, sem2, sem3, sem4):
  w, ci, si = _worker_id()

  def body(j, carry):
    c = w + _NW * j
    base = c * _GCH
    pltpu.sync_copy(hid_hbm.at[pl.ds(base, _GCH)], idxh_v)
    pltpu.sync_copy(tid_hbm.at[pl.ds(base, _GCH)], idxt_v)
    cp1 = pltpu.async_copy(h1_hbm.at[idxh_v], b1_v, sem1)
    cp2 = pltpu.async_copy(h2_hbm.at[idxh_v], b2_v, sem2)
    cp3 = pltpu.async_copy(h1_hbm.at[idxt_v], b3_v, sem3)
    cp4 = pltpu.async_copy(h2_hbm.at[idxt_v], b4_v, sem4)
    cp1.wait()
    pltpu.sync_copy(b1_v, gh1_out.at[pl.ds(base, _GCH), :])
    cp2.wait()
    pltpu.sync_copy(b2_v, gh2_out.at[pl.ds(base, _GCH), :])
    cp3.wait()
    pltpu.sync_copy(b3_v, gt1_out.at[pl.ds(base, _GCH), :])
    cp4.wait()
    pltpu.sync_copy(b4_v, gt2_out.at[pl.ds(base, _GCH), :])
    return carry

  nc = 78 + jnp.where(w < 4, 1, 0).astype(jnp.int32)
  lax.fori_loop(0, nc, body, 0)


@functools.cache
def _sc_kernels():
  mesh = plsc.VectorSubcoreMesh(core_axis_name="c", subcore_axis_name="s",
                                num_cores=2, num_subcores=16)
  params = pltpu.CompilerParams(needs_layout_passes=False)
  fold = functools.partial(
      pl.kernel,
      mesh=mesh,
      compiler_params=params,
      out_type=(
          jax.ShapeDtypeStruct((_NP, _D), jnp.float32),
          jax.ShapeDtypeStruct((_NP,), jnp.float32),
      ),
      scratch_types=[
          pltpu.VMEM((2, _SCH), jnp.int32),
          pltpu.VMEM((2, _SCH), jnp.int32),
          pltpu.VMEM((_SEL,), jnp.int32),
          pltpu.VMEM((_SEL,), jnp.int32),
          pltpu.VMEM((_SEL,), jnp.int32),
          pltpu.VMEM((16,), jnp.int32),
          pltpu.VMEM((128, _D), jnp.float32),
          pltpu.VMEM((128, _D), jnp.float32),
          pltpu.VMEM((_RPW, _D), jnp.float32),
          pltpu.VMEM((_RPW,), jnp.float32),
          pltpu.SemaphoreType.DMA,
          pltpu.SemaphoreType.DMA,
          pltpu.SemaphoreType.DMA((2,)),
          pltpu.SemaphoreType.DMA((2,)),
      ],
  )(_sc_fold_body)
  gather4 = functools.partial(
      pl.kernel,
      mesh=mesh,
      compiler_params=params,
      out_type=tuple(
          jax.ShapeDtypeStruct((_E, _D), jnp.float32) for _ in range(4)),
      scratch_types=[
          pltpu.VMEM((_GCH,), jnp.int32),
          pltpu.VMEM((_GCH,), jnp.int32),
          pltpu.VMEM((_GCH, _D), jnp.float32),
          pltpu.VMEM((_GCH, _D), jnp.float32),
          pltpu.VMEM((_GCH, _D), jnp.float32),
          pltpu.VMEM((_GCH, _D), jnp.float32),
          pltpu.SemaphoreType.DMA,
          pltpu.SemaphoreType.DMA,
          pltpu.SemaphoreType.DMA,
          pltpu.SemaphoreType.DMA,
      ],
  )(_sc_gather4_body)
  return fold, gather4


def _mlp2_body(x_ref, w1_ref, b1_ref, w2_ref, b2_ref, o_ref):
  h = jnp.maximum(
      jnp.dot(x_ref[...], w1_ref[...], preferred_element_type=jnp.float32)
      + b1_ref[...], 0.0)
  o_ref[...] = (
      jnp.dot(h, w2_ref[...], preferred_element_type=jnp.float32)
      + b2_ref[...])


def _edge_mlp(ea, w1, b1, w2, b2, rb):
  n = ea.shape[0]
  full = lambda i: (0, 0)
  return pl.pallas_call(
      _mlp2_body,
      grid=(n // rb,),
      in_specs=[
          pl.BlockSpec((rb, _D), lambda i: (i, 0)),
          pl.BlockSpec((_D, _D), full),
          pl.BlockSpec((1, _D), full),
          pl.BlockSpec((_D, _D), full),
          pl.BlockSpec((1, _D), full),
      ],
      out_specs=pl.BlockSpec((rb, _D), lambda i: (i, 0)),
      out_shape=jax.ShapeDtypeStruct((n, _D), jnp.float32),
  )(ea, w1, b1, w2, b2)


def _layer_body(h_ref, a_ref, d_ref, ws, wn, b, o_ref):
  deg = jnp.maximum(d_ref[...], 1.0)
  agg = a_ref[...] / deg
  o_ref[...] = jnp.maximum(
      jnp.dot(h_ref[...], ws[...], preferred_element_type=jnp.float32)
      + jnp.dot(agg, wn[...], preferred_element_type=jnp.float32)
      + b[...], 0.0)


def _layer_combine(h, acc, deg, ws, wn, b, rb):
  full = lambda i: (0, 0)
  blk = pl.BlockSpec((rb, _D), lambda i: (i, 0))
  return pl.pallas_call(
      _layer_body,
      grid=(_NP // rb,),
      in_specs=[blk, blk, pl.BlockSpec((rb, 1), lambda i: (i, 0)),
                pl.BlockSpec((_D, _D), full),
                pl.BlockSpec((_D, _D), full),
                pl.BlockSpec((1, _D), full)],
      out_specs=blk,
      out_shape=jax.ShapeDtypeStruct((_NP, _D), jnp.float32),
  )(h, acc, deg, ws, wn, b)


def _score_body(bq_ref, gh1_ref, gh2_ref, ea_ref, gt1_ref, gt2_ref, gn_ref,
                wp1, bp1, wp2, bp2, logit_ref, y_ref):
  ht = jnp.concatenate(
      [bq_ref[...], gh1_ref[...], gh2_ref[...], ea_ref[...],
       gt1_ref[...], gt2_ref[...]], axis=1)
  hid = jnp.maximum(
      jnp.dot(ht, wp1[...], preferred_element_type=jnp.float32)
      + bp1[...], 0.0)
  lg = jnp.dot(hid, wp2[...], preferred_element_type=jnp.float32) + bp2[...]
  logit_ref[...] = lg
  y_ref[...] = lg + gn_ref[...]


def _edge_score(bq, gh1, gh2, ea, gt1, gt2, gn, wp1, bp1, wp2, bp2, rb):
  full = lambda i: (0, 0)
  blk = pl.BlockSpec((rb, _D), lambda i: (i, 0))
  col = pl.BlockSpec((rb, 1), lambda i: (i, 0))
  out = jax.ShapeDtypeStruct((_E, 1), jnp.float32)
  return pl.pallas_call(
      _score_body,
      grid=(_E // rb,),
      in_specs=[blk, blk, blk, blk, blk, blk, col,
                pl.BlockSpec((6 * _D, _D), full),
                pl.BlockSpec((1, _D), full),
                pl.BlockSpec((_D, 1), full),
                pl.BlockSpec((1, 1), full)],
      out_specs=(col, col),
      out_shape=(out, out),
  )(bq, gh1, gh2, ea, gt1, gt2, gn, wp1, bp1, wp2, bp2)


_EPAD = 2560 * 128


def _topk_body(y_ref, o_ref):
  zi = lax.bitcast_convert_type(y_ref[...], jnp.int32)
  z = zi ^ ((zi >> 31) & jnp.int32(0x7FFFFFFF))

  def bis1(i, c):
    lo, hi = c
    half = (lo >> 1) + (hi >> 1)
    mid0 = half + (lo & hi & 1) + ((lo ^ hi) & 1)
    mid = jnp.where(lo < hi, mid0, lo)
    cnt = jnp.sum((z >= mid).astype(jnp.int32))
    pred = cnt >= _K
    return (jnp.where(pred, mid, lo), jnp.where(pred, hi, mid - 1))

  lo, _ = lax.fori_loop(0, 33, bis1, (jnp.int32(-(2 ** 31)),
                                      jnp.int32(2 ** 31 - 1)))
  t = lo
  c_gt = jnp.sum((z > t).astype(jnp.int32))
  r = _K - c_gt
  eq = z == t
  rows = lax.broadcasted_iota(jnp.int32, z.shape, 0)
  cols = lax.broadcasted_iota(jnp.int32, z.shape, 1)
  flat = rows * 128 + cols

  def bis2(i, c):
    lo, hi = c
    mid = jnp.where(lo < hi, (lo + hi) >> 1, lo)
    cnt = jnp.sum((eq & (flat <= mid)).astype(jnp.int32))
    ok = cnt >= r
    return (jnp.where(ok, lo, mid + 1), jnp.where(ok, mid, hi))

  m, _ = lax.fori_loop(0, 20, bis2, (jnp.int32(0), jnp.int32(_EPAD - 1)))
  o_ref[...] = ((z > t) | (eq & (flat <= m))).astype(jnp.float32)


def _topk_mask(ypad):
  return pl.pallas_call(
      _topk_body,
      out_shape=jax.ShapeDtypeStruct((_EPAD // 128, 128), jnp.float32),
  )(ypad)


def kernel(x, edge_index, edge_attr, batch_q_embds, W_pr1, b_pr1, W_pr2,
           b_pr2, W_s1, b_s1, W_n1, W_s2, b_s2, W_n2, W_p1, b_p1, W_p2, b_p2):
  h_id = edge_index[0]
  t_id = edge_index[1]
  r1 = lambda v: v.reshape(1, -1)

  u = jax.random.uniform(jax.random.key(42), (_E,), jnp.float32,
                         1e-10, 1.0 - 1e-10)
  gn = (-jnp.log(-jnp.log(u))).reshape(_E, 1)

  _sc_fold, _sc_gather4 = _sc_kernels()

  ea_rev = _edge_mlp(edge_attr, W_pr1, r1(b_pr1), W_pr2, r1(b_pr2), 2560)

  zr = jnp.zeros((_RPW, _D), jnp.float32)
  zd = jnp.zeros((_RPW,), jnp.float32)
  xp = jnp.zeros((_NP, _D), jnp.float32).at[:_N].set(x)
  eacat = jnp.concatenate([edge_attr, ea_rev], axis=0)
  dstcat = jnp.concatenate([t_id, h_id])
  srccat = jnp.concatenate([h_id, t_id])

  acc1, deg = _sc_fold(xp, eacat, dstcat, srccat, zr, zd)
  degc = deg.reshape(_NP, 1)
  h1 = _layer_combine(xp, acc1, degc, W_s1, W_n1, r1(b_s1), 1280)

  acc2, _ = _sc_fold(h1, eacat, dstcat, srccat, zr, zd)
  h2 = _layer_combine(h1, acc2, degc, W_s2, W_n2, r1(b_s2), 1280)

  gh1, gh2, gt1, gt2 = _sc_gather4(h1, h2, h_id, t_id)

  logits2d, y2d = _edge_score(
      batch_q_embds, gh1, gh2, edge_attr, gt1, gt2, gn,
      W_p1, r1(b_p1), W_p2, b_p2.reshape(1, 1), 2560)

  ypad = jnp.concatenate(
      [y2d[:, 0], jnp.full((_EPAD - _E,), -jnp.inf, jnp.float32)]
  ).reshape(_EPAD // 128, 128)
  mask2d = _topk_mask(ypad)

  logits = logits2d[:, 0]
  mask = mask2d.reshape(-1)[:_E]
  return (logits, mask)

# --- scband reference (transcript-rebuilt; emitter-appended) ---
"""Pipeline reference for scband-fine-grained-retriever-3470333575836 (READ-ONLY COPY).

The authoritative reference and input builder live on the scoring server;
editing this copy changes nothing except your own understanding.
"""

import jax, jax.numpy as jnp
import numpy as np

N = 10000
E = 320000
D = 128
K = 1024


def _init_linear(key, fan_in, fan_out):
    kw, kb = jax.random.split(key)
    s = 1.0 / np.sqrt(fan_in)
    W = jax.random.uniform(kw, (fan_in, fan_out), jnp.float32, -s, s)
    b = jax.random.uniform(kb, (fan_out,), jnp.float32, -s, s)
    return W, b


def setup_inputs(seed=0):
    key = jax.random.key(seed)
    ks = jax.random.split(key, 12)
    inp = {}
    inp['x'] = jax.random.normal(ks[0], (N, D), jnp.float32)
    inp['edge_index'] = jax.random.randint(ks[1], (2, E), 0, N, dtype=jnp.int32)
    inp['edge_attr'] = jax.random.normal(ks[2], (E, D), jnp.float32)
    inp['batch_q_embds'] = jax.random.normal(ks[3], (E, D), jnp.float32)
    inp['W_pr1'], inp['b_pr1'] = _init_linear(ks[4], D, D)
    inp['W_pr2'], inp['b_pr2'] = _init_linear(ks[5], D, D)
    inp['W_s1'], inp['b_s1'] = _init_linear(ks[6], D, D)
    inp['W_n1'] = _init_linear(ks[7], D, D)[0]
    inp['W_s2'], inp['b_s2'] = _init_linear(ks[8], D, D)
    inp['W_n2'] = _init_linear(ks[9], D, D)[0]
    inp['W_p1'], inp['b_p1'] = _init_linear(ks[10], 6 * D, D)
    inp['W_p2'], inp['b_p2'] = _init_linear(ks[11], D, 1)
    return inp


def _forward(x, edge_index, edge_attr, batch_q_embds, W_pr1, b_pr1, W_pr2, b_pr2, W_s1, b_s1, W_n1, W_s2, b_s2, W_n2, W_p1, b_p1, W_p2, b_p2):
    h_id = edge_index[0]
    t_id = edge_index[1]
    ei = jnp.concatenate([edge_index, edge_index[::-1]], axis=1)
    ea_rev = jnp.maximum(edge_attr @ W_pr1 + b_pr1, 0.0) @ W_pr2 + b_pr2
    ea = jnp.concatenate([edge_attr, ea_rev], axis=0)
    src = ei[0]
    dst = ei[1]
    n = x.shape[0]
    ones = jnp.ones((src.shape[0],), jnp.float32)
    deg = jnp.maximum(jax.ops.segment_sum(ones, dst, num_segments=n), 1.0)

    def layer(h, Ws, Wn, b):
        msg = h[src] + ea
        agg = jax.ops.segment_sum(msg, dst, num_segments=n) / deg[:, None]
        return jax.nn.relu(h @ Ws + agg @ Wn + b)

    h1 = layer(x, W_s1, W_n1, b_s1)
    h2 = layer(h1, W_s2, W_n2, b_s2)
    h_e = jnp.concatenate([h1, h2], axis=1)
    h_triple = jnp.concatenate([batch_q_embds, h_e[h_id], edge_attr, h_e[t_id]], axis=1)
    logits = (jnp.maximum(h_triple @ W_p1 + b_p1, 0.0) @ W_p2 + b_p2)[:, 0]
    # gumbel_topk(logits, K, hard=True, dim=0) with straight-through estimator
    u = jax.random.uniform(jax.random.key(42), logits.shape, jnp.float32, 1e-10, 1.0 - 1e-10)
    g = -jnp.log(-jnp.log(u))
    y = logits + g
    soft = jax.nn.softmax(y, axis=0)
    _, idx = jax.lax.top_k(y, K)
    khot = jnp.zeros_like(logits).at[idx].set(1.0)
    mask = khot - jax.lax.stop_gradient(soft) + soft
    return (logits, mask)


def reference(x, edge_index, edge_attr, batch_q_embds, W_pr1, b_pr1, W_pr2, b_pr2, W_s1, b_s1, W_n1, W_s2, b_s2, W_n2, W_p1, b_p1, W_p2, b_p2):
    return _forward(x, edge_index, edge_attr, batch_q_embds, W_pr1, b_pr1, W_pr2, b_pr2, W_s1, b_s1, W_n1, W_s2, b_s2, W_n2, W_p1, b_p1, W_p2, b_p2)

if __name__ == "__main__":
    import jax
    _d = setup_inputs()
    print(jax.jit(kernel)(*tuple(_d.values())))

</pallas_src>

<mosaic_0001>
#map = affine_map<(d0, d1) -> (0, 0)>
#map1 = affine_map<(d0, d1) -> (0)>
module attributes {stable_mosaic.version = 14 : i64} {
  func.func @_sc_gather4_body(%arg0: i32, %arg1: i32, %arg2: memref<10240x128xf32, #tpu.memory_space<hbm>>, %arg3: memref<10240x128xf32, #tpu.memory_space<hbm>>, %arg4: memref<320000xi32, #tpu.memory_space<hbm>>, %arg5: memref<320000xi32, #tpu.memory_space<hbm>>, %arg6: memref<320000x128xf32, #tpu.memory_space<hbm>>, %arg7: memref<320000x128xf32, #tpu.memory_space<hbm>>, %arg8: memref<320000x128xf32, #tpu.memory_space<hbm>>, %arg9: memref<320000x128xf32, #tpu.memory_space<hbm>>, %arg10: memref<128xi32, #tpu.memory_space<vmem>>, %arg11: memref<128xi32, #tpu.memory_space<vmem>>, %arg12: memref<128x128xf32, #tpu.memory_space<vmem>>, %arg13: memref<128x128xf32, #tpu.memory_space<vmem>>, %arg14: memref<128x128xf32, #tpu.memory_space<vmem>>, %arg15: memref<128x128xf32, #tpu.memory_space<vmem>>, %arg16: memref<!tpu.dma_semaphore, #tpu.memory_space<semaphore_mem>>, %arg17: memref<!tpu.dma_semaphore, #tpu.memory_space<semaphore_mem>>, %arg18: memref<!tpu.dma_semaphore, #tpu.memory_space<semaphore_mem>>, %arg19: memref<!tpu.dma_semaphore, #tpu.memory_space<semaphore_mem>>) attributes {dimension_semantics = [#tpu.dimension_semantics<core_parallel>, #tpu.dimension_semantics<subcore_parallel>], iteration_bounds = array<i64: 2, 16>, scalar_prefetch = 0 : i64, scratch_operands = 10 : i64, tpu.core_type = #tpu.core_type<sc_vector_subcore>, window_params = [{transform_indices = #map}, {transform_indices = #map}, {transform_indices = #map1}, {transform_indices = #map1}, {transform_indices = #map}, {transform_indices = #map}, {transform_indices = #map}, {transform_indices = #map}]} {
    %mul3A = arith.constant 2 : i32
    %mul3A_0 = arith.muli %arg1, %mul3A : i32
    %add3A = arith.addi %mul3A_0, %arg0 : i32
    %lt3A = arith.constant 4 : i32
    %lt3A_1 = arith.cmpi slt, %add3A, %lt3A : i32
    %jit3A = arith.constant 1 : i32
    %jit3A_2 = arith.constant 0 : i32
    %select_n3A = arith.select %lt3A_1, %jit3A, %jit3A_2 : i32
    %add3A_3 = arith.constant 78 : i32
    %add3A_4 = arith.addi %add3A_3, %select_n3A : i32
    %while3A = arith.constant 0 : i32
    %while3A_5 = arith.constant 0 : i32
    %while3A_6 = arith.subi %add3A_4, %while3A_5 : i32
    %while3A_7 = arith.addi %while3A_5, %while3A_6 : i32
    %while3A_8 = arith.constant 1 : i32
    %while3A_9 = arith.divsi %while3A_6, %while3A_8 : i32
    %while3A_10 = arith.muli %while3A_9, %while3A_8 : i32
    %while3A_11 = arith.addi %while3A_5, %while3A_10 : i32
    %while3A_12 = arith.constant 1 : i32
    scf.for %while3A_14 = %while3A_5 to %while3A_11 step %while3A_12  : i32 {
      %mul3A_15 = arith.constant 32 : i32
      %mul3A_16 = arith.muli %mul3A_15, %while3A_14 : i32
      %add3A_17 = arith.addi %add3A, %mul3A_16 : i32
      %mul3A_18 = arith.constant 128 : i32
      %mul3A_19 = arith.muli %add3A_17, %mul3A_18 : i32
      "tpu.region"() ({
        %run_scoped3A = tpu.sem_alloc : memref<!tpu.dma_semaphore, #tpu.memory_space<semaphore_mem>>
        %dma_start3A_42 = tpu.memref_slice %arg4[%mul3A_19] : memref<320000xi32, #tpu.memory_space<hbm>> -> memref<128xi32, #tpu.memory_space<hbm>>
        %dma_start3A_43 = tpu.memref_slice %arg4[%mul3A_19] : memref<320000xi32, #tpu.memory_space<hbm>> -> memref<128xi32, #tpu.memory_space<hbm>>
        tpu.enqueue_dma source(%dma_start3A_43 : memref<128xi32, #tpu.memory_space<hbm>>) target(%arg10 : memref<128xi32, #tpu.memory_space<vmem>>) target_semaphore(%run_scoped3A : memref<!tpu.dma_semaphore, #tpu.memory_space<semaphore_mem>>)
        %dma_wait3A_44 = tpu.memref_slice %arg4[%mul3A_19] : memref<320000xi32, #tpu.memory_space<hbm>> -> memref<128xi32, #tpu.memory_space<hbm>>
        %dma_wait3A_45 = tpu.memref_slice %arg4[%mul3A_19] : memref<320000xi32, #tpu.memory_space<hbm>> -> memref<128xi32, #tpu.memory_space<hbm>>
        tpu.wait_dma2 semaphore(%run_scoped3A : memref<!tpu.dma_semaphore, #tpu.memory_space<semaphore_mem>>) src(%dma_wait3A_45 : memref<128xi32, #tpu.memory_space<hbm>>) dst(%arg10 : memref<128xi32, #tpu.memory_space<vmem>>)
        tpu.yield
      }) : () -> ()
      "tpu.region"() ({
        %run_scoped3A = tpu.sem_alloc : memref<!tpu.dma_semaphore, #tpu.memory_space<semaphore_mem>>
        %dma_start3A_42 = tpu.memref_slice %arg5[%mul3A_19] : memref<320000xi32, #tpu.memory_space<hbm>> -> memref<128xi32, #tpu.memory_space<hbm>>
        %dma_start3A_43 = tpu.memref_slice %arg5[%mul3A_19] : memref<320000xi32, #tpu.memory_space<hbm>> -> memref<128xi32, #tpu.memory_space<hbm>>
        tpu.enqueue_dma source(%dma_start3A_43 : memref<128xi32, #tpu.memory_space<hbm>>) target(%arg11 : memref<128xi32, #tpu.memory_space<vmem>>) target_semaphore(%run_scoped3A : memref<!tpu.dma_semaphore, #tpu.memory_space<semaphore_mem>>)
        %dma_wait3A_44 = tpu.memref_slice %arg5[%mul3A_19] : memref<320000xi32, #tpu.memory_space<hbm>> -> memref<128xi32, #tpu.memory_space<hbm>>
        %dma_wait3A_45 = tpu.memref_slice %arg5[%mul3A_19] : memref<320000xi32, #tpu.memory_space<hbm>> -> memref<128xi32, #tpu.memory_space<hbm>>
        tpu.wait_dma2 semaphore(%run_scoped3A : memref<!tpu.dma_semaphore, #tpu.memory_space<semaphore_mem>>) src(%dma_wait3A_45 : memref<128xi32, #tpu.memory_space<hbm>>) dst(%arg11 : memref<128xi32, #tpu.memory_space<vmem>>)
        tpu.yield
      }) : () -> ()
      %dma_start3A = arith.constant 0 : i32
      %dma_start3A_20 = arith.constant 0 : i32
      %dma_start3A_21 = tpu.memref_slice %arg2[%dma_start3A, %dma_start3A_20] : memref<10240x128xf32, #tpu.memory_space<hbm>> -> memref<10240x128xf32, #tpu.memory_space<hbm>>
      tpu.enqueue_indirect_dma source(%dma_start3A_21 : memref<10240x128xf32, #tpu.memory_space<hbm>>) target(%arg12 : memref<128x128xf32, #tpu.memory_space<vmem>>) offsets(%arg10 : memref<128xi32, #tpu.memory_space<vmem>>) semaphore(%arg16 : memref<!tpu.dma_semaphore, #tpu.memory_space<semaphore_mem>>)
      %dma_start3A_22 = arith.constant 0 : i32
      %dma_start3A_23 = arith.constant 0 : i32
      %dma_start3A_24 = tpu.memref_slice %arg3[%dma_start3A_22, %dma_start3A_23] : memref<10240x128xf32, #tpu.memory_space<hbm>> -> memref<10240x128xf32, #tpu.memory_space<hbm>>
      tpu.enqueue_indirect_dma source(%dma_start3A_24 : memref<10240x128xf32, #tpu.memory_space<hbm>>) target(%arg13 : memref<128x128xf32, #tpu.memory_space<vmem>>) offsets(%arg10 : memref<128xi32, #tpu.memory_space<vmem>>) semaphore(%arg17 : memref<!tpu.dma_semaphore, #tpu.memory_space<semaphore_mem>>)
      %dma_start3A_25 = arith.constant 0 : i32
      %dma_start3A_26 = arith.constant 0 : i32
      %dma_start3A_27 = tpu.memref_slice %arg2[%dma_start3A_25, %dma_start3A_26] : memref<10240x128xf32, #tpu.memory_space<hbm>> -> memref<10240x128xf32, #tpu.memory_space<hbm>>
      tpu.enqueue_indirect_dma source(%dma_start3A_27 : memref<10240x128xf32, #tpu.memory_space<hbm>>) target(%arg14 : memref<128x128xf32, #tpu.memory_space<vmem>>) offsets(%arg11 : memref<128xi32, #tpu.memory_space<vmem>>) semaphore(%arg18 : memref<!tpu.dma_semaphore, #tpu.memory_space<semaphore_mem>>)
      %dma_start3A_28 = arith.constant 0 : i32
      %dma_start3A_29 = arith.constant 0 : i32
      %dma_start3A_30 = tpu.memref_slice %arg3[%dma_start3A_28, %dma_start3A_29] : memref<10240x128xf32, #tpu.memory_space<hbm>> -> memref<10240x128xf32, #tpu.memory_space<hbm>>
      tpu.enqueue_indirect_dma source(%dma_start3A_30 : memref<10240x128xf32, #tpu.memory_space<hbm>>) target(%arg15 : memref<128x128xf32, #tpu.memory_space<vmem>>) offsets(%arg11 : memref<128xi32, #tpu.memory_space<vmem>>) semaphore(%arg19 : memref<!tpu.dma_semaphore, #tpu.memory_space<semaphore_mem>>)
      %dma_wait3A = arith.constant 0 : i32
      %dma_wait3A_31 = arith.constant 0 : i32
      %dma_wait3A_32 = tpu.memref_slice %arg2[%dma_wait3A, %dma_wait3A_31] : memref<10240x128xf32, #tpu.memory_space<hbm>> -> memref<10240x128xf32, #tpu.memory_space<hbm>>
      tpu.wait_indirect_dma semaphore(%arg16 : memref<!tpu.dma_semaphore, #tpu.memory_space<semaphore_mem>>) src(%dma_wait3A_32 : memref<10240x128xf32, #tpu.memory_space<hbm>>) dst(%arg12 : memref<128x128xf32, #tpu.memory_space<vmem>>)
      "tpu.region"() ({
        %run_scoped3A = tpu.sem_alloc : memref<!tpu.dma_semaphore, #tpu.memory_space<semaphore_mem>>
        %dma_start3A_42 = arith.constant 0 : i32
        %dma_start3A_43 = tpu.memref_slice %arg6[%mul3A_19, %dma_start3A_42] : memref<320000x128xf32, #tpu.memory_space<hbm>> -> memref<128x128xf32, #tpu.memory_space<hbm>>
        %dma_start3A_44 = arith.constant 0 : i32
        %dma_start3A_45 = tpu.memref_slice %arg6[%mul3A_19, %dma_start3A_44] : memref<320000x128xf32, #tpu.memory_space<hbm>> -> memref<128x128xf32, #tpu.memory_space<hbm>>
        tpu.enqueue_dma source(%arg12 : memref<128x128xf32, #tpu.memory_space<vmem>>) target(%dma_start3A_45 : memref<128x128xf32, #tpu.memory_space<hbm>>) target_semaphore(%run_scoped3A : memref<!tpu.dma_semaphore, #tpu.memory_space<semaphore_mem>>)
        %dma_wait3A_46 = arith.constant 0 : i32
        %dma_wait3A_47 = tpu.memref_slice %arg6[%mul3A_19, %dma_wait3A_46] : memref<320000x128xf32, #tpu.memory_space<hbm>> -> memref<128x128xf32, #tpu.memory_space<hbm>>
        %dma_wait3A_48 = arith.constant 0 : i32
        %dma_wait3A_49 = tpu.memref_slice %arg6[%mul3A_19, %dma_wait3A_48] : memref<320000x128xf32, #tpu.memory_space<hbm>> -> memref<128x128xf32, #tpu.memory_space<hbm>>
        tpu.wait_dma2 semaphore(%run_scoped3A : memref<!tpu.dma_semaphore, #tpu.memory_space<semaphore_mem>>) src(%arg12 : memref<128x128xf32, #tpu.memory_space<vmem>>) dst(%dma_wait3A_49 : memref<128x128xf32, #tpu.memory_space<hbm>>)
        tpu.yield
      }) : () -> ()
      %dma_wait3A_33 = arith.constant 0 : i32
      %dma_wait3A_34 = arith.constant 0 : i32
      %dma_wait3A_35 = tpu.memref_slice %arg3[%dma_wait3A_33, %dma_wait3A_34] : memref<10240x128xf32, #tpu.memory_space<hbm>> -> memref<10240x128xf32, #tpu.memory_space<hbm>>
      tpu.wait_indirect_dma semaphore(%arg17 : memref<!tpu.dma_semaphore, #tpu.memory_space<semaphore_mem>>) src(%dma_wait3A_35 : memref<10240x128xf32, #tpu.memory_space<hbm>>) dst(%arg13 : memref<128x128xf32, #tpu.memory_space<vmem>>)
      "tpu.region"() ({
        %run_scoped3A = tpu.sem_alloc : memref<!tpu.dma_semaphore, #tpu.memory_space<semaphore_mem>>
        %dma_start3A_42 = arith.constant 0 : i32
        %dma_start3A_43 = tpu.memref_slice %arg7[%mul3A_19, %dma_start3A_42] : memref<320000x128xf32, #tpu.memory_space<hbm>> -> memref<128x128xf32, #tpu.memory_space<hbm>>
        %dma_start3A_44 = arith.constant 0 : i32
        %dma_start3A_45 = tpu.memref_slice %arg7[%mul3A_19, %dma_start3A_44] : memref<320000x128xf32, #tpu.memory_space<hbm>> -> memref<128x128xf32, #tpu.memory_space<hbm>>
        tpu.enqueue_dma source(%arg13 : memref<128x128xf32, #tpu.memory_space<vmem>>) target(%dma_start3A_45 : memref<128x128xf32, #tpu.memory_space<hbm>>) target_semaphore(%run_scoped3A : memref<!tpu.dma_semaphore, #tpu.memory_space<semaphore_mem>>)
        %dma_wait3A_46 = arith.constant 0 : i32
        %dma_wait3A_47 = tpu.memref_slice %arg7[%mul3A_19, %dma_wait3A_46] : memref<320000x128xf32, #tpu.memory_space<hbm>> -> memref<128x128xf32, #tpu.memory_space<hbm>>
        %dma_wait3A_48 = arith.constant 0 : i32
        %dma_wait3A_49 = tpu.memref_slice %arg7[%mul3A_19, %dma_wait3A_48] : memref<320000x128xf32, #tpu.memory_space<hbm>> -> memref<128x128xf32, #tpu.memory_space<hbm>>
        tpu.wait_dma2 semaphore(%run_scoped3A : memref<!tpu.dma_semaphore, #tpu.memory_space<semaphore_mem>>) src(%arg13 : memref<128x128xf32, #tpu.memory_space<vmem>>) dst(%dma_wait3A_49 : memref<128x128xf32, #tpu.memory_space<hbm>>)
        tpu.yield
      }) : () -> ()
      %dma_wait3A_36 = arith.constant 0 : i32
      %dma_wait3A_37 = arith.constant 0 : i32
      %dma_wait3A_38 = tpu.memref_slice %arg2[%dma_wait3A_36, %dma_wait3A_37] : memref<10240x128xf32, #tpu.memory_space<hbm>> -> memref<10240x128xf32, #tpu.memory_space<hbm>>
      tpu.wait_indirect_dma semaphore(%arg18 : memref<!tpu.dma_semaphore, #tpu.memory_space<semaphore_mem>>) src(%dma_wait3A_38 : memref<10240x128xf32, #tpu.memory_space<hbm>>) dst(%arg14 : memref<128x128xf32, #tpu.memory_space<vmem>>)
      "tpu.region"() ({
        %run_scoped3A = tpu.sem_alloc : memref<!tpu.dma_semaphore, #tpu.memory_space<semaphore_mem>>
        %dma_start3A_42 = arith.constant 0 : i32
        %dma_start3A_43 = tpu.memref_slice %arg8[%mul3A_19, %dma_start3A_42] : memref<320000x128xf32, #tpu.memory_space<hbm>> -> memref<128x128xf32, #tpu.memory_space<hbm>>
        %dma_start3A_44 = arith.constant 0 : i32
        %dma_start3A_45 = tpu.memref_slice %arg8[%mul3A_19, %dma_start3A_44] : memref<320000x128xf32, #tpu.memory_space<hbm>> -> memref<128x128xf32, #tpu.memory_space<hbm>>
        tpu.enqueue_dma source(%arg14 : memref<128x128xf32, #tpu.memory_space<vmem>>) target(%dma_start3A_45 : memref<128x128xf32, #tpu.memory_space<hbm>>) target_semaphore(%run_scoped3A : memref<!tpu.dma_semaphore, #tpu.memory_space<semaphore_mem>>)
        %dma_wait3A_46 = arith.constant 0 : i32
        %dma_wait3A_47 = tpu.memref_slice %arg8[%mul3A_19, %dma_wait3A_46] : memref<320000x128xf32, #tpu.memory_space<hbm>> -> memref<128x128xf32, #tpu.memory_space<hbm>>
        %dma_wait3A_48 = arith.constant 0 : i32
        %dma_wait3A_49 = tpu.memref_slice %arg8[%mul3A_19, %dma_wait3A_48] : memref<320000x128xf32, #tpu.memory_space<hbm>> -> memref<128x128xf32, #tpu.memory_space<hbm>>
        tpu.wait_dma2 semaphore(%run_scoped3A : memref<!tpu.dma_semaphore, #tpu.memory_space<semaphore_mem>>) src(%arg14 : memref<128x128xf32, #tpu.memory_space<vmem>>) dst(%dma_wait3A_49 : memref<128x128xf32, #tpu.memory_space<hbm>>)
        tpu.yield
      }) : () -> ()
      %dma_wait3A_39 = arith.constant 0 : i32
      %dma_wait3A_40 = arith.constant 0 : i32
      %dma_wait3A_41 = tpu.memref_slice %arg3[%dma_wait3A_39, %dma_wait3A_40] : memref<10240x128xf32, #tpu.memory_space<hbm>> -> memref<10240x128xf32, #tpu.memory_space<hbm>>
      tpu.wait_indirect_dma semaphore(%arg19 : memref<!tpu.dma_semaphore, #tpu.memory_space<semaphore_mem>>) src(%dma_wait3A_41 : memref<10240x128xf32, #tpu.memory_space<hbm>>) dst(%arg15 : memref<128x128xf32, #tpu.memory_space<vmem>>)
      "tpu.region"() ({
        %run_scoped3A = tpu.sem_alloc : memref<!tpu.dma_semaphore, #tpu.memory_space<semaphore_mem>>
        %dma_start3A_42 = arith.constant 0 : i32
        %dma_start3A_43 = tpu.memref_slice %arg9[%mul3A_19, %dma_start3A_42] : memref<320000x128xf32, #tpu.memory_space<hbm>> -> memref<128x128xf32, #tpu.memory_space<hbm>>
        %dma_start3A_44 = arith.constant 0 : i32
        %dma_start3A_45 = tpu.memref_slice %arg9[%mul3A_19, %dma_start3A_44] : memref<320000x128xf32, #tpu.memory_space<hbm>> -> memref<128x128xf32, #tpu.memory_space<hbm>>
        tpu.enqueue_dma source(%arg15 : memref<128x128xf32, #tpu.memory_space<vmem>>) target(%dma_start3A_45 : memref<128x128xf32, #tpu.memory_space<hbm>>) target_semaphore(%run_scoped3A : memref<!tpu.dma_semaphore, #tpu.memory_space<semaphore_mem>>)
        %dma_wait3A_46 = arith.constant 0 : i32
        %dma_wait3A_47 = tpu.memref_slice %arg9[%mul3A_19, %dma_wait3A_46] : memref<320000x128xf32, #tpu.memory_space<hbm>> -> memref<128x128xf32, #tpu.memory_space<hbm>>
        %dma_wait3A_48 = arith.constant 0 : i32
        %dma_wait3A_49 = tpu.memref_slice %arg9[%mul3A_19, %dma_wait3A_48] : memref<320000x128xf32, #tpu.memory_space<hbm>> -> memref<128x128xf32, #tpu.memory_space<hbm>>
        tpu.wait_dma2 semaphore(%run_scoped3A : memref<!tpu.dma_semaphore, #tpu.memory_space<semaphore_mem>>) src(%arg15 : memref<128x128xf32, #tpu.memory_space<vmem>>) dst(%dma_wait3A_49 : memref<128x128xf32, #tpu.memory_space<hbm>>)
        tpu.yield
      }) : () -> ()
    }
    %while3A_13 = arith.constant 1 : i32
    scf.for %while3A_14 = %while3A_11 to %while3A_7 step %while3A_13  : i32 {
      %mul3A_15 = arith.constant 32 : i32
      %mul3A_16 = arith.muli %mul3A_15, %while3A_14 : i32
      %add3A_17 = arith.addi %add3A, %mul3A_16 : i32
      %mul3A_18 = arith.constant 128 : i32
      %mul3A_19 = arith.muli %add3A_17, %mul3A_18 : i32
      "tpu.region"() ({
        %run_scoped3A = tpu.sem_alloc : memref<!tpu.dma_semaphore, #tpu.memory_space<semaphore_mem>>
        %dma_start3A_42 = tpu.memref_slice %arg4[%mul3A_19] : memref<320000xi32, #tpu.memory_space<hbm>> -> memref<128xi32, #tpu.memory_space<hbm>>
        %dma_start3A_43 = tpu.memref_slice %arg4[%mul3A_19] : memref<320000xi32, #tpu.memory_space<hbm>> -> memref<128xi32, #tpu.memory_space<hbm>>
        tpu.enqueue_dma source(%dma_start3A_43 : memref<128xi32, #tpu.memory_space<hbm>>) target(%arg10 : memref<128xi32, #tpu.memory_space<vmem>>) target_semaphore(%run_scoped3A : memref<!tpu.dma_semaphore, #tpu.memory_space<semaphore_mem>>)
        %dma_wait3A_44 = tpu.memref_slice %arg4[%mul3A_19] : memref<320000xi32, #tpu.memory_space<hbm>> -> memref<128xi32, #tpu.memory_space<hbm>>
        %dma_wait3A_45 = tpu.memref_slice %arg4[%mul3A_19] : memref<320000xi32, #tpu.memory_space<hbm>> -> memref<128xi32, #tpu.memory_space<hbm>>
        tpu.wait_dma2 semaphore(%run_scoped3A : memref<!tpu.dma_semaphore, #tpu.memory_space<semaphore_mem>>) src(%dma_wait3A_45 : memref<128xi32, #tpu.memory_space<hbm>>) dst(%arg10 : memref<128xi32, #tpu.memory_space<vmem>>)
        tpu.yield
      }) : () -> ()
      "tpu.region"() ({
        %run_scoped3A = tpu.sem_alloc : memref<!tpu.dma_semaphore, #tpu.memory_space<semaphore_mem>>
        %dma_start3A_42 = tpu.memref_slice %arg5[%mul3A_19] : memref<320000xi32, #tpu.memory_space<hbm>> -> memref<128xi32, #tpu.memory_space<hbm>>
        %dma_start3A_43 = tpu.memref_slice %arg5[%mul3A_19] : memref<320000xi32, #tpu.memory_space<hbm>> -> memref<128xi32, #tpu.memory_space<hbm>>
        tpu.enqueue_dma source(%dma_start3A_43 : memref<128xi32, #tpu.memory_space<hbm>>) target(%arg11 : memref<128xi32, #tpu.memory_space<vmem>>) target_semaphore(%run_scoped3A : memref<!tpu.dma_semaphore, #tpu.memory_space<semaphore_mem>>)
        %dma_wait3A_44 = tpu.memref_slice %arg5[%mul3A_19] : memref<320000xi32, #tpu.memory_space<hbm>> -> memref<128xi32, #tpu.memory_space<hbm>>
        %dma_wait3A_45 = tpu.memref_slice %arg5[%mul3A_19] : memref<320000xi32, #tpu.memory_space<hbm>> -> memref<128xi32, #tpu.memory_space<hbm>>
        tpu.wait_dma2 semaphore(%run_scoped3A : memref<!tpu.dma_semaphore, #tpu.memory_space<semaphore_mem>>) src(%dma_wait3A_45 : memref<128xi32, #tpu.memory_space<hbm>>) dst(%arg11 : memref<128xi32, #tpu.memory_space<vmem>>)
        tpu.yield
      }) : () -> ()
      %dma_start3A = arith.constant 0 : i32
      %dma_start3A_20 = arith.constant 0 : i32
      %dma_start3A_21 = tpu.memref_slice %arg2[%dma_start3A, %dma_start3A_20] : memref<10240x128xf32, #tpu.memory_space<hbm>> -> memref<10240x128xf32, #tpu.memory_space<hbm>>
      tpu.enqueue_indirect_dma source(%dma_start3A_21 : memref<10240x128xf32, #tpu.memory_space<hbm>>) target(%arg12 : memref<128x128xf32, #tpu.memory_space<vmem>>) offsets(%arg10 : memref<128xi32, #tpu.memory_space<vmem>>) semaphore(%arg16 : memref<!tpu.dma_semaphore, #tpu.memory_space<semaphore_mem>>)
      %dma_start3A_22 = arith.constant 0 : i32
      %dma_start3A_23 = arith.constant 0 : i32
      %dma_start3A_24 = tpu.memref_slice %arg3[%dma_start3A_22, %dma_start3A_23] : memref<10240x128xf32, #tpu.memory_space<hbm>> -> memref<10240x128xf32, #tpu.memory_space<hbm>>
      tpu.enqueue_indirect_dma source(%dma_start3A_24 : memref<10240x128xf32, #tpu.memory_space<hbm>>) target(%arg13 : memref<128x128xf32, #tpu.memory_space<vmem>>) offsets(%arg10 : memref<128xi32, #tpu.memory_space<vmem>>) semaphore(%arg17 : memref<!tpu.dma_semaphore, #tpu.memory_space<semaphore_mem>>)
      %dma_start3A_25 = arith.constant 0 : i32
      %dma_start3A_26 = arith.constant 0 : i32
      %dma_start3A_27 = tpu.memref_slice %arg2[%dma_start3A_25, %dma_start3A_26] : memref<10240x128xf32, #tpu.memory_space<hbm>> -> memref<10240x128xf32, #tpu.memory_space<hbm>>
      tpu.enqueue_indirect_dma source(%dma_start3A_27 : memref<10240x128xf32, #tpu.memory_space<hbm>>) target(%arg14 : memref<128x128xf32, #tpu.memory_space<vmem>>) offsets(%arg11 : memref<128xi32, #tpu.memory_space<vmem>>) semaphore(%arg18 : memref<!tpu.dma_semaphore, #tpu.memory_space<semaphore_mem>>)
      %dma_start3A_28 = arith.constant 0 : i32
      %dma_start3A_29 = arith.constant 0 : i32
      %dma_start3A_30 = tpu.memref_slice %arg3[%dma_start3A_28, %dma_start3A_29] : memref<10240x128xf32, #tpu.memory_space<hbm>> -> memref<10240x128xf32, #tpu.memory_space<hbm>>
      tpu.enqueue_indirect_dma source(%dma_start3A_30 : memref<10240x128xf32, #tpu.memory_space<hbm>>) target(%arg15 : memref<128x128xf32, #tpu.memory_space<vmem>>) offsets(%arg11 : memref<128xi32, #tpu.memory_space<vmem>>) semaphore(%arg19 : memref<!tpu.dma_semaphore, #tpu.memory_space<semaphore_mem>>)
      %dma_wait3A = arith.constant 0 : i32
      %dma_wait3A_31 = arith.constant 0 : i32
      %dma_wait3A_32 = tpu.memref_slice %arg2[%dma_wait3A, %dma_wait3A_31] : memref<10240x128xf32, #tpu.memory_space<hbm>> -> memref<10240x128xf32, #tpu.memory_space<hbm>>
      tpu.wait_indirect_dma semaphore(%arg16 : memref<!tpu.dma_semaphore, #tpu.memory_space<semaphore_mem>>) src(%dma_wait3A_32 : memref<10240x128xf32, #tpu.memory_space<hbm>>) dst(%arg12 : memref<128x128xf32, #tpu.memory_space<vmem>>)
      "tpu.region"() ({
        %run_scoped3A = tpu.sem_alloc : memref<!tpu.dma_semaphore, #tpu.memory_space<semaphore_mem>>
        %dma_start3A_42 = arith.constant 0 : i32
        %dma_start3A_43 = tpu.memref_slice %arg6[%mul3A_19, %dma_start3A_42] : memref<320000x128xf32, #tpu.memory_space<hbm>> -> memref<128x128xf32, #tpu.memory_space<hbm>>
        %dma_start3A_44 = arith.constant 0 : i32
        %dma_start3A_45 = tpu.memref_slice %arg6[%mul3A_19, %dma_start3A_44] : memref<320000x128xf32, #tpu.memory_space<hbm>> -> memref<128x128xf32, #tpu.memory_space<hbm>>
        tpu.enqueue_dma source(%arg12 : memref<128x128xf32, #tpu.memory_space<vmem>>) target(%dma_start3A_45 : memref<128x128xf32, #tpu.memory_space<hbm>>) target_semaphore(%run_scoped3A : memref<!tpu.dma_semaphore, #tpu.memory_space<semaphore_mem>>)
        %dma_wait3A_46 = arith.constant 0 : i32
        %dma_wait3A_47 = tpu.memref_slice %arg6[%mul3A_19, %dma_wait3A_46] : memref<320000x128xf32, #tpu.memory_space<hbm>> -> memref<128x128xf32, #tpu.memory_space<hbm>>
        %dma_wait3A_48 = arith.constant 0 : i32
        %dma_wait3A_49 = tpu.memref_slice %arg6[%mul3A_19, %dma_wait3A_48] : memref<320000x128xf32, #tpu.memory_space<hbm>> -> memref<128x128xf32, #tpu.memory_space<hbm>>
        tpu.wait_dma2 semaphore(%run_scoped3A : memref<!tpu.dma_semaphore, #tpu.memory_space<semaphore_mem>>) src(%arg12 : memref<128x128xf32, #tpu.memory_space<vmem>>) dst(%dma_wait3A_49 : memref<128x128xf32, #tpu.memory_space<hbm>>)
        tpu.yield
      }) : () -> ()
      %dma_wait3A_33 = arith.constant 0 : i32
      %dma_wait3A_34 = arith.constant 0 : i32
      %dma_wait3A_35 = tpu.memref_slice %arg3[%dma_wait3A_33, %dma_wait3A_34] : memref<10240x128xf32, #tpu.memory_space<hbm>> -> memref<10240x128xf32, #tpu.memory_space<hbm>>
      tpu.wait_indirect_dma semaphore(%arg17 : memref<!tpu.dma_semaphore, #tpu.memory_space<semaphore_mem>>) src(%dma_wait3A_35 : memref<10240x128xf32, #tpu.memory_space<hbm>>) dst(%arg13 : memref<128x128xf32, #tpu.memory_space<vmem>>)
      "tpu.region"() ({
        %run_scoped3A = tpu.sem_alloc : memref<!tpu.dma_semaphore, #tpu.memory_space<semaphore_mem>>
        %dma_start3A_42 = arith.constant 0 : i32
        %dma_start3A_43 = tpu.memref_slice %arg7[%mul3A_19, %dma_start3A_42] : memref<320000x128xf32, #tpu.memory_space<hbm>> -> memref<128x128xf32, #tpu.memory_space<hbm>>
        %dma_start3A_44 = arith.constant 0 : i32
        %dma_start3A_45 = tpu.memref_slice %arg7[%mul3A_19, %dma_start3A_44] : memref<320000x128xf32, #tpu.memory_space<hbm>> -> memref<128x128xf32, #tpu.memory_space<hbm>>
        tpu.enqueue_dma source(%arg13 : memref<128x128xf32, #tpu.memory_space<vmem>>) target(%dma_start3A_45 : memref<128x128xf32, #tpu.memory_space<hbm>>) target_semaphore(%run_scoped3A : memref<!tpu.dma_semaphore, #tpu.memory_space<semaphore_mem>>)
        %dma_wait3A_46 = arith.constant 0 : i32
        %dma_wait3A_47 = tpu.memref_slice %arg7[%mul3A_19, %dma_wait3A_46] : memref<320000x128xf32, #tpu.memory_space<hbm>> -> memref<128x128xf32, #tpu.memory_space<hbm>>
        %dma_wait3A_48 = arith.constant 0 : i32
        %dma_wait3A_49 = tpu.memref_slice %arg7[%mul3A_19, %dma_wait3A_48] : memref<320000x128xf32, #tpu.memory_space<hbm>> -> memref<128x128xf32, #tpu.memory_space<hbm>>
        tpu.wait_dma2 semaphore(%run_scoped3A : memref<!tpu.dma_semaphore, #tpu.memory_space<semaphore_mem>>) src(%arg13 : memref<128x128xf32, #tpu.memory_space<vmem>>) dst(%dma_wait3A_49 : memref<128x128xf32, #tpu.memory_space<hbm>>)
        tpu.yield
      }) : () -> ()
      %dma_wait3A_36 = arith.constant 0 : i32
      %dma_wait3A_37 = arith.constant 0 : i32
      %dma_wait3A_38 = tpu.memref_slice %arg2[%dma_wait3A_36, %dma_wait3A_37] : memref<10240x128xf32, #tpu.memory_space<hbm>> -> memref<10240x128xf32, #tpu.memory_space<hbm>>
      tpu.wait_indirect_dma semaphore(%arg18 : memref<!tpu.dma_semaphore, #tpu.memory_space<semaphore_mem>>) src(%dma_wait3A_38 : memref<10240x128xf32, #tpu.memory_space<hbm>>) dst(%arg14 : memref<128x128xf32, #tpu.memory_space<vmem>>)
      "tpu.region"() ({
        %run_scoped3A = tpu.sem_alloc : memref<!tpu.dma_semaphore, #tpu.memory_space<semaphore_mem>>
        %dma_start3A_42 = arith.constant 0 : i32
        %dma_start3A_43 = tpu.memref_slice %arg8[%mul3A_19, %dma_start3A_42] : memref<320000x128xf32, #tpu.memory_space<hbm>> -> memref<128x128xf32, #tpu.memory_space<hbm>>
        %dma_start3A_44 = arith.constant 0 : i32
        %dma_start3A_45 = tpu.memref_slice %arg8[%mul3A_19, %dma_start3A_44] : memref<320000x128xf32, #tpu.memory_space<hbm>> -> memref<128x128xf32, #tpu.memory_space<hbm>>
        tpu.enqueue_dma source(%arg14 : memref<128x128xf32, #tpu.memory_space<vmem>>) target(%dma_start3A_45 : memref<128x128xf32, #tpu.memory_space<hbm>>) target_semaphore(%run_scoped3A : memref<!tpu.dma_semaphore, #tpu.memory_space<semaphore_mem>>)
        %dma_wait3A_46 = arith.constant 0 : i32
        %dma_wait3A_47 = tpu.memref_slice %arg8[%mul3A_19, %dma_wait3A_46] : memref<320000x128xf32, #tpu.memory_space<hbm>> -> memref<128x128xf32, #tpu.memory_space<hbm>>
        %dma_wait3A_48 = arith.constant 0 : i32
        %dma_wait3A_49 = tpu.memref_slice %arg8[%mul3A_19, %dma_wait3A_48] : memref<320000x128xf32, #tpu.memory_space<hbm>> -> memref<128x128xf32, #tpu.memory_space<hbm>>
        tpu.wait_dma2 semaphore(%run_scoped3A : memref<!tpu.dma_semaphore, #tpu.memory_space<semaphore_mem>>) src(%arg14 : memref<128x128xf32, #tpu.memory_space<vmem>>) dst(%dma_wait3A_49 : memref<128x128xf32, #tpu.memory_space<hbm>>)
        tpu.yield
      }) : () -> ()
      %dma_wait3A_39 = arith.constant 0 : i32
      %dma_wait3A_40 = arith.constant 0 : i32
      %dma_wait3A_41 = tpu.memref_slice %arg3[%dma_wait3A_39, %dma_wait3A_40] : memref<10240x128xf32, #tpu.memory_space<hbm>> -> memref<10240x128xf32, #tpu.memory_space<hbm>>
      tpu.wait_indirect_dma semaphore(%arg19 : memref<!tpu.dma_semaphore, #tpu.memory_space<semaphore_mem>>) src(%dma_wait3A_41 : memref<10240x128xf32, #tpu.memory_space<hbm>>) dst(%arg15 : memref<128x128xf32, #tpu.memory_space<vmem>>)
      "tpu.region"() ({
        %run_scoped3A = tpu.sem_alloc : memref<!tpu.dma_semaphore, #tpu.memory_space<semaphore_mem>>
        %dma_start3A_42 = arith.constant 0 : i32
        %dma_start3A_43 = tpu.memref_slice %arg9[%mul3A_19, %dma_start3A_42] : memref<320000x128xf32, #tpu.memory_space<hbm>> -> memref<128x128xf32, #tpu.memory_space<hbm>>
        %dma_start3A_44 = arith.constant 0 : i32
        %dma_start3A_45 = tpu.memref_slice %arg9[%mul3A_19, %dma_start3A_44] : memref<320000x128xf32, #tpu.memory_space<hbm>> -> memref<128x128xf32, #tpu.memory_space<hbm>>
        tpu.enqueue_dma source(%arg15 : memref<128x128xf32, #tpu.memory_space<vmem>>) target(%dma_start3A_45 : memref<128x128xf32, #tpu.memory_space<hbm>>) target_semaphore(%run_scoped3A : memref<!tpu.dma_semaphore, #tpu.memory_space<semaphore_mem>>)
        %dma_wait3A_46 = arith.constant 0 : i32
        %dma_wait3A_47 = tpu.memref_slice %arg9[%mul3A_19, %dma_wait3A_46] : memref<320000x128xf32, #tpu.memory_space<hbm>> -> memref<128x128xf32, #tpu.memory_space<hbm>>
        %dma_wait3A_48 = arith.constant 0 : i32
        %dma_wait3A_49 = tpu.memref_slice %arg9[%mul3A_19, %dma_wait3A_48] : memref<320000x128xf32, #tpu.memory_space<hbm>> -> memref<128x128xf32, #tpu.memory_space<hbm>>
        tpu.wait_dma2 semaphore(%run_scoped3A : memref<!tpu.dma_semaphore, #tpu.memory_space<semaphore_mem>>) src(%arg15 : memref<128x128xf32, #tpu.memory_space<vmem>>) dst(%dma_wait3A_49 : memref<128x128xf32, #tpu.memory_space<hbm>>)
        tpu.yield
      }) : () -> ()
    }
    return
  }
}

#map = affine_map<(d0, d1) -> (0, 0)>
#map1 = affine_map<(d0, d1) -> (0)>
module attributes {stable_mosaic.version = 14 : i64} {
  func.func @_sc_fold_body(%arg0: i32, %arg1: i32, %arg2: memref<10240x128xf32, #tpu.memory_space<hbm>>, %arg3: memref<640000x128xf32, #tpu.memory_space<hbm>>, %arg4: memref<640000xi32, #tpu.memory_space<hbm>>, %arg5: memref<640000xi32, #tpu.memory_space<hbm>>, %arg6: memref<320x128xf32, #tpu.memory_space<hbm>>, %arg7: memref<320xf32, #tpu.memory_space<hbm>>, %arg8: memref<10240x128xf32, #tpu.memory_space<hbm>>, %arg9: memref<10240xf32, #tpu.memory_space<hbm>>, %arg10: memref<2x2560xi32, #tpu.memory_space<vmem>>, %arg11: memref<2x2560xi32, #tpu.memory_space<vmem>>, %arg12: memref<512xi32, #tpu.memory_space<vmem>>, %arg13: memref<512xi32, #tpu.memory_space<vmem>>, %arg14: memref<512xi32, #tpu.memory_space<vmem>>, %arg15: memref<16xi32, #tpu.memory_space<vmem>>, %arg16: memref<128x128xf32, #tpu.memory_space<vmem>>, %arg17: memref<128x128xf32, #tpu.memory_space<vmem>>, %arg18: memref<320x128xf32, #tpu.memory_space<vmem>>, %arg19: memref<320xf32, #tpu.memory_space<vmem>>, %arg20: memref<!tpu.dma_semaphore, #tpu.memory_space<semaphore_mem>>, %arg21: memref<!tpu.dma_semaphore, #tpu.memory_space<semaphore_mem>>, %arg22: memref<2x!tpu.dma_semaphore, #tpu.memory_space<semaphore_mem>>, %arg23: memref<2x!tpu.dma_semaphore, #tpu.memory_space<semaphore_mem>>) attributes {dimension_semantics = [#tpu.dimension_semantics<core_parallel>, #tpu.dimension_semantics<subcore_parallel>], iteration_bounds = array<i64: 2, 16>, scalar_prefetch = 0 : i64, scratch_operands = 14 : i64, tpu.core_type = #tpu.core_type<sc_vector_subcore>, window_params = [{transform_indices = #map}, {transform_indices = #map}, {transform_indices = #map1}, {transform_indices = #map1}, {transform_indices = #map}, {transform_indices = #map1}, {transform_indices = #map}, {transform_indices = #map1}]} {
    %mul3A = arith.constant 2 : i32
    %mul3A_0 = arith.muli %arg1, %mul3A : i32
    %add3A = arith.addi %mul3A_0, %arg0 : i32
    %mul3A_1 = arith.constant 320 : i32
    %mul3A_2 = arith.muli %add3A, %mul3A_1 : i32
    "tpu.region"() ({
      %run_scoped3A = tpu.sem_alloc : memref<!tpu.dma_semaphore, #tpu.memory_space<semaphore_mem>>
      tpu.enqueue_dma source(%arg6 : memref<320x128xf32, #tpu.memory_space<hbm>>) target(%arg18 : memref<320x128xf32, #tpu.memory_space<vmem>>) target_semaphore(%run_scoped3A : memref<!tpu.dma_semaphore, #tpu.memory_space<semaphore_mem>>)
      tpu.wait_dma2 semaphore(%run_scoped3A : memref<!tpu.dma_semaphore, #tpu.memory_space<semaphore_mem>>) src(%arg6 : memref<320x128xf32, #tpu.memory_space<hbm>>) dst(%arg18 : memref<320x128xf32, #tpu.memory_space<vmem>>)
      tpu.yield
    }) : () -> ()
    "tpu.region"() ({
      %run_scoped3A = tpu.sem_alloc : memref<!tpu.dma_semaphore, #tpu.memory_space<semaphore_mem>>
      tpu.enqueue_dma source(%arg7 : memref<320xf32, #tpu.memory_space<hbm>>) target(%arg19 : memref<320xf32, #tpu.memory_space<vmem>>) target_semaphore(%run_scoped3A : memref<!tpu.dma_semaphore, #tpu.memory_space<semaphore_mem>>)
      tpu.wait_dma2 semaphore(%run_scoped3A : memref<!tpu.dma_semaphore, #tpu.memory_space<semaphore_mem>>) src(%arg7 : memref<320xf32, #tpu.memory_space<hbm>>) dst(%arg19 : memref<320xf32, #tpu.memory_space<vmem>>)
      tpu.yield
    }) : () -> ()
    %broadcast_in_dim3A = arith.constant 0 : i32
    %broadcast_in_dim3A_3 = vector.broadcast %broadcast_in_dim3A : i32 to vector<16xi32>
    %scan3A = arith.constant 0 : i32
    %scan3A_4 = arith.constant 0 : i32
    %scan3A_5 = arith.constant 32 : i32
    %scan3A_6 = arith.addi %scan3A_4, %scan3A_5 : i32
    %scan3A_7 = arith.constant 1 : i32
    scf.for %scan3A_68 = %scan3A_4 to %scan3A_6 step %scan3A_7  : i32 {
      %mul3A_69 = arith.constant 16 : i32
      %mul3A_70 = arith.muli %scan3A_68, %mul3A_69 : i32
      %swap3A = arith.index_cast %mul3A_70 : i32 to index
      %swap3A_71 = tpu.vector_load %arg13[%swap3A] {strides = array<i32>} : memref<512xi32, #tpu.memory_space<vmem>>, vector<16xi32>,
      tpu.vector_store %arg13[%swap3A], %broadcast_in_dim3A_3 {strides = array<i32>} : memref<512xi32, #tpu.memory_space<vmem>>, vector<16xi32>,
      %mul3A_72 = arith.constant 16 : i32
      %mul3A_73 = arith.muli %scan3A_68, %mul3A_72 : i32
      %swap3A_74 = arith.index_cast %mul3A_73 : i32 to index
      %swap3A_75 = tpu.vector_load %arg14[%swap3A_74] {strides = array<i32>} : memref<512xi32, #tpu.memory_space<vmem>>, vector<16xi32>,
      tpu.vector_store %arg14[%swap3A_74], %broadcast_in_dim3A_3 {strides = array<i32>} : memref<512xi32, #tpu.memory_space<vmem>>, vector<16xi32>,
    }
    %scan3A_8 = arith.constant 32 : i32
    %dma_start3A = arith.constant 0 : i32
    %dma_start3A_9 = arith.constant 0 : i32
    %dma_start3A_10 = arith.constant 0 : i32
    %dma_start3A_11 = tpu.memref_slice %arg10[%dma_start3A, %dma_start3A_10] : memref<2x2560xi32, #tpu.memory_space<vmem>> -> memref<1x2560xi32, #tpu.memory_space<vmem>>
    %dma_start3A_12 = tpu.memref_squeeze %dma_start3A_11 : memref<1x2560xi32, #tpu.memory_space<vmem>> -> memref<2560xi32, #tpu.memory_space<vmem>>
    %dma_start3A_13 = arith.constant 0 : i32
    %dma_start3A_14 = tpu.memref_slice %arg4[%dma_start3A_13] : memref<640000xi32, #tpu.memory_space<hbm>> -> memref<2560xi32, #tpu.memory_space<hbm>>
    %dma_start3A_15 = tpu.memref_slice %arg22[%dma_start3A_9] : memref<2x!tpu.dma_semaphore, #tpu.memory_space<semaphore_mem>> -> memref<1x!tpu.dma_semaphore, #tpu.memory_space<semaphore_mem>>
    %dma_start3A_16 = tpu.memref_squeeze %dma_start3A_15 : memref<1x!tpu.dma_semaphore, #tpu.memory_space<semaphore_mem>> -> memref<!tpu.dma_semaphore, #tpu.memory_space<semaphore_mem>>
    %dma_start3A_17 = arith.constant 0 : i32
    %dma_start3A_18 = tpu.memref_slice %arg10[%dma_start3A, %dma_start3A_17] : memref<2x2560xi32, #tpu.memory_space<vmem>> -> memref<1x2560xi32, #tpu.memory_space<vmem>>
    %dma_start3A_19 = tpu.memref_squeeze %dma_start3A_18 : memref<1x2560xi32, #tpu.memory_space<vmem>> -> memref<2560xi32, #tpu.memory_space<vmem>>
    %dma_start3A_20 = arith.constant 0 : i32
    %dma_start3A_21 = tpu.memref_slice %arg4[%dma_start3A_20] : memref<640000xi32, #tpu.memory_space<hbm>> -> memref<2560xi32, #tpu.memory_space<hbm>>
    tpu.enqueue_dma source(%dma_start3A_21 : memref<2560xi32, #tpu.memory_space<hbm>>) target(%dma_start3A_19 : memref<2560xi32, #tpu.memory_space<vmem>>) target_semaphore(%dma_start3A_16 : memref<!tpu.dma_semaphore, #tpu.memory_space<semaphore_mem>>)
    %dma_start3A_22 = arith.constant 0 : i32
    %dma_start3A_23 = arith.constant 0 : i32
    %dma_start3A_24 = arith.constant 0 : i32
    %dma_start3A_25 = tpu.memref_slice %arg11[%dma_start3A_22, %dma_start3A_24] : memref<2x2560xi32, #tpu.memory_space<vmem>> -> memref<1x2560xi32, #tpu.memory_space<vmem>>
    %dma_start3A_26 = tpu.memref_squeeze %dma_start3A_25 : memref<1x2560xi32, #tpu.memory_space<vmem>> -> memref<2560xi32, #tpu.memory_space<vmem>>
    %dma_start3A_27 = arith.constant 0 : i32
    %dma_start3A_28 = tpu.memref_slice %arg5[%dma_start3A_27] : memref<640000xi32, #tpu.memory_space<hbm>> -> memref<2560xi32, #tpu.memory_space<hbm>>
    %dma_start3A_29 = tpu.memref_slice %arg23[%dma_start3A_23] : memref<2x!tpu.dma_semaphore, #tpu.memory_space<semaphore_mem>> -> memref<1x!tpu.dma_semaphore, #tpu.memory_space<semaphore_mem>>
    %dma_start3A_30 = tpu.memref_squeeze %dma_start3A_29 : memref<1x!tpu.dma_semaphore, #tpu.memory_space<semaphore_mem>> -> memref<!tpu.dma_semaphore, #tpu.memory_space<semaphore_mem>>
    %dma_start3A_31 = arith.constant 0 : i32
    %dma_start3A_32 = tpu.memref_slice %arg11[%dma_start3A_22, %dma_start3A_31] : memref<2x2560xi32, #tpu.memory_space<vmem>> -> memref<1x2560xi32, #tpu.memory_space<vmem>>
    %dma_start3A_33 = tpu.memref_squeeze %dma_start3A_32 : memref<1x2560xi32, #tpu.memory_space<vmem>> -> memref<2560xi32, #tpu.memory_space<vmem>>
    %dma_start3A_34 = arith.constant 0 : i32
    %dma_start3A_35 = tpu.memref_slice %arg5[%dma_start3A_34] : memref<640000xi32, #tpu.memory_space<hbm>> -> memref<2560xi32, #tpu.memory_space<hbm>>
    tpu.enqueue_dma source(%dma_start3A_35 : memref<2560xi32, #tpu.memory_space<hbm>>) target(%dma_start3A_33 : memref<2560xi32, #tpu.memory_space<vmem>>) target_semaphore(%dma_start3A_30 : memref<!tpu.dma_semaphore, #tpu.memory_space<semaphore_mem>>)
    %scan3A_36 = arith.constant 0 : i32
    %scan3A_37 = arith.constant 0 : i32
    %scan3A_38 = arith.constant 250 : i32
    %scan3A_39 = arith.addi %scan3A_37, %scan3A_38 : i32
    %scan3A_40 = arith.constant 1 : i32
    %scan3A_41 = scf.for %scan3A_68 = %scan3A_37 to %scan3A_39 step %scan3A_40 iter_args(%scan3A_69 = %scan3A_36) -> (i32)  : i32 {
      %mul3A_70 = arith.constant 2560 : i32
      %mul3A_71 = arith.muli %scan3A_68, %mul3A_70 : i32
      %rem3A = arith.constant 2 : i32
      %rem3A_72 = arith.remsi %scan3A_68, %rem3A : i32
      %dma_wait3A_73 = arith.constant 0 : i32
      %dma_wait3A_74 = tpu.memref_slice %arg10[%rem3A_72, %dma_wait3A_73] : memref<2x2560xi32, #tpu.memory_space<vmem>> -> memref<1x2560xi32, #tpu.memory_space<vmem>>
      %dma_wait3A_75 = tpu.memref_squeeze %dma_wait3A_74 : memref<1x2560xi32, #tpu.memory_space<vmem>> -> memref<2560xi32, #tpu.memory_space<vmem>>
      %dma_wait3A_76 = arith.constant 0 : i32
      %dma_wait3A_77 = tpu.memref_slice %arg4[%dma_wait3A_76] : memref<640000xi32, #tpu.memory_space<hbm>> -> memref<2560xi32, #tpu.memory_space<hbm>>
      %dma_wait3A_78 = tpu.memref_slice %arg22[%rem3A_72] : memref<2x!tpu.dma_semaphore, #tpu.memory_space<semaphore_mem>> -> memref<1x!tpu.dma_semaphore, #tpu.memory_space<semaphore_mem>>
      %dma_wait3A_79 = tpu.memref_squeeze %dma_wait3A_78 : memref<1x!tpu.dma_semaphore, #tpu.memory_space<semaphore_mem>> -> memref<!tpu.dma_semaphore, #tpu.memory_space<semaphore_mem>>
      %dma_wait3A_80 = arith.constant 0 : i32
      %dma_wait3A_81 = tpu.memref_slice %arg10[%rem3A_72, %dma_wait3A_80] : memref<2x2560xi32, #tpu.memory_space<vmem>> -> memref<1x2560xi32, #tpu.memory_space<vmem>>
      %dma_wait3A_82 = tpu.memref_squeeze %dma_wait3A_81 : memref<1x2560xi32, #tpu.memory_space<vmem>> -> memref<2560xi32, #tpu.memory_space<vmem>>
      %dma_wait3A_83 = arith.constant 0 : i32
      %dma_wait3A_84 = tpu.memref_slice %arg4[%dma_wait3A_83] : memref<640000xi32, #tpu.memory_space<hbm>> -> memref<2560xi32, #tpu.memory_space<hbm>>
      tpu.wait_dma2 semaphore(%dma_wait3A_79 : memref<!tpu.dma_semaphore, #tpu.memory_space<semaphore_mem>>) src(%dma_wait3A_84 : memref<2560xi32, #tpu.memory_space<hbm>>) dst(%dma_wait3A_82 : memref<2560xi32, #tpu.memory_space<vmem>>)
      %dma_wait3A_85 = arith.constant 0 : i32
      %dma_wait3A_86 = tpu.memref_slice %arg11[%rem3A_72, %dma_wait3A_85] : memref<2x2560xi32, #tpu.memory_space<vmem>> -> memref<1x2560xi32, #tpu.memory_space<vmem>>
      %dma_wait3A_87 = tpu.memref_squeeze %dma_wait3A_86 : memref<1x2560xi32, #tpu.memory_space<vmem>> -> memref<2560xi32, #tpu.memory_space<vmem>>
      %dma_wait3A_88 = arith.constant 0 : i32
      %dma_wait3A_89 = tpu.memref_slice %arg5[%dma_wait3A_88] : memref<640000xi32, #tpu.memory_space<hbm>> -> memref<2560xi32, #tpu.memory_space<hbm>>
      %dma_wait3A_90 = tpu.memref_slice %arg23[%rem3A_72] : memref<2x!tpu.dma_semaphore, #tpu.memory_space<semaphore_mem>> -> memref<1x!tpu.dma_semaphore, #tpu.memory_space<semaphore_mem>>
      %dma_wait3A_91 = tpu.memref_squeeze %dma_wait3A_90 : memref<1x!tpu.dma_semaphore, #tpu.memory_space<semaphore_mem>> -> memref<!tpu.dma_semaphore, #tpu.memory_space<semaphore_mem>>
      %dma_wait3A_92 = arith.constant 0 : i32
      %dma_wait3A_93 = tpu.memref_slice %arg11[%rem3A_72, %dma_wait3A_92] : memref<2x2560xi32, #tpu.memory_space<vmem>> -> memref<1x2560xi32, #tpu.memory_space<vmem>>
      %dma_wait3A_94 = tpu.memref_squeeze %dma_wait3A_93 : memref<1x2560xi32, #tpu.memory_space<vmem>> -> memref<2560xi32, #tpu.memory_space<vmem>>
      %dma_wait3A_95 = arith.constant 0 : i32
      %dma_wait3A_96 = tpu.memref_slice %arg5[%dma_wait3A_95] : memref<640000xi32, #tpu.memory_space<hbm>> -> memref<2560xi32, #tpu.memory_space<hbm>>
      tpu.wait_dma2 semaphore(%dma_wait3A_91 : memref<!tpu.dma_semaphore, #tpu.memory_space<semaphore_mem>>) src(%dma_wait3A_96 : memref<2560xi32, #tpu.memory_space<hbm>>) dst(%dma_wait3A_94 : memref<2560xi32, #tpu.memory_space<vmem>>)
      %add3A_97 = arith.constant 1 : i32
      %add3A_98 = arith.addi %scan3A_68, %add3A_97 : i32
      %lt3A = arith.constant 250 : i32
      %lt3A_99 = arith.cmpi slt, %add3A_98, %lt3A : i32
      %convert_element_type3A = arith.extui %lt3A_99 : i1 to i32
      %cond3A = arith.constant 0 : i32
      %cond3A_100 = arith.cmpi ne, %convert_element_type3A, %cond3A : i32
      scf.if %cond3A_100 {
        %add3A_107 = arith.constant 1 : i32
        %add3A_108 = arith.addi %scan3A_68, %add3A_107 : i32
        %sub3A = arith.constant 1 : i32
        %sub3A_109 = arith.subi %sub3A, %rem3A_72 : i32
        %mul3A_110 = arith.constant 2560 : i32
        %mul3A_111 = arith.muli %add3A_108, %mul3A_110 : i32
        %dma_start3A_112 = arith.constant 0 : i32
        %dma_start3A_113 = tpu.memref_slice %arg10[%sub3A_109, %dma_start3A_112] : memref<2x2560xi32, #tpu.memory_space<vmem>> -> memref<1x2560xi32, #tpu.memory_space<vmem>>
        %dma_start3A_114 = tpu.memref_squeeze %dma_start3A_113 : memref<1x2560xi32, #tpu.memory_space<vmem>> -> memref<2560xi32, #tpu.memory_space<vmem>>
        %dma_start3A_115 = tpu.memref_slice %arg4[%mul3A_111] : memref<640000xi32, #tpu.memory_space<hbm>> -> memref<2560xi32, #tpu.memory_space<hbm>>
        %dma_start3A_116 = tpu.memref_slice %arg22[%sub3A_109] : memref<2x!tpu.dma_semaphore, #tpu.memory_space<semaphore_mem>> -> memref<1x!tpu.dma_semaphore, #tpu.memory_space<semaphore_mem>>
        %dma_start3A_117 = tpu.memref_squeeze %dma_start3A_116 : memref<1x!tpu.dma_semaphore, #tpu.memory_space<semaphore_mem>> -> memref<!tpu.dma_semaphore, #tpu.memory_space<semaphore_mem>>
        %dma_start3A_118 = arith.constant 0 : i32
        %dma_start3A_119 = tpu.memref_slice %arg10[%sub3A_109, %dma_start3A_118] : memref<2x2560xi32, #tpu.memory_space<vmem>> -> memref<1x2560xi32, #tpu.memory_space<vmem>>
        %dma_start3A_120 = tpu.memref_squeeze %dma_start3A_119 : memref<1x2560xi32, #tpu.memory_space<vmem>> -> memref<2560xi32, #tpu.memory_space<vmem>>
        %dma_start3A_121 = tpu.memref_slice %arg4[%mul3A_111] : memref<640000xi32, #tpu.memory_space<hbm>> -> memref<2560xi32, #tpu.memory_space<hbm>>
        tpu.enqueue_dma source(%dma_start3A_121 : memref<2560xi32, #tpu.memory_space<hbm>>) target(%dma_start3A_120 : memref<2560xi32, #tpu.memory_space<vmem>>) target_semaphore(%dma_start3A_117 : memref<!tpu.dma_semaphore, #tpu.memory_space<semaphore_mem>>)
        %dma_start3A_122 = arith.constant 0 : i32
        %dma_start3A_123 = tpu.memref_slice %arg11[%sub3A_109, %dma_start3A_122] : memref<2x2560xi32, #tpu.memory_space<vmem>> -> memref<1x2560xi32, #tpu.memory_space<vmem>>
        %dma_start3A_124 = tpu.memref_squeeze %dma_start3A_123 : memref<1x2560xi32, #tpu.memory_space<vmem>> -> memref<2560xi32, #tpu.memory_space<vmem>>
        %dma_start3A_125 = tpu.memref_slice %arg5[%mul3A_111] : memref<640000xi32, #tpu.memory_space<hbm>> -> memref<2560xi32, #tpu.memory_space<hbm>>
        %dma_start3A_126 = tpu.memref_slice %arg23[%sub3A_109] : memref<2x!tpu.dma_semaphore, #tpu.memory_space<semaphore_mem>> -> memref<1x!tpu.dma_semaphore, #tpu.memory_space<semaphore_mem>>
        %dma_start3A_127 = tpu.memref_squeeze %dma_start3A_126 : memref<1x!tpu.dma_semaphore, #tpu.memory_space<semaphore_mem>> -> memref<!tpu.dma_semaphore, #tpu.memory_space<semaphore_mem>>
        %dma_start3A_128 = arith.constant 0 : i32
        %dma_start3A_129 = tpu.memref_slice %arg11[%sub3A_109, %dma_start3A_128] : memref<2x2560xi32, #tpu.memory_space<vmem>> -> memref<1x2560xi32, #tpu.memory_space<vmem>>
        %dma_start3A_130 = tpu.memref_squeeze %dma_start3A_129 : memref<1x2560xi32, #tpu.memory_space<vmem>> -> memref<2560xi32, #tpu.memory_space<vmem>>
        %dma_start3A_131 = tpu.memref_slice %arg5[%mul3A_111] : memref<640000xi32, #tpu.memory_space<hbm>> -> memref<2560xi32, #tpu.memory_space<hbm>>
        tpu.enqueue_dma source(%dma_start3A_131 : memref<2560xi32, #tpu.memory_space<hbm>>) target(%dma_start3A_130 : memref<2560xi32, #tpu.memory_space<vmem>>) target_semaphore(%dma_start3A_127 : memref<!tpu.dma_semaphore, #tpu.memory_space<semaphore_mem>>)
      } else {
      }
      %scan3A_101 = arith.constant 0 : i32
      %scan3A_102 = arith.constant 160 : i32
      %scan3A_103 = arith.addi %scan3A_101, %scan3A_102 : i32
      %scan3A_104 = arith.constant 1 : i32
      %scan3A_105 = scf.for %scan3A_107 = %scan3A_101 to %scan3A_103 step %scan3A_104 iter_args(%scan3A_108 = %scan3A_69) -> (i32)  : i32 {
        %mul3A_109 = arith.constant 16 : i32
        %mul3A_110 = arith.muli %scan3A_107, %mul3A_109 : i32
        %get3A = arith.index_cast %rem3A_72 : i32 to index
        %get3A_111 = arith.index_cast %mul3A_110 : i32 to index
        %get3A_112 = tpu.vector_load %arg10[%get3A, %get3A_111] {strides = array<i32>} : memref<2x2560xi32, #tpu.memory_space<vmem>>, vector<16xi32>,
        %ge3A = vector.broadcast %mul3A_2 : i32 to vector<16xi32>
        %ge3A_113 = arith.cmpi sge, %get3A_112, %ge3A : vector<16xi32>
        %add3A_114 = arith.constant 320 : i32
        %add3A_115 = arith.addi %mul3A_2, %add3A_114 : i32
        %lt3A_116 = vector.broadcast %add3A_115 : i32 to vector<16xi32>
        %lt3A_117 = arith.cmpi slt, %get3A_112, %lt3A_116 : vector<16xi32>
        %and3A = arith.andi %ge3A_113, %lt3A_117 : vector<16xi1>
        %all_reduce_population_count3A = tpu.all_reduce %and3A {dim = 0 : i64, kind = #tpu.reduction_kind<sum>} : vector<16xi1> -> vector<16xi32>
        %slice3A = vector.extract_strided_slice %all_reduce_population_count3A {offsets = [0], sizes = [1], strides = [1]} : vector<16xi32> to vector<1xi32>
        %squeeze3A = vector.extract %slice3A[0] : i32 from vector<1xi32>
        %gt3A = arith.constant 0 : i32
        %gt3A_118 = arith.cmpi sgt, %squeeze3A, %gt3A : i32
        %convert_element_type3A_119 = arith.extui %gt3A_118 : i1 to i32
        %cond3A_120 = arith.constant 0 : i32
        %cond3A_121 = arith.cmpi ne, %convert_element_type3A_119, %cond3A_120 : i32
        scf.if %cond3A_121 {
          %iota3A = tpu.iota {dimensions = array<i32: 0>} : vector<16xi32>
          %mul3A_129 = arith.constant 16 : i32
          %mul3A_130 = arith.muli %scan3A_107, %mul3A_129 : i32
          %add3A_131 = arith.addi %mul3A_71, %mul3A_130 : i32
          %add3A_132 = vector.broadcast %add3A_131 : i32 to vector<16xi32>
          %add3A_133 = arith.addi %iota3A, %add3A_132 : vector<16xi32>
          %convert_element_type3A_134 = arith.extui %and3A : vector<16xi1> to vector<16xi32>
          %iota3A_135 = tpu.iota {dimensions = array<i32: 0>} : vector<16xi32>
          %sub3A_136 = arith.constant 1 : i32
          %sub3A_137 = vector.broadcast %sub3A_136 : i32 to vector<16xi32>
          %sub3A_138 = arith.subi %iota3A_135, %sub3A_137 : vector<16xi32>
          %max3A = arith.constant 0 : i32
          %max3A_139 = vector.broadcast %max3A : i32 to vector<16xi32>
          %max3A_140 = arith.maxsi %sub3A_138, %max3A_139 : vector<16xi32>
          %broadcast_in_dim3A_141 = vector.shape_cast %max3A_140 : vector<16xi32> to vector<16x1xi32>
          %gather3A = vector.shape_cast %broadcast_in_dim3A_141 : vector<16x1xi32> to vector<16xi32>
          %gather3A_142 = tpu.dynamic_gather %convert_element_type3A_134[%gather3A] in [0] : vector<16xi32>, vector<16xi32> -> vector<16xi32>
          %ge3A_143 = arith.constant 1 : i32
          %ge3A_144 = vector.broadcast %ge3A_143 : i32 to vector<16xi32>
          %ge3A_145 = arith.cmpi sge, %iota3A_135, %ge3A_144 : vector<16xi32>
          %jit3A = arith.constant 0 : i32
          %broadcast_in_dim3A_146 = vector.broadcast %jit3A : i32 to vector<16xi32>
          %select_n3A_147 = arith.select %ge3A_145, %gather3A_142, %broadcast_in_dim3A_146 : vector<16xi1>, vector<16xi32>
          %add3A_148 = arith.addi %convert_element_type3A_134, %select_n3A_147 : vector<16xi32>
          %sub3A_149 = arith.constant 2 : i32
          %sub3A_150 = vector.broadcast %sub3A_149 : i32 to vector<16xi32>
          %sub3A_151 = arith.subi %iota3A_135, %sub3A_150 : vector<16xi32>
          %max3A_152 = arith.constant 0 : i32
          %max3A_153 = vector.broadcast %max3A_152 : i32 to vector<16xi32>
          %max3A_154 = arith.maxsi %sub3A_151, %max3A_153 : vector<16xi32>
          %broadcast_in_dim3A_155 = vector.shape_cast %max3A_154 : vector<16xi32> to vector<16x1xi32>
          %gather3A_156 = vector.shape_cast %broadcast_in_dim3A_155 : vector<16x1xi32> to vector<16xi32>
          %gather3A_157 = tpu.dynamic_gather %add3A_148[%gather3A_156] in [0] : vector<16xi32>, vector<16xi32> -> vector<16xi32>
          %ge3A_158 = arith.constant 2 : i32
          %ge3A_159 = vector.broadcast %ge3A_158 : i32 to vector<16xi32>
          %ge3A_160 = arith.cmpi sge, %iota3A_135, %ge3A_159 : vector<16xi32>
          %jit3A_161 = arith.constant 0 : i32
          %broadcast_in_dim3A_162 = vector.broadcast %jit3A_161 : i32 to vector<16xi32>
          %select_n3A_163 = arith.select %ge3A_160, %gather3A_157, %broadcast_in_dim3A_162 : vector<16xi1>, vector<16xi32>
          %add3A_164 = arith.addi %add3A_148, %select_n3A_163 : vector<16xi32>
          %sub3A_165 = arith.constant 4 : i32
          %sub3A_166 = vector.broadcast %sub3A_165 : i32 to vector<16xi32>
          %sub3A_167 = arith.subi %iota3A_135, %sub3A_166 : vector<16xi32>
          %max3A_168 = arith.constant 0 : i32
          %max3A_169 = vector.broadcast %max3A_168 : i32 to vector<16xi32>
          %max3A_170 = arith.maxsi %sub3A_167, %max3A_169 : vector<16xi32>
          %broadcast_in_dim3A_171 = vector.shape_cast %max3A_170 : vector<16xi32> to vector<16x1xi32>
          %gather3A_172 = vector.shape_cast %broadcast_in_dim3A_171 : vector<16x1xi32> to vector<16xi32>
          %gather3A_173 = tpu.dynamic_gather %add3A_164[%gather3A_172] in [0] : vector<16xi32>, vector<16xi32> -> vector<16xi32>
          %ge3A_174 = arith.constant 4 : i32
          %ge3A_175 = vector.broadcast %ge3A_174 : i32 to vector<16xi32>
          %ge3A_176 = arith.cmpi sge, %iota3A_135, %ge3A_175 : vector<16xi32>
          %jit3A_177 = arith.constant 0 : i32
          %broadcast_in_dim3A_178 = vector.broadcast %jit3A_177 : i32 to vector<16xi32>
          %select_n3A_179 = arith.select %ge3A_176, %gather3A_173, %broadcast_in_dim3A_178 : vector<16xi1>, vector<16xi32>
          %add3A_180 = arith.addi %add3A_164, %select_n3A_179 : vector<16xi32>
          %sub3A_181 = arith.constant 8 : i32
          %sub3A_182 = vector.broadcast %sub3A_181 : i32 to vector<16xi32>
          %sub3A_183 = arith.subi %iota3A_135, %sub3A_182 : vector<16xi32>
          %max3A_184 = arith.constant 0 : i32
          %max3A_185 = vector.broadcast %max3A_184 : i32 to vector<16xi32>
          %max3A_186 = arith.maxsi %sub3A_183, %max3A_185 : vector<16xi32>
          %broadcast_in_dim3A_187 = vector.shape_cast %max3A_186 : vector<16xi32> to vector<16x1xi32>
          %gather3A_188 = vector.shape_cast %broadcast_in_dim3A_187 : vector<16x1xi32> to vector<16xi32>
          %gather3A_189 = tpu.dynamic_gather %add3A_180[%gather3A_188] in [0] : vector<16xi32>, vector<16xi32> -> vector<16xi32>
          %ge3A_190 = arith.constant 8 : i32
          %ge3A_191 = vector.broadcast %ge3A_190 : i32 to vector<16xi32>
          %ge3A_192 = arith.cmpi sge, %iota3A_135, %ge3A_191 : vector<16xi32>
          %jit3A_193 = arith.constant 0 : i32
          %broadcast_in_dim3A_194 = vector.broadcast %jit3A_193 : i32 to vector<16xi32>
          %select_n3A_195 = arith.select %ge3A_192, %gather3A_189, %broadcast_in_dim3A_194 : vector<16xi1>, vector<16xi32>
          %add3A_196 = arith.addi %add3A_180, %select_n3A_195 : vector<16xi32>
          %add3A_197 = vector.broadcast %scan3A_108 : i32 to vector<16xi32>
          %add3A_198 = arith.addi %add3A_197, %add3A_196 : vector<16xi32>
          %sub3A_199 = arith.constant 1 : i32
          %sub3A_200 = vector.broadcast %sub3A_199 : i32 to vector<16xi32>
          %sub3A_201 = arith.subi %add3A_198, %sub3A_200 : vector<16xi32>
          %sub3A_202 = vector.broadcast %mul3A_2 : i32 to vector<16xi32>
          %sub3A_203 = arith.subi %get3A_112, %sub3A_202 : vector<16xi32>
          tpu.vector_store_idx %arg12[%sub3A_201], %sub3A_203 masked %and3A : memref<512xi32, #tpu.memory_space<vmem>>[vector<16xi32>], vector<16xi32>, vector<16xi1>
          %get3A_204 = arith.index_cast %rem3A_72 : i32 to index
          %get3A_205 = arith.index_cast %mul3A_110 : i32 to index
          %get3A_206 = tpu.vector_load %arg11[%get3A_204, %get3A_205] {strides = array<i32>} : memref<2x2560xi32, #tpu.memory_space<vmem>>, vector<16xi32>,
          tpu.vector_store_idx %arg13[%sub3A_201], %get3A_206 masked %and3A : memref<512xi32, #tpu.memory_space<vmem>>[vector<16xi32>], vector<16xi32>, vector<16xi1>
          tpu.vector_store_idx %arg14[%sub3A_201], %add3A_133 masked %and3A : memref<512xi32, #tpu.memory_space<vmem>>[vector<16xi32>], vector<16xi32>, vector<16xi1>
        } else {
        }
        %add3A_122 = arith.addi %scan3A_108, %squeeze3A : i32
        %ge3A_123 = arith.constant 128 : i32
        %ge3A_124 = arith.cmpi sge, %add3A_122, %ge3A_123 : i32
        %convert_element_type3A_125 = arith.extui %ge3A_124 : i1 to i32
        %cond3A_126 = arith.constant 0 : i32
        %cond3A_127 = arith.cmpi ne, %convert_element_type3A_125, %cond3A_126 : i32
        scf.if %cond3A_127 {
          %dma_start3A_129 = arith.constant 0 : i32
          %dma_start3A_130 = tpu.memref_slice %arg13[%dma_start3A_129] : memref<512xi32, #tpu.memory_space<vmem>> -> memref<128xi32, #tpu.memory_space<vmem>>
          %dma_start3A_131 = arith.constant 0 : i32
          %dma_start3A_132 = arith.constant 0 : i32
          %dma_start3A_133 = tpu.memref_slice %arg2[%dma_start3A_131, %dma_start3A_132] : memref<10240x128xf32, #tpu.memory_space<hbm>> -> memref<10240x128xf32, #tpu.memory_space<hbm>>
          tpu.enqueue_indirect_dma source(%dma_start3A_133 : memref<10240x128xf32, #tpu.memory_space<hbm>>) target(%arg16 : memref<128x128xf32, #tpu.memory_space<vmem>>) offsets(%dma_start3A_130 : memref<128xi32, #tpu.memory_space<vmem>>) semaphore(%arg20 : memref<!tpu.dma_semaphore, #tpu.memory_space<semaphore_mem>>)
          %dma_start3A_134 = arith.constant 0 : i32
          %dma_start3A_135 = tpu.memref_slice %arg14[%dma_start3A_134] : memref<512xi32, #tpu.memory_space<vmem>> -> memref<128xi32, #tpu.memory_space<vmem>>
          %dma_start3A_136 = arith.constant 0 : i32
          %dma_start3A_137 = arith.constant 0 : i32
          %dma_start3A_138 = tpu.memref_slice %arg3[%dma_start3A_136, %dma_start3A_137] : memref<640000x128xf32, #tpu.memory_space<hbm>> -> memref<640000x128xf32, #tpu.memory_space<hbm>>
          tpu.enqueue_indirect_dma source(%dma_start3A_138 : memref<640000x128xf32, #tpu.memory_space<hbm>>) target(%arg17 : memref<128x128xf32, #tpu.memory_space<vmem>>) offsets(%dma_start3A_135 : memref<128xi32, #tpu.memory_space<vmem>>) semaphore(%arg21 : memref<!tpu.dma_semaphore, #tpu.memory_space<semaphore_mem>>)
          %dma_wait3A_139 = arith.constant 0 : i32
          %dma_wait3A_140 = tpu.memref_slice %arg13[%dma_wait3A_139] : memref<512xi32, #tpu.memory_space<vmem>> -> memref<128xi32, #tpu.memory_space<vmem>>
          %dma_wait3A_141 = arith.constant 0 : i32
          %dma_wait3A_142 = arith.constant 0 : i32
          %dma_wait3A_143 = tpu.memref_slice %arg2[%dma_wait3A_141, %dma_wait3A_142] : memref<10240x128xf32, #tpu.memory_space<hbm>> -> memref<10240x128xf32, #tpu.memory_space<hbm>>
          tpu.wait_indirect_dma semaphore(%arg20 : memref<!tpu.dma_semaphore, #tpu.memory_space<semaphore_mem>>) src(%dma_wait3A_143 : memref<10240x128xf32, #tpu.memory_space<hbm>>) dst(%arg16 : memref<128x128xf32, #tpu.memory_space<vmem>>)
          %dma_wait3A_144 = arith.constant 0 : i32
          %dma_wait3A_145 = tpu.memref_slice %arg14[%dma_wait3A_144] : memref<512xi32, #tpu.memory_space<vmem>> -> memref<128xi32, #tpu.memory_space<vmem>>
          %dma_wait3A_146 = arith.constant 0 : i32
          %dma_wait3A_147 = arith.constant 0 : i32
          %dma_wait3A_148 = tpu.memref_slice %arg3[%dma_wait3A_146, %dma_wait3A_147] : memref<640000x128xf32, #tpu.memory_space<hbm>> -> memref<640000x128xf32, #tpu.memory_space<hbm>>
          tpu.wait_indirect_dma semaphore(%arg21 : memref<!tpu.dma_semaphore, #tpu.memory_space<semaphore_mem>>) src(%dma_wait3A_148 : memref<640000x128xf32, #tpu.memory_space<hbm>>) dst(%arg17 : memref<128x128xf32, #tpu.memory_space<vmem>>)
          %scan3A_149 = arith.constant 0 : i32
          %scan3A_150 = arith.constant 128 : i32
          %scan3A_151 = arith.constant 0 : i32
          %scan3A_152 = arith.constant 128 : i32
          %scan3A_153 = arith.addi %scan3A_151, %scan3A_152 : i32
          %scan3A_154 = arith.constant 1 : i32
          scf.for %scan3A_162 = %scan3A_151 to %scan3A_153 step %scan3A_154  : i32 {
            %lt3A_163 = arith.cmpi slt, %scan3A_162, %scan3A_150 : i32
            %convert_element_type3A_164 = arith.extui %lt3A_163 : i1 to i32
            %cond3A_165 = arith.constant 0 : i32
            %cond3A_166 = arith.cmpi ne, %convert_element_type3A_164, %cond3A_165 : i32
            scf.if %cond3A_166 {
              %get3A_167 = arith.index_cast %scan3A_162 : i32 to index
              %get3A_168 = tpu.vector_load %arg12[%get3A_167] {strides = array<i32>} : memref<512xi32, #tpu.memory_space<vmem>>, vector<16xi32>,
              %slice3A_169 = vector.extract_strided_slice %get3A_168 {offsets = [0], sizes = [1], strides = [1]} : vector<16xi32> to vector<1xi32>
              %squeeze3A_170 = vector.extract %slice3A_169[0] : i32 from vector<1xi32>
              %broadcast_in_dim3A_171 = vector.broadcast %squeeze3A_170 : i32 to vector<16xi32>
              %broadcast_in_dim3A_172 = arith.constant 1.000000e+00 : f32
              %broadcast_in_dim3A_173 = vector.broadcast %broadcast_in_dim3A_172 : f32 to vector<16xf32>
              %iota3A = tpu.iota {dimensions = array<i32: 0>} : vector<16xi32>
              %eq3A = arith.constant 0 : i32
              %eq3A_174 = vector.broadcast %eq3A : i32 to vector<16xi32>
              %eq3A_175 = arith.cmpi eq, %iota3A, %eq3A_174 : vector<16xi32>
              tpu.vector_store_idx %arg19[%broadcast_in_dim3A_171], %broadcast_in_dim3A_173 masked %eq3A_175 {add = true} : memref<320xf32, #tpu.memory_space<vmem>>[vector<16xi32>], vector<16xf32>, vector<16xi1>
              %get3A_176 = arith.index_cast %scan3A_162 : i32 to index
              %get3A_177 = arith.constant 0 : index
              %get3A_178 = tpu.vector_load %arg16[%get3A_176, %get3A_177] {strides = array<i32>} : memref<128x128xf32, #tpu.memory_space<vmem>>, vector<16xf32>,
              %get3A_179 = arith.index_cast %scan3A_162 : i32 to index
              %get3A_180 = arith.constant 0 : index
              %get3A_181 = tpu.vector_load %arg17[%get3A_179, %get3A_180] {strides = array<i32>} : memref<128x128xf32, #tpu.memory_space<vmem>>, vector<16xf32>,
              %add3A_182 = arith.addf %get3A_178, %get3A_181 : vector<16xf32>
              %swap3A = arith.index_cast %squeeze3A_170 : i32 to index
              %swap3A_183 = arith.constant 0 : index
              %swap3A_184 = tpu.vector_load %arg18[%swap3A, %swap3A_183] {strides = array<i32>} : memref<320x128xf32, #tpu.memory_space<vmem>>, vector<16xf32>,
              tpu.vector_store %arg18[%swap3A, %swap3A_183], %add3A_182 {add = true, strides = array<i32>} : memref<320x128xf32, #tpu.memory_space<vmem>>, vector<16xf32>,
              %get3A_185 = arith.index_cast %scan3A_162 : i32 to index
              %get3A_186 = arith.constant 16 : index
              %get3A_187 = tpu.vector_load %arg16[%get3A_185, %get3A_186] {strides = array<i32>} : memref<128x128xf32, #tpu.memory_space<vmem>>, vector<16xf32>,
              %get3A_188 = arith.index_cast %scan3A_162 : i32 to index
              %get3A_189 = arith.constant 16 : index
              %get3A_190 = tpu.vector_load %arg17[%get3A_188, %get3A_189] {strides = array<i32>} : memref<128x128xf32, #tpu.memory_space<vmem>>, vector<16xf32>,
              %add3A_191 = arith.addf %get3A_187, %get3A_190 : vector<16xf32>
              %swap3A_192 = arith.index_cast %squeeze3A_170 : i32 to index
              %swap3A_193 = arith.constant 16 : index
              %swap3A_194 = tpu.vector_load %arg18[%swap3A_192, %swap3A_193] {strides = array<i32>} : memref<320x128xf32, #tpu.memory_space<vmem>>, vector<16xf32>,
              tpu.vector_store %arg18[%swap3A_192, %swap3A_193], %add3A_191 {add = true, strides = array<i32>} : memref<320x128xf32, #tpu.memory_space<vmem>>, vector<16xf32>,
              %get3A_195 = arith.index_cast %scan3A_162 : i32 to index
              %get3A_196 = arith.constant 32 : index
              %get3A_197 = tpu.vector_load %arg16[%get3A_195, %get3A_196] {strides = array<i32>} : memref<128x128xf32, #tpu.memory_space<vmem>>, vector<16xf32>,
              %get3A_198 = arith.index_cast %scan3A_162 : i32 to index
              %get3A_199 = arith.constant 32 : index
              %get3A_200 = tpu.vector_load %arg17[%get3A_198, %get3A_199] {strides = array<i32>} : memref<128x128xf32, #tpu.memory_space<vmem>>, vector<16xf32>,
              %add3A_201 = arith.addf %get3A_197, %get3A_200 : vector<16xf32>
              %swap3A_202 = arith.index_cast %squeeze3A_170 : i32 to index
              %swap3A_203 = arith.constant 32 : index
              %swap3A_204 = tpu.vector_load %arg18[%swap3A_202, %swap3A_203] {strides = array<i32>} : memref<320x128xf32, #tpu.memory_space<vmem>>, vector<16xf32>,
              tpu.vector_store %arg18[%swap3A_202, %swap3A_203], %add3A_201 {add = true, strides = array<i32>} : memref<320x128xf32, #tpu.memory_space<vmem>>, vector<16xf32>,
              %get3A_205 = arith.index_cast %scan3A_162 : i32 to index
              %get3A_206 = arith.constant 48 : index
              %get3A_207 = tpu.vector_load %arg16[%get3A_205, %get3A_206] {strides = array<i32>} : memref<128x128xf32, #tpu.memory_space<vmem>>, vector<16xf32>,
              %get3A_208 = arith.index_cast %scan3A_162 : i32 to index
              %get3A_209 = arith.constant 48 : index
              %get3A_210 = tpu.vector_load %arg17[%get3A_208, %get3A_209] {strides = array<i32>} : memref<128x128xf32, #tpu.memory_space<vmem>>, vector<16xf32>,
              %add3A_211 = arith.addf %get3A_207, %get3A_210 : vector<16xf32>
              %swap3A_212 = arith.index_cast %squeeze3A_170 : i32 to index
              %swap3A_213 = arith.constant 48 : index
              %swap3A_214 = tpu.vector_load %arg18[%swap3A_212, %swap3A_213] {strides = array<i32>} : memref<320x128xf32, #tpu.memory_space<vmem>>, vector<16xf32>,
              tpu.vector_store %arg18[%swap3A_212, %swap3A_213], %add3A_211 {add = true, strides = array<i32>} : memref<320x128xf32, #tpu.memory_space<vmem>>, vector<16xf32>,
              %get3A_215 = arith.index_cast %scan3A_162 : i32 to index
              %get3A_216 = arith.constant 64 : index
              %get3A_217 = tpu.vector_load %arg16[%get3A_215, %get3A_216] {strides = array<i32>} : memref<128x128xf32, #tpu.memory_space<vmem>>, vector<16xf32>,
              %get3A_218 = arith.index_cast %scan3A_162 : i32 to index
              %get3A_219 = arith.constant 64 : index
              %get3A_220 = tpu.vector_load %arg17[%get3A_218, %get3A_219] {strides = array<i32>} : memref<128x128xf32, #tpu.memory_space<vmem>>, vector<16xf32>,
              %add3A_221 = arith.addf %get3A_217, %get3A_220 : vector<16xf32>
              %swap3A_222 = arith.index_cast %squeeze3A_170 : i32 to index
              %swap3A_223 = arith.constant 64 : index
              %swap3A_224 = tpu.vector_load %arg18[%swap3A_222, %swap3A_223] {strides = array<i32>} : memref<320x128xf32, #tpu.memory_space<vmem>>, vector<16xf32>,
              tpu.vector_store %arg18[%swap3A_222, %swap3A_223], %add3A_221 {add = true, strides = array<i32>} : memref<320x128xf32, #tpu.memory_space<vmem>>, vector<16xf32>,
              %get3A_225 = arith.index_cast %scan3A_162 : i32 to index
              %get3A_226 = arith.constant 80 : index
              %get3A_227 = tpu.vector_load %arg16[%get3A_225, %get3A_226] {strides = array<i32>} : memref<128x128xf32, #tpu.memory_space<vmem>>, vector<16xf32>,
              %get3A_228 = arith.index_cast %scan3A_162 : i32 to index
              %get3A_229 = arith.constant 80 : index
              %get3A_230 = tpu.vector_load %arg17[%get3A_228, %get3A_229] {strides = array<i32>} : memref<128x128xf32, #tpu.memory_space<vmem>>, vector<16xf32>,
              %add3A_231 = arith.addf %get3A_227, %get3A_230 : vector<16xf32>
              %swap3A_232 = arith.index_cast %squeeze3A_170 : i32 to index
              %swap3A_233 = arith.constant 80 : index
              %swap3A_234 = tpu.vector_load %arg18[%swap3A_232, %swap3A_233] {strides = array<i32>} : memref<320x128xf32, #tpu.memory_space<vmem>>, vector<16xf32>,
              tpu.vector_store %arg18[%swap3A_232, %swap3A_233], %add3A_231 {add = true, strides = array<i32>} : memref<320x128xf32, #tpu.memory_space<vmem>>, vector<16xf32>,
              %get3A_235 = arith.index_cast %scan3A_162 : i32 to index
              %get3A_236 = arith.constant 96 : index
              %get3A_237 = tpu.vector_load %arg16[%get3A_235, %get3A_236] {strides = array<i32>} : memref<128x128xf32, #tpu.memory_space<vmem>>, vector<16xf32>,
              %get3A_238 = arith.index_cast %scan3A_162 : i32 to index
              %get3A_239 = arith.constant 96 : index
              %get3A_240 = tpu.vector_load %arg17[%get3A_238, %get3A_239] {strides = array<i32>} : memref<128x128xf32, #tpu.memory_space<vmem>>, vector<16xf32>,
              %add3A_241 = arith.addf %get3A_237, %get3A_240 : vector<16xf32>
              %swap3A_242 = arith.index_cast %squeeze3A_170 : i32 to index
              %swap3A_243 = arith.constant 96 : index
              %swap3A_244 = tpu.vector_load %arg18[%swap3A_242, %swap3A_243] {strides = array<i32>} : memref<320x128xf32, #tpu.memory_space<vmem>>, vector<16xf32>,
              tpu.vector_store %arg18[%swap3A_242, %swap3A_243], %add3A_241 {add = true, strides = array<i32>} : memref<320x128xf32, #tpu.memory_space<vmem>>, vector<16xf32>,
              %get3A_245 = arith.index_cast %scan3A_162 : i32 to index
              %get3A_246 = arith.constant 112 : index
              %get3A_247 = tpu.vector_load %arg16[%get3A_245, %get3A_246] {strides = array<i32>} : memref<128x128xf32, #tpu.memory_space<vmem>>, vector<16xf32>,
              %get3A_248 = arith.index_cast %scan3A_162 : i32 to index
              %get3A_249 = arith.constant 112 : index
              %get3A_250 = tpu.vector_load %arg17[%get3A_248, %get3A_249] {strides = array<i32>} : memref<128x128xf32, #tpu.memory_space<vmem>>, vector<16xf32>,
              %add3A_251 = arith.addf %get3A_247, %get3A_250 : vector<16xf32>
              %swap3A_252 = arith.index_cast %squeeze3A_170 : i32 to index
              %swap3A_253 = arith.constant 112 : index
              %swap3A_254 = tpu.vector_load %arg18[%swap3A_252, %swap3A_253] {strides = array<i32>} : memref<320x128xf32, #tpu.memory_space<vmem>>, vector<16xf32>,
              tpu.vector_store %arg18[%swap3A_252, %swap3A_253], %add3A_251 {add = true, strides = array<i32>} : memref<320x128xf32, #tpu.memory_space<vmem>>, vector<16xf32>,
            } else {
            }
          }
          %scan3A_155 = arith.constant 128 : i32
          %scan3A_156 = arith.constant 0 : i32
          %scan3A_157 = arith.constant 0 : i32
          %scan3A_158 = arith.constant 8 : i32
          %scan3A_159 = arith.addi %scan3A_157, %scan3A_158 : i32
          %scan3A_160 = arith.constant 1 : i32
          scf.for %scan3A_162 = %scan3A_157 to %scan3A_159 step %scan3A_160  : i32 {
            %mul3A_163 = arith.constant 16 : i32
            %mul3A_164 = arith.muli %scan3A_162, %mul3A_163 : i32
            %add3A_165 = arith.constant 128 : i32
            %add3A_166 = arith.addi %add3A_165, %mul3A_164 : i32
            %mul3A_167 = arith.constant 16 : i32
            %mul3A_168 = arith.muli %scan3A_162, %mul3A_167 : i32
            %get3A_169 = arith.index_cast %add3A_166 : i32 to index
            %get3A_170 = tpu.vector_load %arg12[%get3A_169] {strides = array<i32>} : memref<512xi32, #tpu.memory_space<vmem>>, vector<16xi32>,
            %swap3A = arith.index_cast %mul3A_168 : i32 to index
            %swap3A_171 = tpu.vector_load %arg12[%swap3A] {strides = array<i32>} : memref<512xi32, #tpu.memory_space<vmem>>, vector<16xi32>,
            tpu.vector_store %arg12[%swap3A], %get3A_170 {strides = array<i32>} : memref<512xi32, #tpu.memory_space<vmem>>, vector<16xi32>,
            %get3A_172 = arith.index_cast %add3A_166 : i32 to index
            %get3A_173 = tpu.vector_load %arg13[%get3A_172] {strides = array<i32>} : memref<512xi32, #tpu.memory_space<vmem>>, vector<16xi32>,
            %swap3A_174 = arith.index_cast %mul3A_168 : i32 to index
            %swap3A_175 = tpu.vector_load %arg13[%swap3A_174] {strides = array<i32>} : memref<512xi32, #tpu.memory_space<vmem>>, vector<16xi32>,
            tpu.vector_store %arg13[%swap3A_174], %get3A_173 {strides = array<i32>} : memref<512xi32, #tpu.memory_space<vmem>>, vector<16xi32>,
            %get3A_176 = arith.index_cast %add3A_166 : i32 to index
            %get3A_177 = tpu.vector_load %arg14[%get3A_176] {strides = array<i32>} : memref<512xi32, #tpu.memory_space<vmem>>, vector<16xi32>,
            %swap3A_178 = arith.index_cast %mul3A_168 : i32 to index
            %swap3A_179 = tpu.vector_load %arg14[%swap3A_178] {strides = array<i32>} : memref<512xi32, #tpu.memory_space<vmem>>, vector<16xi32>,
            tpu.vector_store %arg14[%swap3A_178], %get3A_177 {strides = array<i32>} : memref<512xi32, #tpu.memory_space<vmem>>, vector<16xi32>,
          }
          %scan3A_161 = arith.constant 8 : i32
        } else {
        }
        %sub3A = arith.constant 128 : i32
        %sub3A_128 = arith.subi %add3A_122, %sub3A : i32
        %select_n3A = arith.select %ge3A_124, %sub3A_128, %add3A_122 : i32
        scf.yield %select_n3A : i32
      }
      %scan3A_106 = arith.constant 160 : i32
      scf.yield %scan3A_105 : i32
    }
    %scan3A_42 = arith.constant 250 : i32
    %dma_start3A_43 = arith.constant 0 : i32
    %dma_start3A_44 = tpu.memref_slice %arg13[%dma_start3A_43] : memref<512xi32, #tpu.memory_space<vmem>> -> memref<128xi32, #tpu.memory_space<vmem>>
    %dma_start3A_45 = arith.constant 0 : i32
    %dma_start3A_46 = arith.constant 0 : i32
    %dma_start3A_47 = tpu.memref_slice %arg2[%dma_start3A_45, %dma_start3A_46] : memref<10240x128xf32, #tpu.memory_space<hbm>> -> memref<10240x128xf32, #tpu.memory_space<hbm>>
    tpu.enqueue_indirect_dma source(%dma_start3A_47 : memref<10240x128xf32, #tpu.memory_space<hbm>>) target(%arg16 : memref<128x128xf32, #tpu.memory_space<vmem>>) offsets(%dma_start3A_44 : memref<128xi32, #tpu.memory_space<vmem>>) semaphore(%arg20 : memref<!tpu.dma_semaphore, #tpu.memory_space<semaphore_mem>>)
    %dma_start3A_48 = arith.constant 0 : i32
    %dma_start3A_49 = tpu.memref_slice %arg14[%dma_start3A_48] : memref<512xi32, #tpu.memory_space<vmem>> -> memref<128xi32, #tpu.memory_space<vmem>>
    %dma_start3A_50 = arith.constant 0 : i32
    %dma_start3A_51 = arith.constant 0 : i32
    %dma_start3A_52 = tpu.memref_slice %arg3[%dma_start3A_50, %dma_start3A_51] : memref<640000x128xf32, #tpu.memory_space<hbm>> -> memref<640000x128xf32, #tpu.memory_space<hbm>>
    tpu.enqueue_indirect_dma source(%dma_start3A_52 : memref<640000x128xf32, #tpu.memory_space<hbm>>) target(%arg17 : memref<128x128xf32, #tpu.memory_space<vmem>>) offsets(%dma_start3A_49 : memref<128xi32, #tpu.memory_space<vmem>>) semaphore(%arg21 : memref<!tpu.dma_semaphore, #tpu.memory_space<semaphore_mem>>)
    %dma_wait3A = arith.constant 0 : i32
    %dma_wait3A_53 = tpu.memref_slice %arg13[%dma_wait3A] : memref<512xi32, #tpu.memory_space<vmem>> -> memref<128xi32, #tpu.memory_space<vmem>>
    %dma_wait3A_54 = arith.constant 0 : i32
    %dma_wait3A_55 = arith.constant 0 : i32
    %dma_wait3A_56 = tpu.memref_slice %arg2[%dma_wait3A_54, %dma_wait3A_55] : memref<10240x128xf32, #tpu.memory_space<hbm>> -> memref<10240x128xf32, #tpu.memory_space<hbm>>
    tpu.wait_indirect_dma semaphore(%arg20 : memref<!tpu.dma_semaphore, #tpu.memory_space<semaphore_mem>>) src(%dma_wait3A_56 : memref<10240x128xf32, #tpu.memory_space<hbm>>) dst(%arg16 : memref<128x128xf32, #tpu.memory_space<vmem>>)
    %dma_wait3A_57 = arith.constant 0 : i32
    %dma_wait3A_58 = tpu.memref_slice %arg14[%dma_wait3A_57] : memref<512xi32, #tpu.memory_space<vmem>> -> memref<128xi32, #tpu.memory_space<vmem>>
    %dma_wait3A_59 = arith.constant 0 : i32
    %dma_wait3A_60 = arith.constant 0 : i32
    %dma_wait3A_61 = tpu.memref_slice %arg3[%dma_wait3A_59, %dma_wait3A_60] : memref<640000x128xf32, #tpu.memory_space<hbm>> -> memref<640000x128xf32, #tpu.memory_space<hbm>>
    tpu.wait_indirect_dma semaphore(%arg21 : memref<!tpu.dma_semaphore, #tpu.memory_space<semaphore_mem>>) src(%dma_wait3A_61 : memref<640000x128xf32, #tpu.memory_space<hbm>>) dst(%arg17 : memref<128x128xf32, #tpu.memory_space<vmem>>)
    %scan3A_62 = arith.constant 0 : i32
    %scan3A_63 = arith.constant 0 : i32
    %scan3A_64 = arith.constant 128 : i32
    %scan3A_65 = arith.addi %scan3A_63, %scan3A_64 : i32
    %scan3A_66 = arith.constant 1 : i32
    scf.for %scan3A_68 = %scan3A_63 to %scan3A_65 step %scan3A_66  : i32 {
      %lt3A = arith.cmpi slt, %scan3A_68, %scan3A_41 : i32
      %convert_element_type3A = arith.extui %lt3A : i1 to i32
      %cond3A = arith.constant 0 : i32
      %cond3A_69 = arith.cmpi ne, %convert_element_type3A, %cond3A : i32
      scf.if %cond3A_69 {
        %get3A = arith.index_cast %scan3A_68 : i32 to index
        %get3A_70 = tpu.vector_load %arg12[%get3A] {strides = array<i32>} : memref<512xi32, #tpu.memory_space<vmem>>, vector<16xi32>,
        %slice3A = vector.extract_strided_slice %get3A_70 {offsets = [0], sizes = [1], strides = [1]} : vector<16xi32> to vector<1xi32>
        %squeeze3A = vector.extract %slice3A[0] : i32 from vector<1xi32>
        %broadcast_in_dim3A_71 = vector.broadcast %squeeze3A : i32 to vector<16xi32>
        %broadcast_in_dim3A_72 = arith.constant 1.000000e+00 : f32
        %broadcast_in_dim3A_73 = vector.broadcast %broadcast_in_dim3A_72 : f32 to vector<16xf32>
        %iota3A = tpu.iota {dimensions = array<i32: 0>} : vector<16xi32>
        %eq3A = arith.constant 0 : i32
        %eq3A_74 = vector.broadcast %eq3A : i32 to vector<16xi32>
        %eq3A_75 = arith.cmpi eq, %iota3A, %eq3A_74 : vector<16xi32>
        tpu.vector_store_idx %arg19[%broadcast_in_dim3A_71], %broadcast_in_dim3A_73 masked %eq3A_75 {add = true} : memref<320xf32, #tpu.memory_space<vmem>>[vector<16xi32>], vector<16xf32>, vector<16xi1>
        %get3A_76 = arith.index_cast %scan3A_68 : i32 to index
        %get3A_77 = arith.constant 0 : index
        %get3A_78 = tpu.vector_load %arg16[%get3A_76, %get3A_77] {strides = array<i32>} : memref<128x128xf32, #tpu.memory_space<vmem>>, vector<16xf32>,
        %get3A_79 = arith.index_cast %scan3A_68 : i32 to index
        %get3A_80 = arith.constant 0 : index
        %get3A_81 = tpu.vector_load %arg17[%get3A_79, %get3A_80] {strides = array<i32>} : memref<128x128xf32, #tpu.memory_space<vmem>>, vector<16xf32>,
        %add3A_82 = arith.addf %get3A_78, %get3A_81 : vector<16xf32>
        %swap3A = arith.index_cast %squeeze3A : i32 to index
        %swap3A_83 = arith.constant 0 : index
        %swap3A_84 = tpu.vector_load %arg18[%swap3A, %swap3A_83] {strides = array<i32>} : memref<320x128xf32, #tpu.memory_space<vmem>>, vector<16xf32>,
        tpu.vector_store %arg18[%swap3A, %swap3A_83], %add3A_82 {add = true, strides = array<i32>} : memref<320x128xf32, #tpu.memory_space<vmem>>, vector<16xf32>,
        %get3A_85 = arith.index_cast %scan3A_68 : i32 to index
        %get3A_86 = arith.constant 16 : index
        %get3A_87 = tpu.vector_load %arg16[%get3A_85, %get3A_86] {strides = array<i32>} : memref<128x128xf32, #tpu.memory_space<vmem>>, vector<16xf32>,
        %get3A_88 = arith.index_cast %scan3A_68 : i32 to index
        %get3A_89 = arith.constant 16 : index
        %get3A_90 = tpu.vector_load %arg17[%get3A_88, %get3A_89] {strides = array<i32>} : memref<128x128xf32, #tpu.memory_space<vmem>>, vector<16xf32>,
        %add3A_91 = arith.addf %get3A_87, %get3A_90 : vector<16xf32>
        %swap3A_92 = arith.index_cast %squeeze3A : i32 to index
        %swap3A_93 = arith.constant 16 : index
        %swap3A_94 = tpu.vector_load %arg18[%swap3A_92, %swap3A_93] {strides = array<i32>} : memref<320x128xf32, #tpu.memory_space<vmem>>, vector<16xf32>,
        tpu.vector_store %arg18[%swap3A_92, %swap3A_93], %add3A_91 {add = true, strides = array<i32>} : memref<320x128xf32, #tpu.memory_space<vmem>>, vector<16xf32>,
        %get3A_95 = arith.index_cast %scan3A_68 : i32 to index
        %get3A_96 = arith.constant 32 : index
        %get3A_97 = tpu.vector_load %arg16[%get3A_95, %get3A_96] {strides = array<i32>} : memref<128x128xf32, #tpu.memory_space<vmem>>, vector<16xf32>,
        %get3A_98 = arith.index_cast %scan3A_68 : i32 to index
        %get3A_99 = arith.constant 32 : index
        %get3A_100 = tpu.vector_load %arg17[%get3A_98, %get3A_99] {strides = array<i32>} : memref<128x128xf32, #tpu.memory_space<vmem>>, vector<16xf32>,
        %add3A_101 = arith.addf %get3A_97, %get3A_100 : vector<16xf32>
        %swap3A_102 = arith.index_cast %squeeze3A : i32 to index
        %swap3A_103 = arith.constant 32 : index
        %swap3A_104 = tpu.vector_load %arg18[%swap3A_102, %swap3A_103] {strides = array<i32>} : memref<320x128xf32, #tpu.memory_space<vmem>>, vector<16xf32>,
        tpu.vector_store %arg18[%swap3A_102, %swap3A_103], %add3A_101 {add = true, strides = array<i32>} : memref<320x128xf32, #tpu.memory_space<vmem>>, vector<16xf32>,
        %get3A_105 = arith.index_cast %scan3A_68 : i32 to index
        %get3A_106 = arith.constant 48 : index
        %get3A_107 = tpu.vector_load %arg16[%get3A_105, %get3A_106] {strides = array<i32>} : memref<128x128xf32, #tpu.memory_space<vmem>>, vector<16xf32>,
        %get3A_108 = arith.index_cast %scan3A_68 : i32 to index
        %get3A_109 = arith.constant 48 : index
        %get3A_110 = tpu.vector_load %arg17[%get3A_108, %get3A_109] {strides = array<i32>} : memref<128x128xf32, #tpu.memory_space<vmem>>, vector<16xf32>,
        %add3A_111 = arith.addf %get3A_107, %get3A_110 : vector<16xf32>
        %swap3A_112 = arith.index_cast %squeeze3A : i32 to index
        %swap3A_113 = arith.constant 48 : index
        %swap3A_114 = tpu.vector_load %arg18[%swap3A_112, %swap3A_113] {strides = array<i32>} : memref<320x128xf32, #tpu.memory_space<vmem>>, vector<16xf32>,
        tpu.vector_store %arg18[%swap3A_112, %swap3A_113], %add3A_111 {add = true, strides = array<i32>} : memref<320x128xf32, #tpu.memory_space<vmem>>, vector<16xf32>,
        %get3A_115 = arith.index_cast %scan3A_68 : i32 to index
        %get3A_116 = arith.constant 64 : index
        %get3A_117 = tpu.vector_load %arg16[%get3A_115, %get3A_116] {strides = array<i32>} : memref<128x128xf32, #tpu.memory_space<vmem>>, vector<16xf32>,
        %get3A_118 = arith.index_cast %scan3A_68 : i32 to index
        %get3A_119 = arith.constant 64 : index
        %get3A_120 = tpu.vector_load %arg17[%get3A_118, %get3A_119] {strides = array<i32>} : memref<128x128xf32, #tpu.memory_space<vmem>>, vector<16xf32>,
        %add3A_121 = arith.addf %get3A_117, %get3A_120 : vector<16xf32>
        %swap3A_122 = arith.index_cast %squeeze3A : i32 to index
        %swap3A_123 = arith.constant 64 : index
        %swap3A_124 = tpu.vector_load %arg18[%swap3A_122, %swap3A_123] {strides = array<i32>} : memref<320x128xf32, #tpu.memory_space<vmem>>, vector<16xf32>,
        tpu.vector_store %arg18[%swap3A_122, %swap3A_123], %add3A_121 {add = true, strides = array<i32>} : memref<320x128xf32, #tpu.memory_space<vmem>>, vector<16xf32>,
        %get3A_125 = arith.index_cast %scan3A_68 : i32 to index
        %get3A_126 = arith.constant 80 : index
        %get3A_127 = tpu.vector_load %arg16[%get3A_125, %get3A_126] {strides = array<i32>} : memref<128x128xf32, #tpu.memory_space<vmem>>, vector<16xf32>,
        %get3A_128 = arith.index_cast %scan3A_68 : i32 to index
        %get3A_129 = arith.constant 80 : index
        %get3A_130 = tpu.vector_load %arg17[%get3A_128, %get3A_129] {strides = array<i32>} : memref<128x128xf32, #tpu.memory_space<vmem>>, vector<16xf32>,
        %add3A_131 = arith.addf %get3A_127, %get3A_130 : vector<16xf32>
        %swap3A_132 = arith.index_cast %squeeze3A : i32 to index
        %swap3A_133 = arith.constant 80 : index
        %swap3A_134 = tpu.vector_load %arg18[%swap3A_132, %swap3A_133] {strides = array<i32>} : memref<320x128xf32, #tpu.memory_space<vmem>>, vector<16xf32>,
        tpu.vector_store %arg18[%swap3A_132, %swap3A_133], %add3A_131 {add = true, strides = array<i32>} : memref<320x128xf32, #tpu.memory_space<vmem>>, vector<16xf32>,
        %get3A_135 = arith.index_cast %scan3A_68 : i32 to index
        %get3A_136 = arith.constant 96 : index
        %get3A_137 = tpu.vector_load %arg16[%get3A_135, %get3A_136] {strides = array<i32>} : memref<128x128xf32, #tpu.memory_space<vmem>>, vector<16xf32>,
        %get3A_138 = arith.index_cast %scan3A_68 : i32 to index
        %get3A_139 = arith.constant 96 : index
        %get3A_140 = tpu.vector_load %arg17[%get3A_138, %get3A_139] {strides = array<i32>} : memref<128x128xf32, #tpu.memory_space<vmem>>, vector<16xf32>,
        %add3A_141 = arith.addf %get3A_137, %get3A_140 : vector<16xf32>
        %swap3A_142 = arith.index_cast %squeeze3A : i32 to index
        %swap3A_143 = arith.constant 96 : index
        %swap3A_144 = tpu.vector_load %arg18[%swap3A_142, %swap3A_143] {strides = array<i32>} : memref<320x128xf32, #tpu.memory_space<vmem>>, vector<16xf32>,
        tpu.vector_store %arg18[%swap3A_142, %swap3A_143], %add3A_141 {add = true, strides = array<i32>} : memref<320x128xf32, #tpu.memory_space<vmem>>, vector<16xf32>,
        %get3A_145 = arith.index_cast %scan3A_68 : i32 to index
        %get3A_146 = arith.constant 112 : index
        %get3A_147 = tpu.vector_load %arg16[%get3A_145, %get3A_146] {strides = array<i32>} : memref<128x128xf32, #tpu.memory_space<vmem>>, vector<16xf32>,
        %get3A_148 = arith.index_cast %scan3A_68 : i32 to index
        %get3A_149 = arith.constant 112 : index
        %get3A_150 = tpu.vector_load %arg17[%get3A_148, %get3A_149] {strides = array<i32>} : memref<128x128xf32, #tpu.memory_space<vmem>>, vector<16xf32>,
        %add3A_151 = arith.addf %get3A_147, %get3A_150 : vector<16xf32>
        %swap3A_152 = arith.index_cast %squeeze3A : i32 to index
        %swap3A_153 = arith.constant 112 : index
        %swap3A_154 = tpu.vector_load %arg18[%swap3A_152, %swap3A_153] {strides = array<i32>} : memref<320x128xf32, #tpu.memory_space<vmem>>, vector<16xf32>,
        tpu.vector_store %arg18[%swap3A_152, %swap3A_153], %add3A_151 {add = true, strides = array<i32>} : memref<320x128xf32, #tpu.memory_space<vmem>>, vector<16xf32>,
      } else {
      }
    }
    %scan3A_67 = arith.constant 128 : i32
    "tpu.region"() ({
      %run_scoped3A = tpu.sem_alloc : memref<!tpu.dma_semaphore, #tpu.memory_space<semaphore_mem>>
      %dma_start3A_68 = arith.constant 0 : i32
      %dma_start3A_69 = tpu.memref_slice %arg8[%mul3A_2, %dma_start3A_68] : memref<10240x128xf32, #tpu.memory_space<hbm>> -> memref<320x128xf32, #tpu.memory_space<hbm>>
      %dma_start3A_70 = arith.constant 0 : i32
      %dma_start3A_71 = tpu.memref_slice %arg8[%mul3A_2, %dma_start3A_70] : memref<10240x128xf32, #tpu.memory_space<hbm>> -> memref<320x128xf32, #tpu.memory_space<hbm>>
      tpu.enqueue_dma source(%arg18 : memref<320x128xf32, #tpu.memory_space<vmem>>) target(%dma_start3A_71 : memref<320x128xf32, #tpu.memory_space<hbm>>) target_semaphore(%run_scoped3A : memref<!tpu.dma_semaphore, #tpu.memory_space<semaphore_mem>>)
      %dma_wait3A_72 = arith.constant 0 : i32
      %dma_wait3A_73 = tpu.memref_slice %arg8[%mul3A_2, %dma_wait3A_72] : memref<10240x128xf32, #tpu.memory_space<hbm>> -> memref<320x128xf32, #tpu.memory_space<hbm>>
      %dma_wait3A_74 = arith.constant 0 : i32
      %dma_wait3A_75 = tpu.memref_slice %arg8[%mul3A_2, %dma_wait3A_74] : memref<10240x128xf32, #tpu.memory_space<hbm>> -> memref<320x128xf32, #tpu.memory_space<hbm>>
      tpu.wait_dma2 semaphore(%run_scoped3A : memref<!tpu.dma_semaphore, #tpu.memory_space<semaphore_mem>>) src(%arg18 : memref<320x128xf32, #tpu.memory_space<vmem>>) dst(%dma_wait3A_75 : memref<320x128xf32, #tpu.memory_space<hbm>>)
      tpu.yield
    }) : () -> ()
    "tpu.region"() ({
      %run_scoped3A = tpu.sem_alloc : memref<!tpu.dma_semaphore, #tpu.memory_space<semaphore_mem>>
      %dma_start3A_68 = tpu.memref_slice %arg9[%mul3A_2] : memref<10240xf32, #tpu.memory_space<hbm>> -> memref<320xf32, #tpu.memory_space<hbm>>
      %dma_start3A_69 = tpu.memref_slice %arg9[%mul3A_2] : memref<10240xf32, #tpu.memory_space<hbm>> -> memref<320xf32, #tpu.memory_space<hbm>>
      tpu.enqueue_dma source(%arg19 : memref<320xf32, #tpu.memory_space<vmem>>) target(%dma_start3A_69 : memref<320xf32, #tpu.memory_space<hbm>>) target_semaphore(%run_scoped3A : memref<!tpu.dma_semaphore, #tpu.memory_space<semaphore_mem>>)
      %dma_wait3A_70 = tpu.memref_slice %arg9[%mul3A_2] : memref<10240xf32, #tpu.memory_space<hbm>> -> memref<320xf32, #tpu.memory_space<hbm>>
      %dma_wait3A_71 = tpu.memref_slice %arg9[%mul3A_2] : memref<10240xf32, #tpu.memory_space<hbm>> -> memref<320xf32, #tpu.memory_space<hbm>>
      tpu.wait_dma2 semaphore(%run_scoped3A : memref<!tpu.dma_semaphore, #tpu.memory_space<semaphore_mem>>) src(%arg19 : memref<320xf32, #tpu.memory_space<vmem>>) dst(%dma_wait3A_71 : memref<320xf32, #tpu.memory_space<hbm>>)
      tpu.yield
    }) : () -> ()
    return
  }
}

#map = affine_map<(d0, d1) -> (0, 0)>
#map1 = affine_map<(d0, d1) -> (0)>
module attributes {stable_mosaic.version = 14 : i64} {
  func.func @_sc_fold_body(%arg0: i32, %arg1: i32, %arg2: memref<10240x128xf32, #tpu.memory_space<hbm>>, %arg3: memref<640000x128xf32, #tpu.memory_space<hbm>>, %arg4: memref<640000xi32, #tpu.memory_space<hbm>>, %arg5: memref<640000xi32, #tpu.memory_space<hbm>>, %arg6: memref<320x128xf32, #tpu.memory_space<hbm>>, %arg7: memref<320xf32, #tpu.memory_space<hbm>>, %arg8: memref<10240x128xf32, #tpu.memory_space<hbm>>, %arg9: memref<10240xf32, #tpu.memory_space<hbm>>, %arg10: memref<2x2560xi32, #tpu.memory_space<vmem>>, %arg11: memref<2x2560xi32, #tpu.memory_space<vmem>>, %arg12: memref<512xi32, #tpu.memory_space<vmem>>, %arg13: memref<512xi32, #tpu.memory_space<vmem>>, %arg14: memref<512xi32, #tpu.memory_space<vmem>>, %arg15: memref<16xi32, #tpu.memory_space<vmem>>, %arg16: memref<128x128xf32, #tpu.memory_space<vmem>>, %arg17: memref<128x128xf32, #tpu.memory_space<vmem>>, %arg18: memref<320x128xf32, #tpu.memory_space<vmem>>, %arg19: memref<320xf32, #tpu.memory_space<vmem>>, %arg20: memref<!tpu.dma_semaphore, #tpu.memory_space<semaphore_mem>>, %arg21: memref<!tpu.dma_semaphore, #tpu.memory_space<semaphore_mem>>, %arg22: memref<2x!tpu.dma_semaphore, #tpu.memory_space<semaphore_mem>>, %arg23: memref<2x!tpu.dma_semaphore, #tpu.memory_space<semaphore_mem>>) attributes {dimension_semantics = [#tpu.dimension_semantics<core_parallel>, #tpu.dimension_semantics<subcore_parallel>], iteration_bounds = array<i64: 2, 16>, scalar_prefetch = 0 : i64, scratch_operands = 14 : i64, tpu.core_type = #tpu.core_type<sc_vector_subcore>, window_params = [{transform_indices = #map}, {transform_indices = #map}, {transform_indices = #map1}, {transform_indices = #map1}, {transform_indices = #map}, {transform_indices = #map1}, {transform_indices = #map}, {transform_indices = #map1}]} {
    %mul3A = arith.constant 2 : i32
    %mul3A_0 = arith.muli %arg1, %mul3A : i32
    %add3A = arith.addi %mul3A_0, %arg0 : i32
    %mul3A_1 = arith.constant 320 : i32
    %mul3A_2 = arith.muli %add3A, %mul3A_1 : i32
    "tpu.region"() ({
      %run_scoped3A = tpu.sem_alloc : memref<!tpu.dma_semaphore, #tpu.memory_space<semaphore_mem>>
      tpu.enqueue_dma source(%arg6 : memref<320x128xf32, #tpu.memory_space<hbm>>) target(%arg18 : memref<320x128xf32, #tpu.memory_space<vmem>>) target_semaphore(%run_scoped3A : memref<!tpu.dma_semaphore, #tpu.memory_space<semaphore_mem>>)
      tpu.wait_dma2 semaphore(%run_scoped3A : memref<!tpu.dma_semaphore, #tpu.memory_space<semaphore_mem>>) src(%arg6 : memref<320x128xf32, #tpu.memory_space<hbm>>) dst(%arg18 : memref<320x128xf32, #tpu.memory_space<vmem>>)
      tpu.yield
    }) : () -> ()
    "tpu.region"() ({
      %run_scoped3A = tpu.sem_alloc : memref<!tpu.dma_semaphore, #tpu.memory_space<semaphore_mem>>
      tpu.enqueue_dma source(%arg7 : memref<320xf32, #tpu.memory_space<hbm>>) target(%arg19 : memref<320xf32, #tpu.memory_space<vmem>>) target_semaphore(%run_scoped3A : memref<!tpu.dma_semaphore, #tpu.memory_space<semaphore_mem>>)
      tpu.wait_dma2 semaphore(%run_scoped3A : memref<!tpu.dma_semaphore, #tpu.memory_space<semaphore_mem>>) src(%arg7 : memref<320xf32, #tpu.memory_space<hbm>>) dst(%arg19 : memref<320xf32, #tpu.memory_space<vmem>>)
      tpu.yield
    }) : () -> ()
    %broadcast_in_dim3A = arith.constant 0 : i32
    %broadcast_in_dim3A_3 = vector.broadcast %broadcast_in_dim3A : i32 to vector<16xi32>
    %scan3A = arith.constant 0 : i32
    %scan3A_4 = arith.constant 0 : i32
    %scan3A_5 = arith.constant 32 : i32
    %scan3A_6 = arith.addi %scan3A_4, %scan3A_5 : i32
    %scan3A_7 = arith.constant 1 : i32
    scf.for %scan3A_68 = %scan3A_4 to %scan3A_6 step %scan3A_7  : i32 {
      %mul3A_69 = arith.constant 16 : i32
      %mul3A_70 = arith.muli %scan3A_68, %mul3A_69 : i32
      %swap3A = arith.index_cast %mul3A_70 : i32 to index
      %swap3A_71 = tpu.vector_load %arg13[%swap3A] {strides = array<i32>} : memref<512xi32, #tpu.memory_space<vmem>>, vector<16xi32>,
      tpu.vector_store %arg13[%swap3A], %broadcast_in_dim3A_3 {strides = array<i32>} : memref<512xi32, #tpu.memory_space<vmem>>, vector<16xi32>,
      %mul3A_72 = arith.constant 16 : i32
      %mul3A_73 = arith.muli %scan3A_68, %mul3A_72 : i32
      %swap3A_74 = arith.index_cast %mul3A_73 : i32 to index
      %swap3A_75 = tpu.vector_load %arg14[%swap3A_74] {strides = array<i32>} : memref<512xi32, #tpu.memory_space<vmem>>, vector<16xi32>,
      tpu.vector_store %arg14[%swap3A_74], %broadcast_in_dim3A_3 {strides = array<i32>} : memref<512xi32, #tpu.memory_space<vmem>>, vector<16xi32>,
    }
    %scan3A_8 = arith.constant 32 : i32
    %dma_start3A = arith.constant 0 : i32
    %dma_start3A_9 = arith.constant 0 : i32
    %dma_start3A_10 = arith.constant 0 : i32
    %dma_start3A_11 = tpu.memref_slice %arg10[%dma_start3A, %dma_start3A_10] : memref<2x2560xi32, #tpu.memory_space<vmem>> -> memref<1x2560xi32, #tpu.memory_space<vmem>>
    %dma_start3A_12 = tpu.memref_squeeze %dma_start3A_11 : memref<1x2560xi32, #tpu.memory_space<vmem>> -> memref<2560xi32, #tpu.memory_space<vmem>>
    %dma_start3A_13 = arith.constant 0 : i32
    %dma_start3A_14 = tpu.memref_slice %arg4[%dma_start3A_13] : memref<640000xi32, #tpu.memory_space<hbm>> -> memref<2560xi32, #tpu.memory_space<hbm>>
    %dma_start3A_15 = tpu.memref_slice %arg22[%dma_start3A_9] : memref<2x!tpu.dma_semaphore, #tpu.memory_space<semaphore_mem>> -> memref<1x!tpu.dma_semaphore, #tpu.memory_space<semaphore_mem>>
    %dma_start3A_16 = tpu.memref_squeeze %dma_start3A_15 : memref<1x!tpu.dma_semaphore, #tpu.memory_space<semaphore_mem>> -> memref<!tpu.dma_semaphore, #tpu.memory_space<semaphore_mem>>
    %dma_start3A_17 = arith.constant 0 : i32
    %dma_start3A_18 = tpu.memref_slice %arg10[%dma_start3A, %dma_start3A_17] : memref<2x2560xi32, #tpu.memory_space<vmem>> -> memref<1x2560xi32, #tpu.memory_space<vmem>>
    %dma_start3A_19 = tpu.memref_squeeze %dma_start3A_18 : memref<1x2560xi32, #tpu.memory_space<vmem>> -> memref<2560xi32, #tpu.memory_space<vmem>>
    %dma_start3A_20 = arith.constant 0 : i32
    %dma_start3A_21 = tpu.memref_slice %arg4[%dma_start3A_20] : memref<640000xi32, #tpu.memory_space<hbm>> -> memref<2560xi32, #tpu.memory_space<hbm>>
    tpu.enqueue_dma source(%dma_start3A_21 : memref<2560xi32, #tpu.memory_space<hbm>>) target(%dma_start3A_19 : memref<2560xi32, #tpu.memory_space<vmem>>) target_semaphore(%dma_start3A_16 : memref<!tpu.dma_semaphore, #tpu.memory_space<semaphore_mem>>)
    %dma_start3A_22 = arith.constant 0 : i32
    %dma_start3A_23 = arith.constant 0 : i32
    %dma_start3A_24 = arith.constant 0 : i32
    %dma_start3A_25 = tpu.memref_slice %arg11[%dma_start3A_22, %dma_start3A_24] : memref<2x2560xi32, #tpu.memory_space<vmem>> -> memref<1x2560xi32, #tpu.memory_space<vmem>>
    %dma_start3A_26 = tpu.memref_squeeze %dma_start3A_25 : memref<1x2560xi32, #tpu.memory_space<vmem>> -> memref<2560xi32, #tpu.memory_space<vmem>>
    %dma_start3A_27 = arith.constant 0 : i32
    %dma_start3A_28 = tpu.memref_slice %arg5[%dma_start3A_27] : memref<640000xi32, #tpu.memory_space<hbm>> -> memref<2560xi32, #tpu.memory_space<hbm>>
    %dma_start3A_29 = tpu.memref_slice %arg23[%dma_start3A_23] : memref<2x!tpu.dma_semaphore, #tpu.memory_space<semaphore_mem>> -> memref<1x!tpu.dma_semaphore, #tpu.memory_space<semaphore_mem>>
    %dma_start3A_30 = tpu.memref_squeeze %dma_start3A_29 : memref<1x!tpu.dma_semaphore, #tpu.memory_space<semaphore_mem>> -> memref<!tpu.dma_semaphore, #tpu.memory_space<semaphore_mem>>
    %dma_start3A_31 = arith.constant 0 : i32
    %dma_start3A_32 = tpu.memref_slice %arg11[%dma_start3A_22, %dma_start3A_31] : memref<2x2560xi32, #tpu.memory_space<vmem>> -> memref<1x2560xi32, #tpu.memory_space<vmem>>
    %dma_start3A_33 = tpu.memref_squeeze %dma_start3A_32 : memref<1x2560xi32, #tpu.memory_space<vmem>> -> memref<2560xi32, #tpu.memory_space<vmem>>
    %dma_start3A_34 = arith.constant 0 : i32
    %dma_start3A_35 = tpu.memref_slice %arg5[%dma_start3A_34] : memref<640000xi32, #tpu.memory_space<hbm>> -> memref<2560xi32, #tpu.memory_space<hbm>>
    tpu.enqueue_dma source(%dma_start3A_35 : memref<2560xi32, #tpu.memory_space<hbm>>) target(%dma_start3A_33 : memref<2560xi32, #tpu.memory_space<vmem>>) target_semaphore(%dma_start3A_30 : memref<!tpu.dma_semaphore, #tpu.memory_space<semaphore_mem>>)
    %scan3A_36 = arith.constant 0 : i32
    %scan3A_37 = arith.constant 0 : i32
    %scan3A_38 = arith.constant 250 : i32
    %scan3A_39 = arith.addi %scan3A_37, %scan3A_38 : i32
    %scan3A_40 = arith.constant 1 : i32
    %scan3A_41 = scf.for %scan3A_68 = %scan3A_37 to %scan3A_39 step %scan3A_40 iter_args(%scan3A_69 = %scan3A_36) -> (i32)  : i32 {
      %mul3A_70 = arith.constant 2560 : i32
      %mul3A_71 = arith.muli %scan3A_68, %mul3A_70 : i32
      %rem3A = arith.constant 2 : i32
      %rem3A_72 = arith.remsi %scan3A_68, %rem3A : i32
      %dma_wait3A_73 = arith.constant 0 : i32
      %dma_wait3A_74 = tpu.memref_slice %arg10[%rem3A_72, %dma_wait3A_73] : memref<2x2560xi32, #tpu.memory_space<vmem>> -> memref<1x2560xi32, #tpu.memory_space<vmem>>
      %dma_wait3A_75 = tpu.memref_squeeze %dma_wait3A_74 : memref<1x2560xi32, #tpu.memory_space<vmem>> -> memref<2560xi32, #tpu.memory_space<vmem>>
      %dma_wait3A_76 = arith.constant 0 : i32
      %dma_wait3A_77 = tpu.memref_slice %arg4[%dma_wait3A_76] : memref<640000xi32, #tpu.memory_space<hbm>> -> memref<2560xi32, #tpu.memory_space<hbm>>
      %dma_wait3A_78 = tpu.memref_slice %arg22[%rem3A_72] : memref<2x!tpu.dma_semaphore, #tpu.memory_space<semaphore_mem>> -> memref<1x!tpu.dma_semaphore, #tpu.memory_space<semaphore_mem>>
      %dma_wait3A_79 = tpu.memref_squeeze %dma_wait3A_78 : memref<1x!tpu.dma_semaphore, #tpu.memory_space<semaphore_mem>> -> memref<!tpu.dma_semaphore, #tpu.memory_space<semaphore_mem>>
      %dma_wait3A_80 = arith.constant 0 : i32
      %dma_wait3A_81 = tpu.memref_slice %arg10[%rem3A_72, %dma_wait3A_80] : memref<2x2560xi32, #tpu.memory_space<vmem>> -> memref<1x2560xi32, #tpu.memory_space<vmem>>
      %dma_wait3A_82 = tpu.memref_squeeze %dma_wait3A_81 : memref<1x2560xi32, #tpu.memory_space<vmem>> -> memref<2560xi32, #tpu.memory_space<vmem>>
      %dma_wait3A_83 = arith.constant 0 : i32
      %dma_wait3A_84 = tpu.memref_slice %arg4[%dma_wait3A_83] : memref<640000xi32, #tpu.memory_space<hbm>> -> memref<2560xi32, #tpu.memory_space<hbm>>
      tpu.wait_dma2 semaphore(%dma_wait3A_79 : memref<!tpu.dma_semaphore, #tpu.memory_space<semaphore_mem>>) src(%dma_wait3A_84 : memref<2560xi32, #tpu.memory_space<hbm>>) dst(%dma_wait3A_82 : memref<2560xi32, #tpu.memory_space<vmem>>)
      %dma_wait3A_85 = arith.constant 0 : i32
      %dma_wait3A_86 = tpu.memref_slice %arg11[%rem3A_72, %dma_wait3A_85] : memref<2x2560xi32, #tpu.memory_space<vmem>> -> memref<1x2560xi32, #tpu.memory_space<vmem>>
      %dma_wait3A_87 = tpu.memref_squeeze %dma_wait3A_86 : memref<1x2560xi32, #tpu.memory_space<vmem>> -> memref<2560xi32, #tpu.memory_space<vmem>>
      %dma_wait3A_88 = arith.constant 0 : i32
      %dma_wait3A_89 = tpu.memref_slice %arg5[%dma_wait3A_88] : memref<640000xi32, #tpu.memory_space<hbm>> -> memref<2560xi32, #tpu.memory_space<hbm>>
      %dma_wait3A_90 = tpu.memref_slice %arg23[%rem3A_72] : memref<2x!tpu.dma_semaphore, #tpu.memory_space<semaphore_mem>> -> memref<1x!tpu.dma_semaphore, #tpu.memory_space<semaphore_mem>>
      %dma_wait3A_91 = tpu.memref_squeeze %dma_wait3A_90 : memref<1x!tpu.dma_semaphore, #tpu.memory_space<semaphore_mem>> -> memref<!tpu.dma_semaphore, #tpu.memory_space<semaphore_mem>>
      %dma_wait3A_92 = arith.constant 0 : i32
      %dma_wait3A_93 = tpu.memref_slice %arg11[%rem3A_72, %dma_wait3A_92] : memref<2x2560xi32, #tpu.memory_space<vmem>> -> memref<1x2560xi32, #tpu.memory_space<vmem>>
      %dma_wait3A_94 = tpu.memref_squeeze %dma_wait3A_93 : memref<1x2560xi32, #tpu.memory_space<vmem>> -> memref<2560xi32, #tpu.memory_space<vmem>>
      %dma_wait3A_95 = arith.constant 0 : i32
      %dma_wait3A_96 = tpu.memref_slice %arg5[%dma_wait3A_95] : memref<640000xi32, #tpu.memory_space<hbm>> -> memref<2560xi32, #tpu.memory_space<hbm>>
      tpu.wait_dma2 semaphore(%dma_wait3A_91 : memref<!tpu.dma_semaphore, #tpu.memory_space<semaphore_mem>>) src(%dma_wait3A_96 : memref<2560xi32, #tpu.memory_space<hbm>>) dst(%dma_wait3A_94 : memref<2560xi32, #tpu.memory_space<vmem>>)
      %add3A_97 = arith.constant 1 : i32
      %add3A_98 = arith.addi %scan3A_68, %add3A_97 : i32
      %lt3A = arith.constant 250 : i32
      %lt3A_99 = arith.cmpi slt, %add3A_98, %lt3A : i32
      %convert_element_type3A = arith.extui %lt3A_99 : i1 to i32
      %cond3A = arith.constant 0 : i32
      %cond3A_100 = arith.cmpi ne, %convert_element_type3A, %cond3A : i32
      scf.if %cond3A_100 {
        %add3A_107 = arith.constant 1 : i32
        %add3A_108 = arith.addi %scan3A_68, %add3A_107 : i32
        %sub3A = arith.constant 1 : i32
        %sub3A_109 = arith.subi %sub3A, %rem3A_72 : i32
        %mul3A_110 = arith.constant 2560 : i32
        %mul3A_111 = arith.muli %add3A_108, %mul3A_110 : i32
        %dma_start3A_112 = arith.constant 0 : i32
        %dma_start3A_113 = tpu.memref_slice %arg10[%sub3A_109, %dma_start3A_112] : memref<2x2560xi32, #tpu.memory_space<vmem>> -> memref<1x2560xi32, #tpu.memory_space<vmem>>
        %dma_start3A_114 = tpu.memref_squeeze %dma_start3A_113 : memref<1x2560xi32, #tpu.memory_space<vmem>> -> memref<2560xi32, #tpu.memory_space<vmem>>
        %dma_start3A_115 = tpu.memref_slice %arg4[%mul3A_111] : memref<640000xi32, #tpu.memory_space<hbm>> -> memref<2560xi32, #tpu.memory_space<hbm>>
        %dma_start3A_116 = tpu.memref_slice %arg22[%sub3A_109] : memref<2x!tpu.dma_semaphore, #tpu.memory_space<semaphore_mem>> -> memref<1x!tpu.dma_semaphore, #tpu.memory_space<semaphore_mem>>
        %dma_start3A_117 = tpu.memref_squeeze %dma_start3A_116 : memref<1x!tpu.dma_semaphore, #tpu.memory_space<semaphore_mem>> -> memref<!tpu.dma_semaphore, #tpu.memory_space<semaphore_mem>>
        %dma_start3A_118 = arith.constant 0 : i32
        %dma_start3A_119 = tpu.memref_slice %arg10[%sub3A_109, %dma_start3A_118] : memref<2x2560xi32, #tpu.memory_space<vmem>> -> memref<1x2560xi32, #tpu.memory_space<vmem>>
        %dma_start3A_120 = tpu.memref_squeeze %dma_start3A_119 : memref<1x2560xi32, #tpu.memory_space<vmem>> -> memref<2560xi32, #tpu.memory_space<vmem>>
        %dma_start3A_121 = tpu.memref_slice %arg4[%mul3A_111] : memref<640000xi32, #tpu.memory_space<hbm>> -> memref<2560xi32, #tpu.memory_space<hbm>>
        tpu.enqueue_dma source(%dma_start3A_121 : memref<2560xi32, #tpu.memory_space<hbm>>) target(%dma_start3A_120 : memref<2560xi32, #tpu.memory_space<vmem>>) target_semaphore(%dma_start3A_117 : memref<!tpu.dma_semaphore, #tpu.memory_space<semaphore_mem>>)
        %dma_start3A_122 = arith.constant 0 : i32
        %dma_start3A_123 = tpu.memref_slice %arg11[%sub3A_109, %dma_start3A_122] : memref<2x2560xi32, #tpu.memory_space<vmem>> -> memref<1x2560xi32, #tpu.memory_space<vmem>>
        %dma_start3A_124 = tpu.memref_squeeze %dma_start3A_123 : memref<1x2560xi32, #tpu.memory_space<vmem>> -> memref<2560xi32, #tpu.memory_space<vmem>>
        %dma_start3A_125 = tpu.memref_slice %arg5[%mul3A_111] : memref<640000xi32, #tpu.memory_space<hbm>> -> memref<2560xi32, #tpu.memory_space<hbm>>
        %dma_start3A_126 = tpu.memref_slice %arg23[%sub3A_109] : memref<2x!tpu.dma_semaphore, #tpu.memory_space<semaphore_mem>> -> memref<1x!tpu.dma_semaphore, #tpu.memory_space<semaphore_mem>>
        %dma_start3A_127 = tpu.memref_squeeze %dma_start3A_126 : memref<1x!tpu.dma_semaphore, #tpu.memory_space<semaphore_mem>> -> memref<!tpu.dma_semaphore, #tpu.memory_space<semaphore_mem>>
        %dma_start3A_128 = arith.constant 0 : i32
        %dma_start3A_129 = tpu.memref_slice %arg11[%sub3A_109, %dma_start3A_128] : memref<2x2560xi32, #tpu.memory_space<vmem>> -> memref<1x2560xi32, #tpu.memory_space<vmem>>
        %dma_start3A_130 = tpu.memref_squeeze %dma_start3A_129 : memref<1x2560xi32, #tpu.memory_space<vmem>> -> memref<2560xi32, #tpu.memory_space<vmem>>
        %dma_start3A_131 = tpu.memref_slice %arg5[%mul3A_111] : memref<640000xi32, #tpu.memory_space<hbm>> -> memref<2560xi32, #tpu.memory_space<hbm>>
        tpu.enqueue_dma source(%dma_start3A_131 : memref<2560xi32, #tpu.memory_space<hbm>>) target(%dma_start3A_130 : memref<2560xi32, #tpu.memory_space<vmem>>) target_semaphore(%dma_start3A_127 : memref<!tpu.dma_semaphore, #tpu.memory_space<semaphore_mem>>)
      } else {
      }
      %scan3A_101 = arith.constant 0 : i32
      %scan3A_102 = arith.constant 160 : i32
      %scan3A_103 = arith.addi %scan3A_101, %scan3A_102 : i32
      %scan3A_104 = arith.constant 1 : i32
      %scan3A_105 = scf.for %scan3A_107 = %scan3A_101 to %scan3A_103 step %scan3A_104 iter_args(%scan3A_108 = %scan3A_69) -> (i32)  : i32 {
        %mul3A_109 = arith.constant 16 : i32
        %mul3A_110 = arith.muli %scan3A_107, %mul3A_109 : i32
        %get3A = arith.index_cast %rem3A_72 : i32 to index
        %get3A_111 = arith.index_cast %mul3A_110 : i32 to index
        %get3A_112 = tpu.vector_load %arg10[%get3A, %get3A_111] {strides = array<i32>} : memref<2x2560xi32, #tpu.memory_space<vmem>>, vector<16xi32>,
        %ge3A = vector.broadcast %mul3A_2 : i32 to vector<16xi32>
        %ge3A_113 = arith.cmpi sge, %get3A_112, %ge3A : vector<16xi32>
        %add3A_114 = arith.constant 320 : i32
        %add3A_115 = arith.addi %mul3A_2, %add3A_114 : i32
        %lt3A_116 = vector.broadcast %add3A_115 : i32 to vector<16xi32>
        %lt3A_117 = arith.cmpi slt, %get3A_112, %lt3A_116 : vector<16xi32>
        %and3A = arith.andi %ge3A_113, %lt3A_117 : vector<16xi1>
        %all_reduce_population_count3A = tpu.all_reduce %and3A {dim = 0 : i64, kind = #tpu.reduction_kind<sum>} : vector<16xi1> -> vector<16xi32>
        %slice3A = vector.extract_strided_slice %all_reduce_population_count3A {offsets = [0], sizes = [1], strides = [1]} : vector<16xi32> to vector<1xi32>
        %squeeze3A = vector.extract %slice3A[0] : i32 from vector<1xi32>
        %gt3A = arith.constant 0 : i32
        %gt3A_118 = arith.cmpi sgt, %squeeze3A, %gt3A : i32
        %convert_element_type3A_119 = arith.extui %gt3A_118 : i1 to i32
        %cond3A_120 = arith.constant 0 : i32
        %cond3A_121 = arith.cmpi ne, %convert_element_type3A_119, %cond3A_120 : i32
        scf.if %cond3A_121 {
          %iota3A = tpu.iota {dimensions = array<i32: 0>} : vector<16xi32>
          %mul3A_129 = arith.constant 16 : i32
          %mul3A_130 = arith.muli %scan3A_107, %mul3A_129 : i32
          %add3A_131 = arith.addi %mul3A_71, %mul3A_130 : i32
          %add3A_132 = vector.broadcast %add3A_131 : i32 to vector<16xi32>
          %add3A_133 = arith.addi %iota3A, %add3A_132 : vector<16xi32>
          %convert_element_type3A_134 = arith.extui %and3A : vector<16xi1> to vector<16xi32>
          %iota3A_135 = tpu.iota {dimensions = array<i32: 0>} : vector<16xi32>
          %sub3A_136 = arith.constant 1 : i32
          %sub3A_137 = vector.broadcast %sub3A_136 : i32 to vector<16xi32>
          %sub3A_138 = arith.subi %iota3A_135, %sub3A_137 : vector<16xi32>
          %max3A = arith.constant 0 : i32
          %max3A_139 = vector.broadcast %max3A : i32 to vector<16xi32>
          %max3A_140 = arith.maxsi %sub3A_138, %max3A_139 : vector<16xi32>
          %broadcast_in_dim3A_141 = vector.shape_cast %max3A_140 : vector<16xi32> to vector<16x1xi32>
          %gather3A = vector.shape_cast %broadcast_in_dim3A_141 : vector<16x1xi32> to vector<16xi32>
          %gather3A_142 = tpu.dynamic_gather %convert_element_type3A_134[%gather3A] in [0] : vector<16xi32>, vector<16xi32> -> vector<16xi32>
          %ge3A_143 = arith.constant 1 : i32
          %ge3A_144 = vector.broadcast %ge3A_143 : i32 to vector<16xi32>
          %ge3A_145 = arith.cmpi sge, %iota3A_135, %ge3A_144 : vector<16xi32>
          %jit3A = arith.constant 0 : i32
          %broadcast_in_dim3A_146 = vector.broadcast %jit3A : i32 to vector<16xi32>
          %select_n3A_147 = arith.select %ge3A_145, %gather3A_142, %broadcast_in_dim3A_146 : vector<16xi1>, vector<16xi32>
          %add3A_148 = arith.addi %convert_element_type3A_134, %select_n3A_147 : vector<16xi32>
          %sub3A_149 = arith.constant 2 : i32
          %sub3A_150 = vector.broadcast %sub3A_149 : i32 to vector<16xi32>
          %sub3A_151 = arith.subi %iota3A_135, %sub3A_150 : vector<16xi32>
          %max3A_152 = arith.constant 0 : i32
          %max3A_153 = vector.broadcast %max3A_152 : i32 to vector<16xi32>
          %max3A_154 = arith.maxsi %sub3A_151, %max3A_153 : vector<16xi32>
          %broadcast_in_dim3A_155 = vector.shape_cast %max3A_154 : vector<16xi32> to vector<16x1xi32>
          %gather3A_156 = vector.shape_cast %broadcast_in_dim3A_155 : vector<16x1xi32> to vector<16xi32>
          %gather3A_157 = tpu.dynamic_gather %add3A_148[%gather3A_156] in [0] : vector<16xi32>, vector<16xi32> -> vector<16xi32>
          %ge3A_158 = arith.constant 2 : i32
          %ge3A_159 = vector.broadcast %ge3A_158 : i32 to vector<16xi32>
          %ge3A_160 = arith.cmpi sge, %iota3A_135, %ge3A_159 : vector<16xi32>
          %jit3A_161 = arith.constant 0 : i32
          %broadcast_in_dim3A_162 = vector.broadcast %jit3A_161 : i32 to vector<16xi32>
          %select_n3A_163 = arith.select %ge3A_160, %gather3A_157, %broadcast_in_dim3A_162 : vector<16xi1>, vector<16xi32>
          %add3A_164 = arith.addi %add3A_148, %select_n3A_163 : vector<16xi32>
          %sub3A_165 = arith.constant 4 : i32
          %sub3A_166 = vector.broadcast %sub3A_165 : i32 to vector<16xi32>
          %sub3A_167 = arith.subi %iota3A_135, %sub3A_166 : vector<16xi32>
          %max3A_168 = arith.constant 0 : i32
          %max3A_169 = vector.broadcast %max3A_168 : i32 to vector<16xi32>
          %max3A_170 = arith.maxsi %sub3A_167, %max3A_169 : vector<16xi32>
          %broadcast_in_dim3A_171 = vector.shape_cast %max3A_170 : vector<16xi32> to vector<16x1xi32>
          %gather3A_172 = vector.shape_cast %broadcast_in_dim3A_171 : vector<16x1xi32> to vector<16xi32>
          %gather3A_173 = tpu.dynamic_gather %add3A_164[%gather3A_172] in [0] : vector<16xi32>, vector<16xi32> -> vector<16xi32>
          %ge3A_174 = arith.constant 4 : i32
          %ge3A_175 = vector.broadcast %ge3A_174 : i32 to vector<16xi32>
          %ge3A_176 = arith.cmpi sge, %iota3A_135, %ge3A_175 : vector<16xi32>
          %jit3A_177 = arith.constant 0 : i32
          %broadcast_in_dim3A_178 = vector.broadcast %jit3A_177 : i32 to vector<16xi32>
          %select_n3A_179 = arith.select %ge3A_176, %gather3A_173, %broadcast_in_dim3A_178 : vector<16xi1>, vector<16xi32>
          %add3A_180 = arith.addi %add3A_164, %select_n3A_179 : vector<16xi32>
          %sub3A_181 = arith.constant 8 : i32
          %sub3A_182 = vector.broadcast %sub3A_181 : i32 to vector<16xi32>
          %sub3A_183 = arith.subi %iota3A_135, %sub3A_182 : vector<16xi32>
          %max3A_184 = arith.constant 0 : i32
          %max3A_185 = vector.broadcast %max3A_184 : i32 to vector<16xi32>
          %max3A_186 = arith.maxsi %sub3A_183, %max3A_185 : vector<16xi32>
          %broadcast_in_dim3A_187 = vector.shape_cast %max3A_186 : vector<16xi32> to vector<16x1xi32>
          %gather3A_188 = vector.shape_cast %broadcast_in_dim3A_187 : vector<16x1xi32> to vector<16xi32>
          %gather3A_189 = tpu.dynamic_gather %add3A_180[%gather3A_188] in [0] : vector<16xi32>, vector<16xi32> -> vector<16xi32>
          %ge3A_190 = arith.constant 8 : i32
          %ge3A_191 = vector.broadcast %ge3A_190 : i32 to vector<16xi32>
          %ge3A_192 = arith.cmpi sge, %iota3A_135, %ge3A_191 : vector<16xi32>
          %jit3A_193 = arith.constant 0 : i32
          %broadcast_in_dim3A_194 = vector.broadcast %jit3A_193 : i32 to vector<16xi32>
          %select_n3A_195 = arith.select %ge3A_192, %gather3A_189, %broadcast_in_dim3A_194 : vector<16xi1>, vector<16xi32>
          %add3A_196 = arith.addi %add3A_180, %select_n3A_195 : vector<16xi32>
          %add3A_197 = vector.broadcast %scan3A_108 : i32 to vector<16xi32>
          %add3A_198 = arith.addi %add3A_197, %add3A_196 : vector<16xi32>
          %sub3A_199 = arith.constant 1 : i32
          %sub3A_200 = vector.broadcast %sub3A_199 : i32 to vector<16xi32>
          %sub3A_201 = arith.subi %add3A_198, %sub3A_200 : vector<16xi32>
          %sub3A_202 = vector.broadcast %mul3A_2 : i32 to vector<16xi32>
          %sub3A_203 = arith.subi %get3A_112, %sub3A_202 : vector<16xi32>
          tpu.vector_store_idx %arg12[%sub3A_201], %sub3A_203 masked %and3A : memref<512xi32, #tpu.memory_space<vmem>>[vector<16xi32>], vector<16xi32>, vector<16xi1>
          %get3A_204 = arith.index_cast %rem3A_72 : i32 to index
          %get3A_205 = arith.index_cast %mul3A_110 : i32 to index
          %get3A_206 = tpu.vector_load %arg11[%get3A_204, %get3A_205] {strides = array<i32>} : memref<2x2560xi32, #tpu.memory_space<vmem>>, vector<16xi32>,
          tpu.vector_store_idx %arg13[%sub3A_201], %get3A_206 masked %and3A : memref<512xi32, #tpu.memory_space<vmem>>[vector<16xi32>], vector<16xi32>, vector<16xi1>
          tpu.vector_store_idx %arg14[%sub3A_201], %add3A_133 masked %and3A : memref<512xi32, #tpu.memory_space<vmem>>[vector<16xi32>], vector<16xi32>, vector<16xi1>
        } else {
        }
        %add3A_122 = arith.addi %scan3A_108, %squeeze3A : i32
        %ge3A_123 = arith.constant 128 : i32
        %ge3A_124 = arith.cmpi sge, %add3A_122, %ge3A_123 : i32
        %convert_element_type3A_125 = arith.extui %ge3A_124 : i1 to i32
        %cond3A_126 = arith.constant 0 : i32
        %cond3A_127 = arith.cmpi ne, %convert_element_type3A_125, %cond3A_126 : i32
        scf.if %cond3A_127 {
          %dma_start3A_129 = arith.constant 0 : i32
          %dma_start3A_130 = tpu.memref_slice %arg13[%dma_start3A_129] : memref<512xi32, #tpu.memory_space<vmem>> -> memref<128xi32, #tpu.memory_space<vmem>>
          %dma_start3A_131 = arith.constant 0 : i32
          %dma_start3A_132 = arith.constant 0 : i32
          %dma_start3A_133 = tpu.memref_slice %arg2[%dma_start3A_131, %dma_start3A_132] : memref<10240x128xf32, #tpu.memory_space<hbm>> -> memref<10240x128xf32, #tpu.memory_space<hbm>>
          tpu.enqueue_indirect_dma source(%dma_start3A_133 : memref<10240x128xf32, #tpu.memory_space<hbm>>) target(%arg16 : memref<128x128xf32, #tpu.memory_space<vmem>>) offsets(%dma_start3A_130 : memref<128xi32, #tpu.memory_space<vmem>>) semaphore(%arg20 : memref<!tpu.dma_semaphore, #tpu.memory_space<semaphore_mem>>)
          %dma_start3A_134 = arith.constant 0 : i32
          %dma_start3A_135 = tpu.memref_slice %arg14[%dma_start3A_134] : memref<512xi32, #tpu.memory_space<vmem>> -> memref<128xi32, #tpu.memory_space<vmem>>
          %dma_start3A_136 = arith.constant 0 : i32
          %dma_start3A_137 = arith.constant 0 : i32
          %dma_start3A_138 = tpu.memref_slice %arg3[%dma_start3A_136, %dma_start3A_137] : memref<640000x128xf32, #tpu.memory_space<hbm>> -> memref<640000x128xf32, #tpu.memory_space<hbm>>
          tpu.enqueue_indirect_dma source(%dma_start3A_138 : memref<640000x128xf32, #tpu.memory_space<hbm>>) target(%arg17 : memref<128x128xf32, #tpu.memory_space<vmem>>) offsets(%dma_start3A_135 : memref<128xi32, #tpu.memory_space<vmem>>) semaphore(%arg21 : memref<!tpu.dma_semaphore, #tpu.memory_space<semaphore_mem>>)
          %dma_wait3A_139 = arith.constant 0 : i32
          %dma_wait3A_140 = tpu.memref_slice %arg13[%dma_wait3A_139] : memref<512xi32, #tpu.memory_space<vmem>> -> memref<128xi32, #tpu.memory_space<vmem>>
          %dma_wait3A_141 = arith.constant 0 : i32
          %dma_wait3A_142 = arith.constant 0 : i32
          %dma_wait3A_143 = tpu.memref_slice %arg2[%dma_wait3A_141, %dma_wait3A_142] : memref<10240x128xf32, #tpu.memory_space<hbm>> -> memref<10240x128xf32, #tpu.memory_space<hbm>>
          tpu.wait_indirect_dma semaphore(%arg20 : memref<!tpu.dma_semaphore, #tpu.memory_space<semaphore_mem>>) src(%dma_wait3A_143 : memref<10240x128xf32, #tpu.memory_space<hbm>>) dst(%arg16 : memref<128x128xf32, #tpu.memory_space<vmem>>)
          %dma_wait3A_144 = arith.constant 0 : i32
          %dma_wait3A_145 = tpu.memref_slice %arg14[%dma_wait3A_144] : memref<512xi32, #tpu.memory_space<vmem>> -> memref<128xi32, #tpu.memory_space<vmem>>
          %dma_wait3A_146 = arith.constant 0 : i32
          %dma_wait3A_147 = arith.constant 0 : i32
          %dma_wait3A_148 = tpu.memref_slice %arg3[%dma_wait3A_146, %dma_wait3A_147] : memref<640000x128xf32, #tpu.memory_space<hbm>> -> memref<640000x128xf32, #tpu.memory_space<hbm>>
          tpu.wait_indirect_dma semaphore(%arg21 : memref<!tpu.dma_semaphore, #tpu.memory_space<semaphore_mem>>) src(%dma_wait3A_148 : memref<640000x128xf32, #tpu.memory_space<hbm>>) dst(%arg17 : memref<128x128xf32, #tpu.memory_space<vmem>>)
          %scan3A_149 = arith.constant 0 : i32
          %scan3A_150 = arith.constant 128 : i32
          %scan3A_151 = arith.constant 0 : i32
          %scan3A_152 = arith.constant 128 : i32
          %scan3A_153 = arith.addi %scan3A_151, %scan3A_152 : i32
          %scan3A_154 = arith.constant 1 : i32
          scf.for %scan3A_162 = %scan3A_151 to %scan3A_153 step %scan3A_154  : i32 {
            %lt3A_163 = arith.cmpi slt, %scan3A_162, %scan3A_150 : i32
            %convert_element_type3A_164 = arith.extui %lt3A_163 : i1 to i32
            %cond3A_165 = arith.constant 0 : i32
            %cond3A_166 = arith.cmpi ne, %convert_element_type3A_164, %cond3A_165 : i32
            scf.if %cond3A_166 {
              %get3A_167 = arith.index_cast %scan3A_162 : i32 to index
              %get3A_168 = tpu.vector_load %arg12[%get3A_167] {strides = array<i32>} : memref<512xi32, #tpu.memory_space<vmem>>, vector<16xi32>,
              %slice3A_169 = vector.extract_strided_slice %get3A_168 {offsets = [0], sizes = [1], strides = [1]} : vector<16xi32> to vector<1xi32>
              %squeeze3A_170 = vector.extract %slice3A_169[0] : i32 from vector<1xi32>
              %broadcast_in_dim3A_171 = vector.broadcast %squeeze3A_170 : i32 to vector<16xi32>
              %broadcast_in_dim3A_172 = arith.constant 1.000000e+00 : f32
              %broadcast_in_dim3A_173 = vector.broadcast %broadcast_in_dim3A_172 : f32 to vector<16xf32>
              %iota3A = tpu.iota {dimensions = array<i32: 0>} : vector<16xi32>
              %eq3A = arith.constant 0 : i32
              %eq3A_174 = vector.broadcast %eq3A : i32 to vector<16xi32>
              %eq3A_175 = arith.cmpi eq, %iota3A, %eq3A_174 : vector<16xi32>
              tpu.vector_store_idx %arg19[%broadcast_in_dim3A_171], %broadcast_in_dim3A_173 masked %eq3A_175 {add = true} : memref<320xf32, #tpu.memory_space<vmem>>[vector<16xi32>], vector<16xf32>, vector<16xi1>
              %get3A_176 = arith.index_cast %scan3A_162 : i32 to index
              %get3A_177 = arith.constant 0 : index
              %get3A_178 = tpu.vector_load %arg16[%get3A_176, %get3A_177] {strides = array<i32>} : memref<128x128xf32, #tpu.memory_space<vmem>>, vector<16xf32>,
              %get3A_179 = arith.index_cast %scan3A_162 : i32 to index
              %get3A_180 = arith.constant 0 : index
              %get3A_181 = tpu.vector_load %arg17[%get3A_179, %get3A_180] {strides = array<i32>} : memref<128x128xf32, #tpu.memory_space<vmem>>, vector<16xf32>,
              %add3A_182 = arith.addf %get3A_178, %get3A_181 : vector<16xf32>
              %swap3A = arith.index_cast %squeeze3A_170 : i32 to index
              %swap3A_183 = arith.constant 0 : index
              %swap3A_184 = tpu.vector_load %arg18[%swap3A, %swap3A_183] {strides = array<i32>} : memref<320x128xf32, #tpu.memory_space<vmem>>, vector<16xf32>,
              tpu.vector_store %arg18[%swap3A, %swap3A_183], %add3A_182 {add = true, strides = array<i32>} : memref<320x128xf32, #tpu.memory_space<vmem>>, vector<16xf32>,
              %get3A_185 = arith.index_cast %scan3A_162 : i32 to index
              %get3A_186 = arith.constant 16 : index
              %get3A_187 = tpu.vector_load %arg16[%get3A_185, %get3A_186] {strides = array<i32>} : memref<128x128xf32, #tpu.memory_space<vmem>>, vector<16xf32>,
              %get3A_188 = arith.index_cast %scan3A_162 : i32 to index
              %get3A_189 = arith.constant 16 : index
              %get3A_190 = tpu.vector_load %arg17[%get3A_188, %get3A_189] {strides = array<i32>} : memref<128x128xf32, #tpu.memory_space<vmem>>, vector<16xf32>,
              %add3A_191 = arith.addf %get3A_187, %get3A_190 : vector<16xf32>
              %swap3A_192 = arith.index_cast %squeeze3A_170 : i32 to index
              %swap3A_193 = arith.constant 16 : index
              %swap3A_194 = tpu.vector_load %arg18[%swap3A_192, %swap3A_193] {strides = array<i32>} : memref<320x128xf32, #tpu.memory_space<vmem>>, vector<16xf32>,
              tpu.vector_store %arg18[%swap3A_192, %swap3A_193], %add3A_191 {add = true, strides = array<i32>} : memref<320x128xf32, #tpu.memory_space<vmem>>, vector<16xf32>,
              %get3A_195 = arith.index_cast %scan3A_162 : i32 to index
              %get3A_196 = arith.constant 32 : index
              %get3A_197 = tpu.vector_load %arg16[%get3A_195, %get3A_196] {strides = array<i32>} : memref<128x128xf32, #tpu.memory_space<vmem>>, vector<16xf32>,
              %get3A_198 = arith.index_cast %scan3A_162 : i32 to index
              %get3A_199 = arith.constant 32 : index
              %get3A_200 = tpu.vector_load %arg17[%get3A_198, %get3A_199] {strides = array<i32>} : memref<128x128xf32, #tpu.memory_space<vmem>>, vector<16xf32>,
              %add3A_201 = arith.addf %get3A_197, %get3A_200 : vector<16xf32>
              %swap3A_202 = arith.index_cast %squeeze3A_170 : i32 to index
              %swap3A_203 = arith.constant 32 : index
              %swap3A_204 = tpu.vector_load %arg18[%swap3A_202, %swap3A_203] {strides = array<i32>} : memref<320x128xf32, #tpu.memory_space<vmem>>, vector<16xf32>,
              tpu.vector_store %arg18[%swap3A_202, %swap3A_203], %add3A_201 {add = true, strides = array<i32>} : memref<320x128xf32, #tpu.memory_space<vmem>>, vector<16xf32>,
              %get3A_205 = arith.index_cast %scan3A_162 : i32 to index
              %get3A_206 = arith.constant 48 : index
              %get3A_207 = tpu.vector_load %arg16[%get3A_205, %get3A_206] {strides = array<i32>} : memref<128x128xf32, #tpu.memory_space<vmem>>, vector<16xf32>,
              %get3A_208 = arith.index_cast %scan3A_162 : i32 to index
              %get3A_209 = arith.constant 48 : index
              %get3A_210 = tpu.vector_load %arg17[%get3A_208, %get3A_209] {strides = array<i32>} : memref<128x128xf32, #tpu.memory_space<vmem>>, vector<16xf32>,
              %add3A_211 = arith.addf %get3A_207, %get3A_210 : vector<16xf32>
              %swap3A_212 = arith.index_cast %squeeze3A_170 : i32 to index
              %swap3A_213 = arith.constant 48 : index
              %swap3A_214 = tpu.vector_load %arg18[%swap3A_212, %swap3A_213] {strides = array<i32>} : memref<320x128xf32, #tpu.memory_space<vmem>>, vector<16xf32>,
              tpu.vector_store %arg18[%swap3A_212, %swap3A_213], %add3A_211 {add = true, strides = array<i32>} : memref<320x128xf32, #tpu.memory_space<vmem>>, vector<16xf32>,
              %get3A_215 = arith.index_cast %scan3A_162 : i32 to index
              %get3A_216 = arith.constant 64 : index
              %get3A_217 = tpu.vector_load %arg16[%get3A_215, %get3A_216] {strides = array<i32>} : memref<128x128xf32, #tpu.memory_space<vmem>>, vector<16xf32>,
              %get3A_218 = arith.index_cast %scan3A_162 : i32 to index
              %get3A_219 = arith.constant 64 : index
              %get3A_220 = tpu.vector_load %arg17[%get3A_218, %get3A_219] {strides = array<i32>} : memref<128x128xf32, #tpu.memory_space<vmem>>, vector<16xf32>,
              %add3A_221 = arith.addf %get3A_217, %get3A_220 : vector<16xf32>
              %swap3A_222 = arith.index_cast %squeeze3A_170 : i32 to index
              %swap3A_223 = arith.constant 64 : index
              %swap3A_224 = tpu.vector_load %arg18[%swap3A_222, %swap3A_223] {strides = array<i32>} : memref<320x128xf32, #tpu.memory_space<vmem>>, vector<16xf32>,
              tpu.vector_store %arg18[%swap3A_222, %swap3A_223], %add3A_221 {add = true, strides = array<i32>} : memref<320x128xf32, #tpu.memory_space<vmem>>, vector<16xf32>,
              %get3A_225 = arith.index_cast %scan3A_162 : i32 to index
              %get3A_226 = arith.constant 80 : index
              %get3A_227 = tpu.vector_load %arg16[%get3A_225, %get3A_226] {strides = array<i32>} : memref<128x128xf32, #tpu.memory_space<vmem>>, vector<16xf32>,
              %get3A_228 = arith.index_cast %scan3A_162 : i32 to index
              %get3A_229 = arith.constant 80 : index
              %get3A_230 = tpu.vector_load %arg17[%get3A_228, %get3A_229] {strides = array<i32>} : memref<128x128xf32, #tpu.memory_space<vmem>>, vector<16xf32>,
              %add3A_231 = arith.addf %get3A_227, %get3A_230 : vector<16xf32>
              %swap3A_232 = arith.index_cast %squeeze3A_170 : i32 to index
              %swap3A_233 = arith.constant 80 : index
              %swap3A_234 = tpu.vector_load %arg18[%swap3A_232, %swap3A_233] {strides = array<i32>} : memref<320x128xf32, #tpu.memory_space<vmem>>, vector<16xf32>,
              tpu.vector_store %arg18[%swap3A_232, %swap3A_233], %add3A_231 {add = true, strides = array<i32>} : memref<320x128xf32, #tpu.memory_space<vmem>>, vector<16xf32>,
              %get3A_235 = arith.index_cast %scan3A_162 : i32 to index
              %get3A_236 = arith.constant 96 : index
              %get3A_237 = tpu.vector_load %arg16[%get3A_235, %get3A_236] {strides = array<i32>} : memref<128x128xf32, #tpu.memory_space<vmem>>, vector<16xf32>,
              %get3A_238 = arith.index_cast %scan3A_162 : i32 to index
              %get3A_239 = arith.constant 96 : index
              %get3A_240 = tpu.vector_load %arg17[%get3A_238, %get3A_239] {strides = array<i32>} : memref<128x128xf32, #tpu.memory_space<vmem>>, vector<16xf32>,
              %add3A_241 = arith.addf %get3A_237, %get3A_240 : vector<16xf32>
              %swap3A_242 = arith.index_cast %squeeze3A_170 : i32 to index
              %swap3A_243 = arith.constant 96 : index
              %swap3A_244 = tpu.vector_load %arg18[%swap3A_242, %swap3A_243] {strides = array<i32>} : memref<320x128xf32, #tpu.memory_space<vmem>>, vector<16xf32>,
              tpu.vector_store %arg18[%swap3A_242, %swap3A_243], %add3A_241 {add = true, strides = array<i32>} : memref<320x128xf32, #tpu.memory_space<vmem>>, vector<16xf32>,
              %get3A_245 = arith.index_cast %scan3A_162 : i32 to index
              %get3A_246 = arith.constant 112 : index
              %get3A_247 = tpu.vector_load %arg16[%get3A_245, %get3A_246] {strides = array<i32>} : memref<128x128xf32, #tpu.memory_space<vmem>>, vector<16xf32>,
              %get3A_248 = arith.index_cast %scan3A_162 : i32 to index
              %get3A_249 = arith.constant 112 : index
              %get3A_250 = tpu.vector_load %arg17[%get3A_248, %get3A_249] {strides = array<i32>} : memref<128x128xf32, #tpu.memory_space<vmem>>, vector<16xf32>,
              %add3A_251 = arith.addf %get3A_247, %get3A_250 : vector<16xf32>
              %swap3A_252 = arith.index_cast %squeeze3A_170 : i32 to index
              %swap3A_253 = arith.constant 112 : index
              %swap3A_254 = tpu.vector_load %arg18[%swap3A_252, %swap3A_253] {strides = array<i32>} : memref<320x128xf32, #tpu.memory_space<vmem>>, vector<16xf32>,
              tpu.vector_store %arg18[%swap3A_252, %swap3A_253], %add3A_251 {add = true, strides = array<i32>} : memref<320x128xf32, #tpu.memory_space<vmem>>, vector<16xf32>,
            } else {
            }
          }
          %scan3A_155 = arith.constant 128 : i32
          %scan3A_156 = arith.constant 0 : i32
          %scan3A_157 = arith.constant 0 : i32
          %scan3A_158 = arith.constant 8 : i32
          %scan3A_159 = arith.addi %scan3A_157, %scan3A_158 : i32
          %scan3A_160 = arith.constant 1 : i32
          scf.for %scan3A_162 = %scan3A_157 to %scan3A_159 step %scan3A_160  : i32 {
            %mul3A_163 = arith.constant 16 : i32
            %mul3A_164 = arith.muli %scan3A_162, %mul3A_163 : i32
            %add3A_165 = arith.constant 128 : i32
            %add3A_166 = arith.addi %add3A_165, %mul3A_164 : i32
            %mul3A_167 = arith.constant 16 : i32
            %mul3A_168 = arith.muli %scan3A_162, %mul3A_167 : i32
            %get3A_169 = arith.index_cast %add3A_166 : i32 to index
            %get3A_170 = tpu.vector_load %arg12[%get3A_169] {strides = array<i32>} : memref<512xi32, #tpu.memory_space<vmem>>, vector<16xi32>,
            %swap3A = arith.index_cast %mul3A_168 : i32 to index
            %swap3A_171 = tpu.vector_load %arg12[%swap3A] {strides = array<i32>} : memref<512xi32, #tpu.memory_space<vmem>>, vector<16xi32>,
            tpu.vector_store %arg12[%swap3A], %get3A_170 {strides = array<i32>} : memref<512xi32, #tpu.memory_space<vmem>>, vector<16xi32>,
            %get3A_172 = arith.index_cast %add3A_166 : i32 to index
            %get3A_173 = tpu.vector_load %arg13[%get3A_172] {strides = array<i32>} : memref<512xi32, #tpu.memory_space<vmem>>, vector<16xi32>,
            %swap3A_174 = arith.index_cast %mul3A_168 : i32 to index
            %swap3A_175 = tpu.vector_load %arg13[%swap3A_174] {strides = array<i32>} : memref<512xi32, #tpu.memory_space<vmem>>, vector<16xi32>,
            tpu.vector_store %arg13[%swap3A_174], %get3A_173 {strides = array<i32>} : memref<512xi32, #tpu.memory_space<vmem>>, vector<16xi32>,
            %get3A_176 = arith.index_cast %add3A_166 : i32 to index
            %get3A_177 = tpu.vector_load %arg14[%get3A_176] {strides = array<i32>} : memref<512xi32, #tpu.memory_space<vmem>>, vector<16xi32>,
            %swap3A_178 = arith.index_cast %mul3A_168 : i32 to index
            %swap3A_179 = tpu.vector_load %arg14[%swap3A_178] {strides = array<i32>} : memref<512xi32, #tpu.memory_space<vmem>>, vector<16xi32>,
            tpu.vector_store %arg14[%swap3A_178], %get3A_177 {strides = array<i32>} : memref<512xi32, #tpu.memory_space<vmem>>, vector<16xi32>,
          }
          %scan3A_161 = arith.constant 8 : i32
        } else {
        }
        %sub3A = arith.constant 128 : i32
        %sub3A_128 = arith.subi %add3A_122, %sub3A : i32
        %select_n3A = arith.select %ge3A_124, %sub3A_128, %add3A_122 : i32
        scf.yield %select_n3A : i32
      }
      %scan3A_106 = arith.constant 160 : i32
      scf.yield %scan3A_105 : i32
    }
    %scan3A_42 = arith.constant 250 : i32
    %dma_start3A_43 = arith.constant 0 : i32
    %dma_start3A_44 = tpu.memref_slice %arg13[%dma_start3A_43] : memref<512xi32, #tpu.memory_space<vmem>> -> memref<128xi32, #tpu.memory_space<vmem>>
    %dma_start3A_45 = arith.constant 0 : i32
    %dma_start3A_46 = arith.constant 0 : i32
    %dma_start3A_47 = tpu.memref_slice %arg2[%dma_start3A_45, %dma_start3A_46] : memref<10240x128xf32, #tpu.memory_space<hbm>> -> memref<10240x128xf32, #tpu.memory_space<hbm>>
    tpu.enqueue_indirect_dma source(%dma_start3A_47 : memref<10240x128xf32, #tpu.memory_space<hbm>>) target(%arg16 : memref<128x128xf32, #tpu.memory_space<vmem>>) offsets(%dma_start3A_44 : memref<128xi32, #tpu.memory_space<vmem>>) semaphore(%arg20 : memref<!tpu.dma_semaphore, #tpu.memory_space<semaphore_mem>>)
    %dma_start3A_48 = arith.constant 0 : i32
    %dma_start3A_49 = tpu.memref_slice %arg14[%dma_start3A_48] : memref<512xi32, #tpu.memory_space<vmem>> -> memref<128xi32, #tpu.memory_space<vmem>>
    %dma_start3A_50 = arith.constant 0 : i32
    %dma_start3A_51 = arith.constant 0 : i32
    %dma_start3A_52 = tpu.memref_slice %arg3[%dma_start3A_50, %dma_start3A_51] : memref<640000x128xf32, #tpu.memory_space<hbm>> -> memref<640000x128xf32, #tpu.memory_space<hbm>>
    tpu.enqueue_indirect_dma source(%dma_start3A_52 : memref<640000x128xf32, #tpu.memory_space<hbm>>) target(%arg17 : memref<128x128xf32, #tpu.memory_space<vmem>>) offsets(%dma_start3A_49 : memref<128xi32, #tpu.memory_space<vmem>>) semaphore(%arg21 : memref<!tpu.dma_semaphore, #tpu.memory_space<semaphore_mem>>)
    %dma_wait3A = arith.constant 0 : i32
    %dma_wait3A_53 = tpu.memref_slice %arg13[%dma_wait3A] : memref<512xi32, #tpu.memory_space<vmem>> -> memref<128xi32, #tpu.memory_space<vmem>>
    %dma_wait3A_54 = arith.constant 0 : i32
    %dma_wait3A_55 = arith.constant 0 : i32
    %dma_wait3A_56 = tpu.memref_slice %arg2[%dma_wait3A_54, %dma_wait3A_55] : memref<10240x128xf32, #tpu.memory_space<hbm>> -> memref<10240x128xf32, #tpu.memory_space<hbm>>
    tpu.wait_indirect_dma semaphore(%arg20 : memref<!tpu.dma_semaphore, #tpu.memory_space<semaphore_mem>>) src(%dma_wait3A_56 : memref<10240x128xf32, #tpu.memory_space<hbm>>) dst(%arg16 : memref<128x128xf32, #tpu.memory_space<vmem>>)
    %dma_wait3A_57 = arith.constant 0 : i32
    %dma_wait3A_58 = tpu.memref_slice %arg14[%dma_wait3A_57] : memref<512xi32, #tpu.memory_space<vmem>> -> memref<128xi32, #tpu.memory_space<vmem>>
    %dma_wait3A_59 = arith.constant 0 : i32
    %dma_wait3A_60 = arith.constant 0 : i32
    %dma_wait3A_61 = tpu.memref_slice %arg3[%dma_wait3A_59, %dma_wait3A_60] : memref<640000x128xf32, #tpu.memory_space<hbm>> -> memref<640000x128xf32, #tpu.memory_space<hbm>>
    tpu.wait_indirect_dma semaphore(%arg21 : memref<!tpu.dma_semaphore, #tpu.memory_space<semaphore_mem>>) src(%dma_wait3A_61 : memref<640000x128xf32, #tpu.memory_space<hbm>>) dst(%arg17 : memref<128x128xf32, #tpu.memory_space<vmem>>)
    %scan3A_62 = arith.constant 0 : i32
    %scan3A_63 = arith.constant 0 : i32
    %scan3A_64 = arith.constant 128 : i32
    %scan3A_65 = arith.addi %scan3A_63, %scan3A_64 : i32
    %scan3A_66 = arith.constant 1 : i32
    scf.for %scan3A_68 = %scan3A_63 to %scan3A_65 step %scan3A_66  : i32 {
      %lt3A = arith.cmpi slt, %scan3A_68, %scan3A_41 : i32
      %convert_element_type3A = arith.extui %lt3A : i1 to i32
      %cond3A = arith.constant 0 : i32
      %cond3A_69 = arith.cmpi ne, %convert_element_type3A, %cond3A : i32
      scf.if %cond3A_69 {
        %get3A = arith.index_cast %scan3A_68 : i32 to index
        %get3A_70 = tpu.vector_load %arg12[%get3A] {strides = array<i32>} : memref<512xi32, #tpu.memory_space<vmem>>, vector<16xi32>,
        %slice3A = vector.extract_strided_slice %get3A_70 {offsets = [0], sizes = [1], strides = [1]} : vector<16xi32> to vector<1xi32>
        %squeeze3A = vector.extract %slice3A[0] : i32 from vector<1xi32>
        %broadcast_in_dim3A_71 = vector.broadcast %squeeze3A : i32 to vector<16xi32>
        %broadcast_in_dim3A_72 = arith.constant 1.000000e+00 : f32
        %broadcast_in_dim3A_73 = vector.broadcast %broadcast_in_dim3A_72 : f32 to vector<16xf32>
        %iota3A = tpu.iota {dimensions = array<i32: 0>} : vector<16xi32>
        %eq3A = arith.constant 0 : i32
        %eq3A_74 = vector.broadcast %eq3A : i32 to vector<16xi32>
        %eq3A_75 = arith.cmpi eq, %iota3A, %eq3A_74 : vector<16xi32>
        tpu.vector_store_idx %arg19[%broadcast_in_dim3A_71], %broadcast_in_dim3A_73 masked %eq3A_75 {add = true} : memref<320xf32, #tpu.memory_space<vmem>>[vector<16xi32>], vector<16xf32>, vector<16xi1>
        %get3A_76 = arith.index_cast %scan3A_68 : i32 to index
        %get3A_77 = arith.constant 0 : index
        %get3A_78 = tpu.vector_load %arg16[%get3A_76, %get3A_77] {strides = array<i32>} : memref<128x128xf32, #tpu.memory_space<vmem>>, vector<16xf32>,
        %get3A_79 = arith.index_cast %scan3A_68 : i32 to index
        %get3A_80 = arith.constant 0 : index
        %get3A_81 = tpu.vector_load %arg17[%get3A_79, %get3A_80] {strides = array<i32>} : memref<128x128xf32, #tpu.memory_space<vmem>>, vector<16xf32>,
        %add3A_82 = arith.addf %get3A_78, %get3A_81 : vector<16xf32>
        %swap3A = arith.index_cast %squeeze3A : i32 to index
        %swap3A_83 = arith.constant 0 : index
        %swap3A_84 = tpu.vector_load %arg18[%swap3A, %swap3A_83] {strides = array<i32>} : memref<320x128xf32, #tpu.memory_space<vmem>>, vector<16xf32>,
        tpu.vector_store %arg18[%swap3A, %swap3A_83], %add3A_82 {add = true, strides = array<i32>} : memref<320x128xf32, #tpu.memory_space<vmem>>, vector<16xf32>,
        %get3A_85 = arith.index_cast %scan3A_68 : i32 to index
        %get3A_86 = arith.constant 16 : index
        %get3A_87 = tpu.vector_load %arg16[%get3A_85, %get3A_86] {strides = array<i32>} : memref<128x128xf32, #tpu.memory_space<vmem>>, vector<16xf32>,
        %get3A_88 = arith.index_cast %scan3A_68 : i32 to index
        %get3A_89 = arith.constant 16 : index
        %get3A_90 = tpu.vector_load %arg17[%get3A_88, %get3A_89] {strides = array<i32>} : memref<128x128xf32, #tpu.memory_space<vmem>>, vector<16xf32>,
        %add3A_91 = arith.addf %get3A_87, %get3A_90 : vector<16xf32>
        %swap3A_92 = arith.index_cast %squeeze3A : i32 to index
        %swap3A_93 = arith.constant 16 : index
        %swap3A_94 = tpu.vector_load %arg18[%swap3A_92, %swap3A_93] {strides = array<i32>} : memref<320x128xf32, #tpu.memory_space<vmem>>, vector<16xf32>,
        tpu.vector_store %arg18[%swap3A_92, %swap3A_93], %add3A_91 {add = true, strides = array<i32>} : memref<320x128xf32, #tpu.memory_space<vmem>>, vector<16xf32>,
        %get3A_95 = arith.index_cast %scan3A_68 : i32 to index
        %get3A_96 = arith.constant 32 : index
        %get3A_97 = tpu.vector_load %arg16[%get3A_95, %get3A_96] {strides = array<i32>} : memref<128x128xf32, #tpu.memory_space<vmem>>, vector<16xf32>,
        %get3A_98 = arith.index_cast %scan3A_68 : i32 to index
        %get3A_99 = arith.constant 32 : index
        %get3A_100 = tpu.vector_load %arg17[%get3A_98, %get3A_99] {strides = array<i32>} : memref<128x128xf32, #tpu.memory_space<vmem>>, vector<16xf32>,
        %add3A_101 = arith.addf %get3A_97, %get3A_100 : vector<16xf32>
        %swap3A_102 = arith.index_cast %squeeze3A : i32 to index
        %swap3A_103 = arith.constant 32 : index
        %swap3A_104 = tpu.vector_load %arg18[%swap3A_102, %swap3A_103] {strides = array<i32>} : memref<320x128xf32, #tpu.memory_space<vmem>>, vector<16xf32>,
        tpu.vector_store %arg18[%swap3A_102, %swap3A_103], %add3A_101 {add = true, strides = array<i32>} : memref<320x128xf32, #tpu.memory_space<vmem>>, vector<16xf32>,
        %get3A_105 = arith.index_cast %scan3A_68 : i32 to index
        %get3A_106 = arith.constant 48 : index
        %get3A_107 = tpu.vector_load %arg16[%get3A_105, %get3A_106] {strides = array<i32>} : memref<128x128xf32, #tpu.memory_space<vmem>>, vector<16xf32>,
        %get3A_108 = arith.index_cast %scan3A_68 : i32 to index
        %get3A_109 = arith.constant 48 : index
        %get3A_110 = tpu.vector_load %arg17[%get3A_108, %get3A_109] {strides = array<i32>} : memref<128x128xf32, #tpu.memory_space<vmem>>, vector<16xf32>,
        %add3A_111 = arith.addf %get3A_107, %get3A_110 : vector<16xf32>
        %swap3A_112 = arith.index_cast %squeeze3A : i32 to index
        %swap3A_113 = arith.constant 48 : index
        %swap3A_114 = tpu.vector_load %arg18[%swap3A_112, %swap3A_113] {strides = array<i32>} : memref<320x128xf32, #tpu.memory_space<vmem>>, vector<16xf32>,
        tpu.vector_store %arg18[%swap3A_112, %swap3A_113], %add3A_111 {add = true, strides = array<i32>} : memref<320x128xf32, #tpu.memory_space<vmem>>, vector<16xf32>,
        %get3A_115 = arith.index_cast %scan3A_68 : i32 to index
        %get3A_116 = arith.constant 64 : index
        %get3A_117 = tpu.vector_load %arg16[%get3A_115, %get3A_116] {strides = array<i32>} : memref<128x128xf32, #tpu.memory_space<vmem>>, vector<16xf32>,
        %get3A_118 = arith.index_cast %scan3A_68 : i32 to index
        %get3A_119 = arith.constant 64 : index
        %get3A_120 = tpu.vector_load %arg17[%get3A_118, %get3A_119] {strides = array<i32>} : memref<128x128xf32, #tpu.memory_space<vmem>>, vector<16xf32>,
        %add3A_121 = arith.addf %get3A_117, %get3A_120 : vector<16xf32>
        %swap3A_122 = arith.index_cast %squeeze3A : i32 to index
        %swap3A_123 = arith.constant 64 : index
        %swap3A_124 = tpu.vector_load %arg18[%swap3A_122, %swap3A_123] {strides = array<i32>} : memref<320x128xf32, #tpu.memory_space<vmem>>, vector<16xf32>,
        tpu.vector_store %arg18[%swap3A_122, %swap3A_123], %add3A_121 {add = true, strides = array<i32>} : memref<320x128xf32, #tpu.memory_space<vmem>>, vector<16xf32>,
        %get3A_125 = arith.index_cast %scan3A_68 : i32 to index
        %get3A_126 = arith.constant 80 : index
        %get3A_127 = tpu.vector_load %arg16[%get3A_125, %get3A_126] {strides = array<i32>} : memref<128x128xf32, #tpu.memory_space<vmem>>, vector<16xf32>,
        %get3A_128 = arith.index_cast %scan3A_68 : i32 to index
        %get3A_129 = arith.constant 80 : index
        %get3A_130 = tpu.vector_load %arg17[%get3A_128, %get3A_129] {strides = array<i32>} : memref<128x128xf32, #tpu.memory_space<vmem>>, vector<16xf32>,
        %add3A_131 = arith.addf %get3A_127, %get3A_130 : vector<16xf32>
        %swap3A_132 = arith.index_cast %squeeze3A : i32 to index
        %swap3A_133 = arith.constant 80 : index
        %swap3A_134 = tpu.vector_load %arg18[%swap3A_132, %swap3A_133] {strides = array<i32>} : memref<320x128xf32, #tpu.memory_space<vmem>>, vector<16xf32>,
        tpu.vector_store %arg18[%swap3A_132, %swap3A_133], %add3A_131 {add = true, strides = array<i32>} : memref<320x128xf32, #tpu.memory_space<vmem>>, vector<16xf32>,
        %get3A_135 = arith.index_cast %scan3A_68 : i32 to index
        %get3A_136 = arith.constant 96 : index
        %get3A_137 = tpu.vector_load %arg16[%get3A_135, %get3A_136] {strides = array<i32>} : memref<128x128xf32, #tpu.memory_space<vmem>>, vector<16xf32>,
        %get3A_138 = arith.index_cast %scan3A_68 : i32 to index
        %get3A_139 = arith.constant 96 : index
        %get3A_140 = tpu.vector_load %arg17[%get3A_138, %get3A_139] {strides = array<i32>} : memref<128x128xf32, #tpu.memory_space<vmem>>, vector<16xf32>,
        %add3A_141 = arith.addf %get3A_137, %get3A_140 : vector<16xf32>
        %swap3A_142 = arith.index_cast %squeeze3A : i32 to index
        %swap3A_143 = arith.constant 96 : index
        %swap3A_144 = tpu.vector_load %arg18[%swap3A_142, %swap3A_143] {strides = array<i32>} : memref<320x128xf32, #tpu.memory_space<vmem>>, vector<16xf32>,
        tpu.vector_store %arg18[%swap3A_142, %swap3A_143], %add3A_141 {add = true, strides = array<i32>} : memref<320x128xf32, #tpu.memory_space<vmem>>, vector<16xf32>,
        %get3A_145 = arith.index_cast %scan3A_68 : i32 to index
        %get3A_146 = arith.constant 112 : index
        %get3A_147 = tpu.vector_load %arg16[%get3A_145, %get3A_146] {strides = array<i32>} : memref<128x128xf32, #tpu.memory_space<vmem>>, vector<16xf32>,
        %get3A_148 = arith.index_cast %scan3A_68 : i32 to index
        %get3A_149 = arith.constant 112 : index
        %get3A_150 = tpu.vector_load %arg17[%get3A_148, %get3A_149] {strides = array<i32>} : memref<128x128xf32, #tpu.memory_space<vmem>>, vector<16xf32>,
        %add3A_151 = arith.addf %get3A_147, %get3A_150 : vector<16xf32>
        %swap3A_152 = arith.index_cast %squeeze3A : i32 to index
        %swap3A_153 = arith.constant 112 : index
        %swap3A_154 = tpu.vector_load %arg18[%swap3A_152, %swap3A_153] {strides = array<i32>} : memref<320x128xf32, #tpu.memory_space<vmem>>, vector<16xf32>,
        tpu.vector_store %arg18[%swap3A_152, %swap3A_153], %add3A_151 {add = true, strides = array<i32>} : memref<320x128xf32, #tpu.memory_space<vmem>>, vector<16xf32>,
      } else {
      }
    }
    %scan3A_67 = arith.constant 128 : i32
    "tpu.region"() ({
      %run_scoped3A = tpu.sem_alloc : memref<!tpu.dma_semaphore, #tpu.memory_space<semaphore_mem>>
      %dma_start3A_68 = arith.constant 0 : i32
      %dma_start3A_69 = tpu.memref_slice %arg8[%mul3A_2, %dma_start3A_68] : memref<10240x128xf32, #tpu.memory_space<hbm>> -> memref<320x128xf32, #tpu.memory_space<hbm>>
      %dma_start3A_70 = arith.constant 0 : i32
      %dma_start3A_71 = tpu.memref_slice %arg8[%mul3A_2, %dma_start3A_70] : memref<10240x128xf32, #tpu.memory_space<hbm>> -> memref<320x128xf32, #tpu.memory_space<hbm>>
      tpu.enqueue_dma source(%arg18 : memref<320x128xf32, #tpu.memory_space<vmem>>) target(%dma_start3A_71 : memref<320x128xf32, #tpu.memory_space<hbm>>) target_semaphore(%run_scoped3A : memref<!tpu.dma_semaphore, #tpu.memory_space<semaphore_mem>>)
      %dma_wait3A_72 = arith.constant 0 : i32
      %dma_wait3A_73 = tpu.memref_slice %arg8[%mul3A_2, %dma_wait3A_72] : memref<10240x128xf32, #tpu.memory_space<hbm>> -> memref<320x128xf32, #tpu.memory_space<hbm>>
      %dma_wait3A_74 = arith.constant 0 : i32
      %dma_wait3A_75 = tpu.memref_slice %arg8[%mul3A_2, %dma_wait3A_74] : memref<10240x128xf32, #tpu.memory_space<hbm>> -> memref<320x128xf32, #tpu.memory_space<hbm>>
      tpu.wait_dma2 semaphore(%run_scoped3A : memref<!tpu.dma_semaphore, #tpu.memory_space<semaphore_mem>>) src(%arg18 : memref<320x128xf32, #tpu.memory_space<vmem>>) dst(%dma_wait3A_75 : memref<320x128xf32, #tpu.memory_space<hbm>>)
      tpu.yield
    }) : () -> ()
    "tpu.region"() ({
      %run_scoped3A = tpu.sem_alloc : memref<!tpu.dma_semaphore, #tpu.memory_space<semaphore_mem>>
      %dma_start3A_68 = tpu.memref_slice %arg9[%mul3A_2] : memref<10240xf32, #tpu.memory_space<hbm>> -> memref<320xf32, #tpu.memory_space<hbm>>
      %dma_start3A_69 = tpu.memref_slice %arg9[%mul3A_2] : memref<10240xf32, #tpu.memory_space<hbm>> -> memref<320xf32, #tpu.memory_space<hbm>>
      tpu.enqueue_dma source(%arg19 : memref<320xf32, #tpu.memory_space<vmem>>) target(%dma_start3A_69 : memref<320xf32, #tpu.memory_space<hbm>>) target_semaphore(%run_scoped3A : memref<!tpu.dma_semaphore, #tpu.memory_space<semaphore_mem>>)
      %dma_wait3A_70 = tpu.memref_slice %arg9[%mul3A_2] : memref<10240xf32, #tpu.memory_space<hbm>> -> memref<320xf32, #tpu.memory_space<hbm>>
      %dma_wait3A_71 = tpu.memref_slice %arg9[%mul3A_2] : memref<10240xf32, #tpu.memory_space<hbm>> -> memref<320xf32, #tpu.memory_space<hbm>>
      tpu.wait_dma2 semaphore(%run_scoped3A : memref<!tpu.dma_semaphore, #tpu.memory_space<semaphore_mem>>) src(%arg19 : memref<320xf32, #tpu.memory_space<vmem>>) dst(%dma_wait3A_71 : memref<320xf32, #tpu.memory_space<hbm>>)
      tpu.yield
    }) : () -> ()
    return
  }
}

module attributes {stable_mosaic.version = 14 : i64} {
  func.func @_mlp2_body(%arg0: i32, %arg1: memref<2560x128xf32, #tpu.memory_space<vmem>>, %arg2: memref<128x128xf32, #tpu.memory_space<vmem>>, %arg3: memref<1x128xf32, #tpu.memory_space<vmem>>, %arg4: memref<128x128xf32, #tpu.memory_space<vmem>>, %arg5: memref<1x128xf32, #tpu.memory_space<vmem>>, %arg6: memref<2560x128xf32, #tpu.memory_space<vmem>>) attributes {dimension_semantics = [#tpu.dimension_semantics<arbitrary>], iteration_bounds = array<i64: 125>, scalar_prefetch = 0 : i64, scratch_operands = 0 : i64, tpu.core_type = #tpu.core_type<tc>, window_params = [{transform_indices = @transform_0, window_bounds = array<i64: 2560, 128>}, {pipeline_mode = #tpu.pipeline_mode<synchronous>, transform_indices = @transform_1, window_bounds = array<i64: 128, 128>}, {pipeline_mode = #tpu.pipeline_mode<synchronous>, transform_indices = @transform_2, window_bounds = array<i64: 1, 128>}, {pipeline_mode = #tpu.pipeline_mode<synchronous>, transform_indices = @transform_3, window_bounds = array<i64: 128, 128>}, {pipeline_mode = #tpu.pipeline_mode<synchronous>, transform_indices = @transform_4, window_bounds = array<i64: 1, 128>}, {transform_indices = @transform_5, window_bounds = array<i64: 2560, 128>}]} {
    %get3A = arith.constant 0 : index
    %get3A_0 = arith.constant 0 : index
    %get3A_1 = vector.load %arg1[%get3A, %get3A_0] : memref<2560x128xf32, #tpu.memory_space<vmem>>, vector<2560x128xf32>
    %get3A_2 = arith.constant 0 : index
    %get3A_3 = arith.constant 0 : index
    %get3A_4 = vector.load %arg2[%get3A_2, %get3A_3] : memref<128x128xf32, #tpu.memory_space<vmem>>, vector<128x128xf32>
    %dot_general3A = arith.constant dense<0.000000e+00> : vector<2560x128xf32>
    %dot_general3A_5 = tpu.matmul %get3A_1, %get3A_4, %dot_general3A {dimension_numbers = #tpu.dot_dimension_numbers<[1], [0], [0], [1], [0, 0, 1, 1], [], []>, transpose_lhs_hint = false} : vector<2560x128xf32>, vector<128x128xf32>, vector<2560x128xf32> -> vector<2560x128xf32>
    %get3A_6 = arith.constant 0 : index
    %get3A_7 = arith.constant 0 : index
    %get3A_8 = vector.load %arg3[%get3A_6, %get3A_7] : memref<1x128xf32, #tpu.memory_space<vmem>>, vector<1x128xf32>
    %add3A = vector.broadcast %get3A_8 : vector<1x128xf32> to vector<2560x128xf32>
    %add3A_9 = arith.addf %dot_general3A_5, %add3A : vector<2560x128xf32>
    %max3A = arith.constant 0.000000e+00 : f32
    %max3A_10 = vector.broadcast %max3A : f32 to vector<2560x128xf32>
    %max3A_11 = arith.maximumf %add3A_9, %max3A_10 : vector<2560x128xf32>
    %get3A_12 = arith.constant 0 : index
    %get3A_13 = arith.constant 0 : index
    %get3A_14 = vector.load %arg4[%get3A_12, %get3A_13] : memref<128x128xf32, #tpu.memory_space<vmem>>, vector<128x128xf32>
    %dot_general3A_15 = arith.constant dense<0.000000e+00> : vector<2560x128xf32>
    %dot_general3A_16 = tpu.matmul %max3A_11, %get3A_14, %dot_general3A_15 {dimension_numbers = #tpu.dot_dimension_numbers<[1], [0], [0], [1], [0, 0, 1, 1], [], []>, transpose_lhs_hint = false} : vector<2560x128xf32>, vector<128x128xf32>, vector<2560x128xf32> -> vector<2560x128xf32>
    %get3A_17 = arith.constant 0 : index
    %get3A_18 = arith.constant 0 : index
    %get3A_19 = vector.load %arg5[%get3A_17, %get3A_18] : memref<1x128xf32, #tpu.memory_space<vmem>>, vector<1x128xf32>
    %add3A_20 = vector.broadcast %get3A_19 : vector<1x128xf32> to vector<2560x128xf32>
    %add3A_21 = arith.addf %dot_general3A_16, %add3A_20 : vector<2560x128xf32>
    %swap3A = arith.constant 0 : index
    %swap3A_22 = arith.constant 0 : index
    %swap3A_23 = vector.load %arg6[%swap3A, %swap3A_22] : memref<2560x128xf32, #tpu.memory_space<vmem>>, vector<2560x128xf32>
    tpu.vector_store %arg6[%swap3A, %swap3A_22], %add3A_21 {strides = array<i32>} : memref<2560x128xf32, #tpu.memory_space<vmem>>, vector<2560x128xf32>,
    return
  }
  func.func @transform_0(%arg0: i32) -> (i32, i32) {
    %c0_i32 = arith.constant 0 : i32
    %c0_i32_0 = arith.constant 0 : i32
    return %arg0, %c0_i32 : i32, i32
  }
  func.func @transform_1(%arg0: i32) -> (i32, i32) {
    %c0_i32 = arith.constant 0 : i32
    %c0_i32_0 = arith.constant 0 : i32
    %c0_i32_1 = arith.constant 0 : i32
    return %c0_i32, %c0_i32_0 : i32, i32
  }
  func.func @transform_2(%arg0: i32) -> (i32, i32) {
    %c0_i32 = arith.constant 0 : i32
    %c0_i32_0 = arith.constant 0 : i32
    %c0_i32_1 = arith.constant 0 : i32
    return %c0_i32, %c0_i32_0 : i32, i32
  }
  func.func @transform_3(%arg0: i32) -> (i32, i32) {
    %c0_i32 = arith.constant 0 : i32
    %c0_i32_0 = arith.constant 0 : i32
    %c0_i32_1 = arith.constant 0 : i32
    return %c0_i32, %c0_i32_0 : i32, i32
  }
  func.func @transform_4(%arg0: i32) -> (i32, i32) {
    %c0_i32 = arith.constant 0 : i32
    %c0_i32_0 = arith.constant 0 : i32
    %c0_i32_1 = arith.constant 0 : i32
    return %c0_i32, %c0_i32_0 : i32, i32
  }
  func.func @transform_5(%arg0: i32) -> (i32, i32) {
    %c0_i32 = arith.constant 0 : i32
    %c0_i32_0 = arith.constant 0 : i32
    return %arg0, %c0_i32 : i32, i32
  }
}

module attributes {stable_mosaic.version = 14 : i64} {
  func.func @_layer_body(%arg0: i32, %arg1: memref<1280x128xf32, #tpu.memory_space<vmem>>, %arg2: memref<1280x128xf32, #tpu.memory_space<vmem>>, %arg3: memref<1280x1xf32, #tpu.memory_space<vmem>>, %arg4: memref<128x128xf32, #tpu.memory_space<vmem>>, %arg5: memref<128x128xf32, #tpu.memory_space<vmem>>, %arg6: memref<1x128xf32, #tpu.memory_space<vmem>>, %arg7: memref<1280x128xf32, #tpu.memory_space<vmem>>) attributes {dimension_semantics = [#tpu.dimension_semantics<arbitrary>], iteration_bounds = array<i64: 8>, scalar_prefetch = 0 : i64, scratch_operands = 0 : i64, tpu.core_type = #tpu.core_type<tc>, window_params = [{transform_indices = @transform_0, window_bounds = array<i64: 1280, 128>}, {transform_indices = @transform_1, window_bounds = array<i64: 1280, 128>}, {transform_indices = @transform_2, window_bounds = array<i64: 1280, 1>}, {pipeline_mode = #tpu.pipeline_mode<synchronous>, transform_indices = @transform_3, window_bounds = array<i64: 128, 128>}, {pipeline_mode = #tpu.pipeline_mode<synchronous>, transform_indices = @transform_4, window_bounds = array<i64: 128, 128>}, {pipeline_mode = #tpu.pipeline_mode<synchronous>, transform_indices = @transform_5, window_bounds = array<i64: 1, 128>}, {transform_indices = @transform_6, window_bounds = array<i64: 1280, 128>}]} {
    %get3A = arith.constant 0 : index
    %get3A_0 = arith.constant 0 : index
    %get3A_1 = vector.load %arg3[%get3A, %get3A_0] : memref<1280x1xf32, #tpu.memory_space<vmem>>, vector<1280x1xf32>
    %max3A = arith.constant 1.000000e+00 : f32
    %max3A_2 = vector.broadcast %max3A : f32 to vector<1280x1xf32>
    %max3A_3 = arith.maximumf %get3A_1, %max3A_2 : vector<1280x1xf32>
    %get3A_4 = arith.constant 0 : index
    %get3A_5 = arith.constant 0 : index
    %get3A_6 = vector.load %arg2[%get3A_4, %get3A_5] : memref<1280x128xf32, #tpu.memory_space<vmem>>, vector<1280x128xf32>
    %div3A = vector.broadcast %max3A_3 : vector<1280x1xf32> to vector<1280x128xf32>
    %div3A_7 = arith.divf %get3A_6, %div3A : vector<1280x128xf32>
    %get3A_8 = arith.constant 0 : index
    %get3A_9 = arith.constant 0 : index
    %get3A_10 = vector.load %arg1[%get3A_8, %get3A_9] : memref<1280x128xf32, #tpu.memory_space<vmem>>, vector<1280x128xf32>
    %get3A_11 = arith.constant 0 : index
    %get3A_12 = arith.constant 0 : index
    %get3A_13 = vector.load %arg4[%get3A_11, %get3A_12] : memref<128x128xf32, #tpu.memory_space<vmem>>, vector<128x128xf32>
    %dot_general3A = arith.constant dense<0.000000e+00> : vector<1280x128xf32>
    %dot_general3A_14 = tpu.matmul %get3A_10, %get3A_13, %dot_general3A {dimension_numbers = #tpu.dot_dimension_numbers<[1], [0], [0], [1], [0, 0, 1, 1], [], []>, transpose_lhs_hint = false} : vector<1280x128xf32>, vector<128x128xf32>, vector<1280x128xf32> -> vector<1280x128xf32>
    %get3A_15 = arith.constant 0 : index
    %get3A_16 = arith.constant 0 : index
    %get3A_17 = vector.load %arg5[%get3A_15, %get3A_16] : memref<128x128xf32, #tpu.memory_space<vmem>>, vector<128x128xf32>
    %dot_general3A_18 = arith.constant dense<0.000000e+00> : vector<1280x128xf32>
    %dot_general3A_19 = tpu.matmul %div3A_7, %get3A_17, %dot_general3A_18 {dimension_numbers = #tpu.dot_dimension_numbers<[1], [0], [0], [1], [0, 0, 1, 1], [], []>, transpose_lhs_hint = false} : vector<1280x128xf32>, vector<128x128xf32>, vector<1280x128xf32> -> vector<1280x128xf32>
    %add3A = arith.addf %dot_general3A_14, %dot_general3A_19 : vector<1280x128xf32>
    %get3A_20 = arith.constant 0 : index
    %get3A_21 = arith.constant 0 : index
    %get3A_22 = vector.load %arg6[%get3A_20, %get3A_21] : memref<1x128xf32, #tpu.memory_space<vmem>>, vector<1x128xf32>
    %add3A_23 = vector.broadcast %get3A_22 : vector<1x128xf32> to vector<1280x128xf32>
    %add3A_24 = arith.addf %add3A, %add3A_23 : vector<1280x128xf32>
    %max3A_25 = arith.constant 0.000000e+00 : f32
    %max3A_26 = vector.broadcast %max3A_25 : f32 to vector<1280x128xf32>
    %max3A_27 = arith.maximumf %add3A_24, %max3A_26 : vector<1280x128xf32>
    %swap3A = arith.constant 0 : index
    %swap3A_28 = arith.constant 0 : index
    %swap3A_29 = vector.load %arg7[%swap3A, %swap3A_28] : memref<1280x128xf32, #tpu.memory_space<vmem>>, vector<1280x128xf32>
    tpu.vector_store %arg7[%swap3A, %swap3A_28], %max3A_27 {strides = array<i32>} : memref<1280x128xf32, #tpu.memory_space<vmem>>, vector<1280x128xf32>,
    return
  }
  func.func @transform_0(%arg0: i32) -> (i32, i32) {
    %c0_i32 = arith.constant 0 : i32
    %c0_i32_0 = arith.constant 0 : i32
    return %arg0, %c0_i32 : i32, i32
  }
  func.func @transform_1(%arg0: i32) -> (i32, i32) {
    %c0_i32 = arith.constant 0 : i32
    %c0_i32_0 = arith.constant 0 : i32
    return %arg0, %c0_i32 : i32, i32
  }
  func.func @transform_2(%arg0: i32) -> (i32, i32) {
    %c0_i32 = arith.constant 0 : i32
    %c0_i32_0 = arith.constant 0 : i32
    return %arg0, %c0_i32 : i32, i32
  }
  func.func @transform_3(%arg0: i32) -> (i32, i32) {
    %c0_i32 = arith.constant 0 : i32
    %c0_i32_0 = arith.constant 0 : i32
    %c0_i32_1 = arith.constant 0 : i32
    return %c0_i32, %c0_i32_0 : i32, i32
  }
  func.func @transform_4(%arg0: i32) -> (i32, i32) {
    %c0_i32 = arith.constant 0 : i32
    %c0_i32_0 = arith.constant 0 : i32
    %c0_i32_1 = arith.constant 0 : i32
    return %c0_i32, %c0_i32_0 : i32, i32
  }
  func.func @transform_5(%arg0: i32) -> (i32, i32) {
    %c0_i32 = arith.constant 0 : i32
    %c0_i32_0 = arith.constant 0 : i32
    %c0_i32_1 = arith.constant 0 : i32
    return %c0_i32, %c0_i32_0 : i32, i32
  }
  func.func @transform_6(%arg0: i32) -> (i32, i32) {
    %c0_i32 = arith.constant 0 : i32
    %c0_i32_0 = arith.constant 0 : i32
    return %arg0, %c0_i32 : i32, i32
  }
}

module attributes {stable_mosaic.version = 14 : i64} {
  func.func @_score_body(%arg0: i32, %arg1: memref<2560x128xf32, #tpu.memory_space<vmem>>, %arg2: memref<2560x128xf32, #tpu.memory_space<vmem>>, %arg3: memref<2560x128xf32, #tpu.memory_space<vmem>>, %arg4: memref<2560x128xf32, #tpu.memory_space<vmem>>, %arg5: memref<2560x128xf32, #tpu.memory_space<vmem>>, %arg6: memref<2560x128xf32, #tpu.memory_space<vmem>>, %arg7: memref<2560x1xf32, #tpu.memory_space<vmem>>, %arg8: memref<768x128xf32, #tpu.memory_space<vmem>>, %arg9: memref<1x128xf32, #tpu.memory_space<vmem>>, %arg10: memref<128x1xf32, #tpu.memory_space<vmem>>, %arg11: memref<1x1xf32, #tpu.memory_space<vmem>>, %arg12: memref<2560x1xf32, #tpu.memory_space<vmem>>, %arg13: memref<2560x1xf32, #tpu.memory_space<vmem>>) attributes {dimension_semantics = [#tpu.dimension_semantics<arbitrary>], iteration_bounds = array<i64: 125>, scalar_prefetch = 0 : i64, scratch_operands = 0 : i64, tpu.core_type = #tpu.core_type<tc>, window_params = [{transform_indices = @transform_0, window_bounds = array<i64: 2560, 128>}, {transform_indices = @transform_1, window_bounds = array<i64: 2560, 128>}, {transform_indices = @transform_2, window_bounds = array<i64: 2560, 128>}, {transform_indices = @transform_3, window_bounds = array<i64: 2560, 128>}, {transform_indices = @transform_4, window_bounds = array<i64: 2560, 128>}, {transform_indices = @transform_5, window_bounds = array<i64: 2560, 128>}, {transform_indices = @transform_6, window_bounds = array<i64: 2560, 1>}, {pipeline_mode = #tpu.pipeline_mode<synchronous>, transform_indices = @transform_7, window_bounds = array<i64: 768, 128>}, {pipeline_mode = #tpu.pipeline_mode<synchronous>, transform_indices = @transform_8, window_bounds = array<i64: 1, 128>}, {pipeline_mode = #tpu.pipeline_mode<synchronous>, transform_indices = @transform_9, window_bounds = array<i64: 128, 1>}, {pipeline_mode = #tpu.pipeline_mode<synchronous>, transform_indices = @transform_10, window_bounds = array<i64: 1, 1>}, {transform_indices = @transform_11, window_bounds = array<i64: 2560, 1>}, {transform_indices = @transform_12, window_bounds = array<i64: 2560, 1>}]} {
    %get3A = arith.constant 0 : index
    %get3A_0 = arith.constant 0 : index
    %get3A_1 = vector.load %arg1[%get3A, %get3A_0] : memref<2560x128xf32, #tpu.memory_space<vmem>>, vector<2560x128xf32>
    %get3A_2 = arith.constant 0 : index
    %get3A_3 = arith.constant 0 : index
    %get3A_4 = vector.load %arg2[%get3A_2, %get3A_3] : memref<2560x128xf32, #tpu.memory_space<vmem>>, vector<2560x128xf32>
    %get3A_5 = arith.constant 0 : index
    %get3A_6 = arith.constant 0 : index
    %get3A_7 = vector.load %arg3[%get3A_5, %get3A_6] : memref<2560x128xf32, #tpu.memory_space<vmem>>, vector<2560x128xf32>
    %get3A_8 = arith.constant 0 : index
    %get3A_9 = arith.constant 0 : index
    %get3A_10 = vector.load %arg4[%get3A_8, %get3A_9] : memref<2560x128xf32, #tpu.memory_space<vmem>>, vector<2560x128xf32>
    %get3A_11 = arith.constant 0 : index
    %get3A_12 = arith.constant 0 : index
    %get3A_13 = vector.load %arg5[%get3A_11, %get3A_12] : memref<2560x128xf32, #tpu.memory_space<vmem>>, vector<2560x128xf32>
    %get3A_14 = arith.constant 0 : index
    %get3A_15 = arith.constant 0 : index
    %get3A_16 = vector.load %arg6[%get3A_14, %get3A_15] : memref<2560x128xf32, #tpu.memory_space<vmem>>, vector<2560x128xf32>
    %concatenate3A = tpu.concatenate %get3A_1, %get3A_4, %get3A_7, %get3A_10, %get3A_13, %get3A_16 in 1 : vector<2560x128xf32>, vector<2560x128xf32>, vector<2560x128xf32>, vector<2560x128xf32>, vector<2560x128xf32>, vector<2560x128xf32> -> vector<2560x768xf32>
    %get3A_17 = arith.constant 0 : index
    %get3A_18 = arith.constant 0 : index
    %get3A_19 = vector.load %arg8[%get3A_17, %get3A_18] : memref<768x128xf32, #tpu.memory_space<vmem>>, vector<768x128xf32>
    %dot_general3A = arith.constant dense<0.000000e+00> : vector<2560x128xf32>
    %dot_general3A_20 = tpu.matmul %concatenate3A, %get3A_19, %dot_general3A {dimension_numbers = #tpu.dot_dimension_numbers<[1], [0], [0], [1], [0, 0, 1, 1], [], []>, transpose_lhs_hint = false} : vector<2560x768xf32>, vector<768x128xf32>, vector<2560x128xf32> -> vector<2560x128xf32>
    %get3A_21 = arith.constant 0 : index
    %get3A_22 = arith.constant 0 : index
    %get3A_23 = vector.load %arg9[%get3A_21, %get3A_22] : memref<1x128xf32, #tpu.memory_space<vmem>>, vector<1x128xf32>
    %add3A = vector.broadcast %get3A_23 : vector<1x128xf32> to vector<2560x128xf32>
    %add3A_24 = arith.addf %dot_general3A_20, %add3A : vector<2560x128xf32>
    %max3A = arith.constant 0.000000e+00 : f32
    %max3A_25 = vector.broadcast %max3A : f32 to vector<2560x128xf32>
    %max3A_26 = arith.maximumf %add3A_24, %max3A_25 : vector<2560x128xf32>
    %get3A_27 = arith.constant 0 : index
    %get3A_28 = arith.constant 0 : index
    %get3A_29 = vector.load %arg10[%get3A_27, %get3A_28] : memref<128x1xf32, #tpu.memory_space<vmem>>, vector<128x1xf32>
    %dot_general3A_30 = arith.constant dense<0.000000e+00> : vector<2560x1xf32>
    %dot_general3A_31 = tpu.matmul %max3A_26, %get3A_29, %dot_general3A_30 {dimension_numbers = #tpu.dot_dimension_numbers<[1], [0], [0], [1], [0, 0, 1, 1], [], []>, transpose_lhs_hint = false} : vector<2560x128xf32>, vector<128x1xf32>, vector<2560x1xf32> -> vector<2560x1xf32>
    %get3A_32 = arith.constant 0 : index
    %get3A_33 = arith.constant 0 : index
    %get3A_34 = vector.load %arg11[%get3A_32, %get3A_33] : memref<1x1xf32, #tpu.memory_space<vmem>>, vector<1x1xf32>
    %add3A_35 = vector.broadcast %get3A_34 : vector<1x1xf32> to vector<2560x1xf32>
    %add3A_36 = arith.addf %dot_general3A_31, %add3A_35 : vector<2560x1xf32>
    %swap3A = arith.constant 0 : index
    %swap3A_37 = arith.constant 0 : index
    %swap3A_38 = vector.load %arg12[%swap3A, %swap3A_37] : memref<2560x1xf32, #tpu.memory_space<vmem>>, vector<2560x1xf32>
    tpu.vector_store %arg12[%swap3A, %swap3A_37], %add3A_36 {strides = array<i32>} : memref<2560x1xf32, #tpu.memory_space<vmem>>, vector<2560x1xf32>,
    %get3A_39 = arith.constant 0 : index
    %get3A_40 = arith.constant 0 : index
    %get3A_41 = vector.load %arg7[%get3A_39, %get3A_40] : memref<2560x1xf32, #tpu.memory_space<vmem>>, vector<2560x1xf32>
    %add3A_42 = arith.addf %add3A_36, %get3A_41 : vector<2560x1xf32>
    %swap3A_43 = arith.constant 0 : index
    %swap3A_44 = arith.constant 0 : index
    %swap3A_45 = vector.load %arg13[%swap3A_43, %swap3A_44] : memref<2560x1xf32, #tpu.memory_space<vmem>>, vector<2560x1xf32>
    tpu.vector_store %arg13[%swap3A_43, %swap3A_44], %add3A_42 {strides = array<i32>} : memref<2560x1xf32, #tpu.memory_space<vmem>>, vector<2560x1xf32>,
    return
  }
  func.func @transform_0(%arg0: i32) -> (i32, i32) {
    %c0_i32 = arith.constant 0 : i32
    %c0_i32_0 = arith.constant 0 : i32
    return %arg0, %c0_i32 : i32, i32
  }
  func.func @transform_1(%arg0: i32) -> (i32, i32) {
    %c0_i32 = arith.constant 0 : i32
    %c0_i32_0 = arith.constant 0 : i32
    return %arg0, %c0_i32 : i32, i32
  }
  func.func @transform_2(%arg0: i32) -> (i32, i32) {
    %c0_i32 = arith.constant 0 : i32
    %c0_i32_0 = arith.constant 0 : i32
    return %arg0, %c0_i32 : i32, i32
  }
  func.func @transform_3(%arg0: i32) -> (i32, i32) {
    %c0_i32 = arith.constant 0 : i32
    %c0_i32_0 = arith.constant 0 : i32
    return %arg0, %c0_i32 : i32, i32
  }
  func.func @transform_4(%arg0: i32) -> (i32, i32) {
    %c0_i32 = arith.constant 0 : i32
    %c0_i32_0 = arith.constant 0 : i32
    return %arg0, %c0_i32 : i32, i32
  }
  func.func @transform_5(%arg0: i32) -> (i32, i32) {
    %c0_i32 = arith.constant 0 : i32
    %c0_i32_0 = arith.constant 0 : i32
    return %arg0, %c0_i32 : i32, i32
  }
  func.func @transform_6(%arg0: i32) -> (i32, i32) {
    %c0_i32 = arith.constant 0 : i32
    %c0_i32_0 = arith.constant 0 : i32
    return %arg0, %c0_i32 : i32, i32
  }
  func.func @transform_7(%arg0: i32) -> (i32, i32) {
    %c0_i32 = arith.constant 0 : i32
    %c0_i32_0 = arith.constant 0 : i32
    %c0_i32_1 = arith.constant 0 : i32
    return %c0_i32, %c0_i32_0 : i32, i32
  }
  func.func @transform_8(%arg0: i32) -> (i32, i32) {
    %c0_i32 = arith.constant 0 : i32
    %c0_i32_0 = arith.constant 0 : i32
    %c0_i32_1 = arith.constant 0 : i32
    return %c0_i32, %c0_i32_0 : i32, i32
  }
  func.func @transform_9(%arg0: i32) -> (i32, i32) {
    %c0_i32 = arith.constant 0 : i32
    %c0_i32_0 = arith.constant 0 : i32
    %c0_i32_1 = arith.constant 0 : i32
    return %c0_i32, %c0_i32_0 : i32, i32
  }
  func.func @transform_10(%arg0: i32) -> (i32, i32) {
    %c0_i32 = arith.constant 0 : i32
    %c0_i32_0 = arith.constant 0 : i32
    %c0_i32_1 = arith.constant 0 : i32
    return %c0_i32, %c0_i32_0 : i32, i32
  }
  func.func @transform_11(%arg0: i32) -> (i32, i32) {
    %c0_i32 = arith.constant 0 : i32
    %c0_i32_0 = arith.constant 0 : i32
    return %arg0, %c0_i32 : i32, i32
  }
  func.func @transform_12(%arg0: i32) -> (i32, i32) {
    %c0_i32 = arith.constant 0 : i32
    %c0_i32_0 = arith.constant 0 : i32
    return %arg0, %c0_i32 : i32, i32
  }
}

module attributes {stable_mosaic.version = 14 : i64} {
  func.func @_topk_body(%arg0: memref<2560x128xf32, #tpu.memory_space<vmem>>, %arg1: memref<2560x128xf32, #tpu.memory_space<vmem>>) attributes {dimension_semantics = [], scalar_prefetch = 0 : i64, scratch_operands = 0 : i64, tpu.core_type = #tpu.core_type<tc>} {
    %get3A = arith.constant 0 : index
    %get3A_0 = arith.constant 0 : index
    %get3A_1 = vector.load %arg0[%get3A, %get3A_0] : memref<2560x128xf32, #tpu.memory_space<vmem>>, vector<2560x128xf32>
    %bitcast_convert_type3A = tpu.bitcast %get3A_1 : vector<2560x128xf32> -> vector<2560x128xi32>
    %shift_right_arithmetic3A = arith.constant 31 : i32
    %shift_right_arithmetic3A_2 = vector.broadcast %shift_right_arithmetic3A : i32 to vector<2560x128xi32>
    %shift_right_arithmetic3A_3 = arith.shrsi %bitcast_convert_type3A, %shift_right_arithmetic3A_2 : vector<2560x128xi32>
    %and3A = arith.constant 2147483647 : i32
    %and3A_4 = vector.broadcast %and3A : i32 to vector<2560x128xi32>
    %and3A_5 = arith.andi %shift_right_arithmetic3A_3, %and3A_4 : vector<2560x128xi32>
    %xor3A = arith.xori %bitcast_convert_type3A, %and3A_5 : vector<2560x128xi32>
    %scan3A = arith.constant -2147483648 : i32
    %scan3A_6 = arith.constant 2147483647 : i32
    %scan3A_7 = arith.constant 0 : i32
    %scan3A_8 = arith.constant 33 : i32
    %scan3A_9 = arith.addi %scan3A_7, %scan3A_8 : i32
    %scan3A_10 = arith.constant 1 : i32
    %scan3A_11:2 = scf.for %scan3A_37 = %scan3A_7 to %scan3A_9 step %scan3A_10 iter_args(%scan3A_38 = %scan3A, %scan3A_39 = %scan3A_6) -> (i32, i32)  : i32 {
      %shift_right_arithmetic3A_40 = arith.constant 1 : i32
      %shift_right_arithmetic3A_41 = arith.shrsi %scan3A_38, %shift_right_arithmetic3A_40 : i32
      %shift_right_arithmetic3A_42 = arith.constant 1 : i32
      %shift_right_arithmetic3A_43 = arith.shrsi %scan3A_39, %shift_right_arithmetic3A_42 : i32
      %add3A_44 = arith.addi %shift_right_arithmetic3A_41, %shift_right_arithmetic3A_43 : i32
      %and3A_45 = arith.andi %scan3A_38, %scan3A_39 : i32
      %and3A_46 = arith.constant 1 : i32
      %and3A_47 = arith.andi %and3A_45, %and3A_46 : i32
      %add3A_48 = arith.addi %add3A_44, %and3A_47 : i32
      %xor3A_49 = arith.xori %scan3A_38, %scan3A_39 : i32
      %and3A_50 = arith.constant 1 : i32
      %and3A_51 = arith.andi %xor3A_49, %and3A_50 : i32
      %add3A_52 = arith.addi %add3A_48, %and3A_51 : i32
      %lt3A = arith.cmpi slt, %scan3A_38, %scan3A_39 : i32
      %select_n3A = arith.select %lt3A, %add3A_52, %scan3A_38 : i32
      %ge3A = vector.broadcast %select_n3A : i32 to vector<2560x128xi32>
      %ge3A_53 = arith.cmpi sge, %xor3A, %ge3A : vector<2560x128xi32>
      %convert_element_type3A_54 = arith.extui %ge3A_53 : vector<2560x128xi1> to vector<2560x128xi32>
      %reduce_sum3A_55 = vector.shape_cast %convert_element_type3A_54 : vector<2560x128xi32> to vector<1x2560x128xi32>
      %reduce_sum3A_56 = arith.constant dense<0> : vector<1xi32>
      %reduce_sum3A_57 = vector.multi_reduction <add>, %reduce_sum3A_55, %reduce_sum3A_56 [1, 2] : vector<1x2560x128xi32> to vector<1xi32>
      %reduce_sum3A_58 = vector.shape_cast %reduce_sum3A_57 : vector<1xi32> to vector<1x1x1xi32>
      %reduce_sum3A_59 = vector.extract %reduce_sum3A_58[0, 0, 0] : i32 from vector<1x1x1xi32>
      %ge3A_60 = arith.constant 1024 : i32
      %ge3A_61 = arith.cmpi sge, %reduce_sum3A_59, %ge3A_60 : i32
      %select_n3A_62 = arith.select %ge3A_61, %select_n3A, %scan3A_38 : i32
      %sub3A_63 = arith.constant 1 : i32
      %sub3A_64 = arith.subi %select_n3A, %sub3A_63 : i32
      %select_n3A_65 = arith.select %ge3A_61, %scan3A_39, %sub3A_64 : i32
      scf.yield %select_n3A_62, %select_n3A_65 : i32, i32
    }
    %gt3A = vector.broadcast %scan3A_11#0 : i32 to vector<2560x128xi32>
    %gt3A_12 = arith.cmpi sgt, %xor3A, %gt3A : vector<2560x128xi32>
    %convert_element_type3A = arith.extui %gt3A_12 : vector<2560x128xi1> to vector<2560x128xi32>
    %reduce_sum3A = vector.shape_cast %convert_element_type3A : vector<2560x128xi32> to vector<1x2560x128xi32>
    %reduce_sum3A_13 = arith.constant dense<0> : vector<1xi32>
    %reduce_sum3A_14 = vector.multi_reduction <add>, %reduce_sum3A, %reduce_sum3A_13 [1, 2] : vector<1x2560x128xi32> to vector<1xi32>
    %reduce_sum3A_15 = vector.shape_cast %reduce_sum3A_14 : vector<1xi32> to vector<1x1x1xi32>
    %reduce_sum3A_16 = vector.extract %reduce_sum3A_15[0, 0, 0] : i32 from vector<1x1x1xi32>
    %sub3A = arith.constant 1024 : i32
    %sub3A_17 = arith.subi %sub3A, %reduce_sum3A_16 : i32
    %eq3A = vector.broadcast %scan3A_11#0 : i32 to vector<2560x128xi32>
    %eq3A_18 = arith.cmpi eq, %xor3A, %eq3A : vector<2560x128xi32>
    %iota3A = tpu.iota {dimensions = array<i32: 0>} : vector<2560x128xi32>
    %iota3A_19 = tpu.iota {dimensions = array<i32: 1>} : vector<2560x128xi32>
    %mul3A = arith.constant 128 : i32
    %mul3A_20 = vector.broadcast %mul3A : i32 to vector<2560x128xi32>
    %mul3A_21 = arith.muli %iota3A, %mul3A_20 : vector<2560x128xi32>
    %add3A = arith.addi %mul3A_21, %iota3A_19 : vector<2560x128xi32>
    %scan3A_22 = arith.constant 0 : i32
    %scan3A_23 = arith.constant 327679 : i32
    %scan3A_24 = arith.constant 0 : i32
    %scan3A_25 = arith.constant 20 : i32
    %scan3A_26 = arith.addi %scan3A_24, %scan3A_25 : i32
    %scan3A_27 = arith.constant 1 : i32
    %scan3A_28:2 = scf.for %scan3A_37 = %scan3A_24 to %scan3A_26 step %scan3A_27 iter_args(%scan3A_38 = %scan3A_22, %scan3A_39 = %scan3A_23) -> (i32, i32)  : i32 {
      %lt3A = arith.cmpi slt, %scan3A_38, %scan3A_39 : i32
      %add3A_40 = arith.addi %scan3A_38, %scan3A_39 : i32
      %shift_right_arithmetic3A_41 = arith.constant 1 : i32
      %shift_right_arithmetic3A_42 = arith.shrsi %add3A_40, %shift_right_arithmetic3A_41 : i32
      %select_n3A = arith.select %lt3A, %shift_right_arithmetic3A_42, %scan3A_38 : i32
      %le3A_43 = vector.broadcast %select_n3A : i32 to vector<2560x128xi32>
      %le3A_44 = arith.cmpi sle, %add3A, %le3A_43 : vector<2560x128xi32>
      %and3A_45 = arith.andi %eq3A_18, %le3A_44 : vector<2560x128xi1>
      %convert_element_type3A_46 = arith.extui %and3A_45 : vector<2560x128xi1> to vector<2560x128xi32>
      %reduce_sum3A_47 = vector.shape_cast %convert_element_type3A_46 : vector<2560x128xi32> to vector<1x2560x128xi32>
      %reduce_sum3A_48 = arith.constant dense<0> : vector<1xi32>
      %reduce_sum3A_49 = vector.multi_reduction <add>, %reduce_sum3A_47, %reduce_sum3A_48 [1, 2] : vector<1x2560x128xi32> to vector<1xi32>
      %reduce_sum3A_50 = vector.shape_cast %reduce_sum3A_49 : vector<1xi32> to vector<1x1x1xi32>
      %reduce_sum3A_51 = vector.extract %reduce_sum3A_50[0, 0, 0] : i32 from vector<1x1x1xi32>
      %ge3A = arith.cmpi sge, %reduce_sum3A_51, %sub3A_17 : i32
      %add3A_52 = arith.constant 1 : i32
      %add3A_53 = arith.addi %select_n3A, %add3A_52 : i32
      %select_n3A_54 = arith.select %ge3A, %scan3A_38, %add3A_53 : i32
      %select_n3A_55 = arith.select %ge3A, %select_n3A, %scan3A_39 : i32
      scf.yield %select_n3A_54, %select_n3A_55 : i32, i32
    }
    %gt3A_29 = vector.broadcast %scan3A_11#0 : i32 to vector<2560x128xi32>
    %gt3A_30 = arith.cmpi sgt, %xor3A, %gt3A_29 : vector<2560x128xi32>
    %le3A = vector.broadcast %scan3A_28#0 : i32 to vector<2560x128xi32>
    %le3A_31 = arith.cmpi sle, %add3A, %le3A : vector<2560x128xi32>
    %and3A_32 = arith.andi %eq3A_18, %le3A_31 : vector<2560x128xi1>
    %or3A = arith.ori %gt3A_30, %and3A_32 : vector<2560x128xi1>
    %convert_element_type3A_33 = arith.extui %or3A : vector<2560x128xi1> to vector<2560x128xi32>
    %convert_element_type3A_34 = arith.sitofp %convert_element_type3A_33 : vector<2560x128xi32> to vector<2560x128xf32>
    %swap3A = arith.constant 0 : index
    %swap3A_35 = arith.constant 0 : index
    %swap3A_36 = vector.load %arg1[%swap3A, %swap3A_35] : memref<2560x128xf32, #tpu.memory_space<vmem>>, vector<2560x128xf32>
    tpu.vector_store %arg1[%swap3A, %swap3A_35], %convert_element_type3A_34 {strides = array<i32>} : memref<2560x128xf32, #tpu.memory_space<vmem>>, vector<2560x128xf32>,
    return
  }
}

</mosaic_0001>

<sc_bundles>
// kernel: kernel.10.cloned.1.call-start
scs
__scs_entry_jumppad:
0x0: {  	(pc) =	sbr.rel $0x88, $3  }
0x1: {  	(tag) =	ssettag $0x0;
	lr =	simm.s32 $0x1  }
0x2: {  	[smem:$0x3F8F] =	sst lr;
	_ =	strace $0xD0000000  }
0x3: {  	_ = 	snop  }
0x4: {  	_ = 	snop  }
0x5: {  	_ = 	snop  }
0x6: {  	_ = 	snop  }
0x7: {  	_ = 	snop  }
__scs_overlays_trampoline_lowered:
0x8: {  	[smem:$0x3F9E] =	sst s0  }
0x9: {  	[smem:$0x3F9F] =	sst s1  }
0xa: {  	[smem:$0x3FA0] =	sst s2  }
0xb: {  	[smem:$0x3FA1] =	sst s3  }
0xc: {  	[smem:$0x3FA2] =	sst s4  }
0xd: {  	[smem:$0x3FA3] =	sst s5  }
0xe: {  	[smem:$0x3FA4] =	sst s6  }
0xf: {  	[smem:$0x3FA5] =	sst s7  }
0x10: {  	[smem:$0x3FA6] =	sst s8  }
0x11: {  	[smem:$0x3FA7] =	sst s9;
	s0 =	simm.s32 @!p0 $0x0  }
0x12: {  	s1 =	sld [smem:$0x3F8D];
	s0 =	simm.s32 @p0 $0x1  }
0x13: {  	[smem:$0x3FA8] =	sst s0;
	s0 =	simm.s32 @!p1 $0x0  }
0x14: {  	s2 =	sld [smem:$0x3F8C];
	s0 =	simm.s32 @p1 $0x1  }
0x15: {  	[smem:$0x3FA9] =	sst s0;
	s0 =	simm.s32 @!p2 $0x0  }
0x16: {  	s3 =	sld [smem:$0x3FDB];
	s0 =	simm.s32 @p2 $0x1  }
0x17: {  	s4 =	simm.s32 $0x1BF5;
	[smem:$0x3FAB] =	sst s0  }
0x18: {  	s0 =	sld [smem:$0x3F8E];
	_ =	swait.ge [sflag:s4], $0x0  }
0x19: {  	s7 =	sld [smem:$0x3F8F]  }
0x1a: {  	s8 =	sadd.s32 $0xFFFFE003, lr  }
0x1b: {  	s9 =	sadd.s32 $0xFFFFFEF7, lr;
	s5 =	simm.s32 $0xFFFFFFFF;
	p2 =	slt.u32 s8, $0xFFFFF086  }
0x1c: {  	p1 =	slt.u32 s9, $0xF7A;
	s5 =	simm.s32 @!p2 $0x0  }
0x1d: {  	s5 =	simm.s32 @p1 $0x1;
	p0 =	seq.s32 s7, s2  }
0x1e: {  	s7 =	smul.u32 @!p0 $0xF7A, s2;
	p2 =	seq.s32 @!p0 s5, $0x0  }
0x1f: {  	s9 =	smul.u32 $0xF7A, s1;
	s8 =	simm.s32 @!p0 $0x1BF5;
	p2 =	por !p2, p0  }
0x20: {  	[sflag:s8] =	ssyncset.s32 @!p0 $0xFFFFF086;
	s6 =	sadd.s32 @!p0 s3, s7;
	s7 =	simm.s32 @!p0 $0x108  }
0x21: {  	s3 =	sadd.s32 s3, s9;
	s6 =	sadd.s32 @!p0 $0x88, s6;
	s7 =	simm.s32 @p2 $0x1082  }
0x22: {  	[simem:s7], [sflag:s8] =	dma.local @!p0 [hbm:s6], $0xF7A  }
0x23: {  	s9 =	sor.u32 $0xD0000000, s2;
	s6 =	simm.s32 $0x108;
	_ =	swait.ge @!p0 [sflag:s8], $0x0  }
0x24: {  	s3 =	sadd.s32 $0x88, s3;
	s6 =	simm.s32 @!p1 $0x1082;
	[sflag:s4] =	ssyncset.s32 $0xFFFFF086  }
0x25: {  	[simem:s6], [sflag:s4] =	dma.local [hbm:s3], $0xF7A  }
0x26: {  	[smem:$0x3F8F] =	sst s1;
	(tag) =	ssettag s2;
	_ =	strace s9  }
0x27: {  	s1 =	sld [smem:$0x3F9F]  }
0x28: {  	s2 =	sld [smem:$0x3FA0]  }
0x29: {  	s4 =	sld [smem:$0x3FA2]  }
0x2a: {  	p0 =	seq.s32 s5, $0x0;
	s5 =	sld [smem:$0x3FA3]  }
0x2b: {  	s6 =	sld [smem:$0x3FA4]  }
0x2c: {  	s7 =	sld [smem:$0x3FA5]  }
0x2d: {  	s3 =	simm.s32 $0x108;
	s8 =	sld [smem:$0x3FA6]  }
0x2e: {  	s3 =	simm.s32 @!p0 $0x1082;
	s9 =	sld [smem:$0x3FA7]  }
0x2f: {  	lr =	sadd.s32 s0, s3;
	s0 =	sld [smem:$0x3F9E]  }
0x30: {  	s3 =	sld [smem:$0x3FA1]  }
0x31: {  	[smem:$0x3FAA] =	sst s10  }
0x32: {  	s10 =	sld [smem:$0x3FA8];
	_ =	sdelay $0x3  }
0x33: {  	p0 =	seq.s32 s10, $0x1;
	s10 =	sld [smem:$0x3FAA];
	_ =	sdelay $0x3  }
0x34: {  	[smem:$0x3FAA] =	sst s10  }
0x35: {  	s10 =	sld [smem:$0x3FA9];
	_ =	sdelay $0x3  }
0x36: {  	p1 =	seq.s32 s10, $0x1;
	s10 =	sld [smem:$0x3FAA];
	_ =	sdelay $0x3  }
0x37: {  	[smem:$0x3FAA] =	sst s10  }
0x38: {  	s10 =	sld [smem:$0x3FAB]  }
0x39: {  	_ = 	snop;
	(pc) =	sbr.ind lr, $3  }
0x3a: {  	_ = 	snop  }
0x3b: {  	_ = 	snop  }
0x3c: {  	p2 =	seq.s32 s10, $0x1;
	s10 =	sld [smem:$0x3FAA]  }
0x3d: {  	_ =	shalt  }
0x3e: {  	_ =	shalt  }
0x3f: {  	_ =	shalt  }
0x40: {  	_ =	shalt  }
0x41: {  	_ =	shalt  }
0x42: {  	_ =	shalt  }
0x43: {  	_ =	shalt  }
0x44: {  	_ =	shalt  }
0x45: {  	_ =	shalt  }
0x46: {  	_ =	shalt  }
0x47: {  	_ =	shalt  }
0x48: {  	_ =	shalt  }
0x49: {  	_ =	shalt  }
0x4a: {  	_ =	shalt  }
0x4b: {  	_ =	shalt  }
0x4c: {  	_ =	shalt  }
0x4d: {  	_ =	shalt  }
0x4e: {  	_ =	shalt  }
0x4f: {  	_ =	shalt  }
0x50: {  	_ =	shalt  }
0x51: {  	_ =	shalt  }
0x52: {  	_ =	shalt  }
0x53: {  	_ =	shalt  }
0x54: {  	_ =	shalt  }
0x55: {  	_ =	shalt  }
0x56: {  	_ =	shalt  }
0x57: {  	_ =	shalt  }
0x58: {  	_ =	shalt  }
0x59: {  	_ =	shalt  }
0x5a: {  	_ =	shalt  }
0x5b: {  	_ =	shalt  }
0x5c: {  	_ =	shalt  }
0x5d: {  	_ =	shalt  }
0x5e: {  	_ =	shalt  }
0x5f: {  	_ =	shalt  }
0x60: {  	_ =	shalt  }
0x61: {  	_ =	shalt  }
0x62: {  	_ =	shalt  }
0x63: {  	_ =	shalt  }
0x64: {  	_ =	shalt  }
0x65: {  	_ =	shalt  }
0x66: {  	_ =	shalt  }
0x67: {  	_ =	shalt  }
0x68: {  	_ =	shalt  }
0x69: {  	_ =	shalt  }
0x6a: {  	_ =	shalt  }
0x6b: {  	_ =	shalt  }
0x6c: {  	_ =	shalt  }
0x6d: {  	_ =	shalt  }
0x6e: {  	_ =	shalt  }
0x6f: {  	_ =	shalt  }
0x70: {  	_ =	shalt  }
0x71: {  	_ =	shalt  }
0x72: {  	_ =	shalt  }
0x73: {  	_ =	shalt  }
0x74: {  	_ =	shalt  }
0x75: {  	_ =	shalt  }
0x76: {  	_ =	shalt  }
0x77: {  	_ =	shalt  }
0x78: {  	_ =	shalt  }
0x79: {  	_ =	shalt  }
0x7a: {  	_ =	shalt  }
0x7b: {  	_ =	shalt  }
0x7c: {  	_ =	shalt  }
0x7d: {  	_ =	shalt  }
0x7e: {  	_ =	shalt  }
0x7f: {  	_ =	shalt  }
0x80: {  	_ =	shalt  }
0x81: {  	_ =	shalt  }
0x82: {  	_ =	shalt  }
0x83: {  	_ =	shalt  }
0x84: {  	_ =	shalt  }
0x85: {  	_ =	shalt  }
0x86: {  	_ =	shalt  }
0x87: {  	_ =	shalt  }
.Lfunc_end0:
.L_simem_size_0:
called_computation_lowered:
.L_overlay_start_0:
0x88: {  	s2 =	sld [smem:$0x3FD9]  }
0x89: {  	s3 =	sld [smem:$0x3FFE];
	_ =	sdelay $0x1  }
0x8a: {  	s1 =	srdreg.scid  }
0x8b: {  	s0 =	sand.u32 $0x1, s1  }
0x8c: {  	s16 =	sshll.u32 s0, $0xA;
	s2 =	sadd.s32 s3, s2  }
0x8d: {  	s2 =	sadd.s32 s2, s16  }
0x8e: {  	[smem:$0x3FB6] =	sst s2  }
0x8f: {  	_ = 	snop  }
0x90: {  	(tm) =	ssettm $0x1  }
0x91: {  	s17 =	sld [smem:$0x3FFB];
	_ =	sdelay $0x3  }
0x92: {  	_ =	strace s17  }
0x93: {  	s2 =	sld [smem:$0x3FFC];
	_ =	sdelay $0x3  }
0x94: {  	_ =	strace s2  }
0x95: {  	s2 =	sld [smem:$0x3FFD];
	_ =	sdelay $0x3  }
0x96: {  	_ =	strace s2  }
0x97: {  	_ =	strace $0x8FFFFFFF  }
0x98: {  	s18 =	sld [smem:$0x3FDB];
	_ =	sdelay $0x1  }
0x99: {  	s19 =	simm.s32 $_scs_section_size  }
0x9a: {  	s4 =	simm.s32 $_size__tile_overlayer_lowered;
	s5 =	simm.s32 $_tile_overlayer_lowered  }
0x9b: {  	s22 =	simm.s32 $0x1BFF;
	s21 =	sshll.u32 s5, $0x1;
	s2 =	sadd.s32 s19, s18  }
0x9c: {  	s6 =	simm.s32 $0x0;
	s20 =	sshll.u32 s4, $0x1;
	s4 =	sadd.s32 s21, s2  }
0x9d: {  	[timem:s6], [sflag:s22] =	dma.local [hbm:s4], s20  }
0x9e: {  	_ =	swait.ge [sflag:s22], s20  }
0x9f: {  	s3 =	ssub.s32 $0x0, s20;
	[sflag:s22] =	ssyncset.done $0x0  }
0xa0: {  	[sflag:s22] =	ssyncadd.s32 s3;
	_ =	sdelay $0x1  }
0xa1: {  	s23 =	simm.s32 $0x1B8B  }
0xa2: {  	_ =	swait.ge [sflag:s23], $0x1  }
0xa3: {  	[sflag:s23] =	ssyncset.done $0x0  }
0xa4: {  	s25 =	simm.s32 $0x1B8E;
	s24 =	sld [smem:$0x3FFE];
	[sflag:s23] =	ssyncadd.s32 $0xFFFFFFFF  }
0xa5: {  	s26 =	simm.s32 $execute0_lowered;
	[smem:$0x3FD2] =	sst s25  }
0xa6: {  	s4 =	sshll.u32 s26, $0x1;
	_ =	strace $0x80000046;
	[dreg:$0x1] =	wrdreg $0xFFFFFFFF  }
0xa7: {  	s28 =	simm.s32 $_size_execute0_lowered;
	s2 =	sadd.s32 s2, s4;
	[dreg:$0x0] =	wrdreg $0x0  }
0xa8: {  	s4 =	sshll.u32 s28, $0x1;
	[dreg:$0x2] =	wrdreg s2  }
0xa9: {  	[dreg:$0x3] =	wrdreg s4  }
0xaa: {  	[dreg:$0x4] =	wrdreg $0xC0  }
0xab: {  	_ =	task [dreg:s6], $0x5FFFF  }
0xac: {  	[dreg:$0x1] =	wrdreg $0xFFFFFFFF  }
0xad: {  	[dreg:$0x0] =	wrdreg $0x60  }
0xae: {  	[dreg:$0x2] =	wrdreg s24  }
0xaf: {  	[dreg:$0x3] =	wrdreg $0x9  }
0xb0: {  	_ =	task.clear_ibuf [dreg:s6], $0x4FFFF;
	_ =	strace $0x90000046  }
0xb1: {  	s29 =	simm.s32 $0x9;
	_ =	strace $0x80000048  }
0xb2: {  	_ =	swait.ge [sflag:s29], $0x1  }
0xb3: {  	[sflag:s29] =	ssyncadd.s32 $0xFFFFFFFF  }
0xb4: {  	_ =	strace $0x90000048  }
0xb5: {  	_ =	sfence  }
0xb6: {  	s30 =	sld [smem:$0x0];
	_ =	sdelay $0x2  }
0xb7: {  	s31 =	sshll.u32 s1, $0xD;
	s1 =	sshrl.u32 s1, $0x2  }
0xb8: {  	s3 =	sand.u32 $0x4000, s31;
	s1 =	sadd.s32 s1, s30  }
0xb9: {  	s0 =	sor.u32 s3, s0;
	s1 =	sshll.u32 s1, $0x11  }
0xba: {  	s0 =	sor.u32 s1, s0  }
0xbb: {  	s0 =	sadd.s32 $0x8F2B, s0  }
0xbc: {  	[sflag:s0] =	ssyncadd.remote.s32 $0x1  }
0xbd: {  	_ =	sfence.sel $0xFFFF  }
0xbe: {  	[dreg:$0x0] =	wrdreg $0xFFFFFFFF;
	(pc) =	sbr.abs _section_cstart, $3  }
0xbf: {  	[dreg:$0x1] =	wrdreg $0xFFFFFFFF  }
0xc0: {  	_ =	task.clear_ibuf [dreg:s6], $0x2FFFF;
	_ =	strace $0x9FFFFFFF  }
0xc1: {  	(tm) =	ssettm $0x7FFFFFFF  }
tec
execute0_lowered:
.L_overlay_start_1:
0x0: {  	(tag) =	ssettag $0x1  }
0x1: {  	s0 =	srdreg.scid;
	s1 =	stileid.u32;
	v0 =	vimm.s32 $0xEDCBA987;
	v1 =	vimm.s32 $0x65432100  }
0x2: {  	s8 =	rddreg [dreg:$0x0];
	s2 =	simm.s32 $0x0;
	v4 =	vimm.s32 $0x54321000;
	v5 =	vimm.s32 $0xDCBA9876;
	v6 =	vimm.s32 $0xBA987654;
	s13 =	simm.s32 $0x7  }
0x3: {  	v7 =	vimm.s32 $0x32100000;
	v8 =	vimm.s32 $0xE40000;
	s14 =	simm.s32 $0x14E00;
	s15 =	simm.s32 $0x1;
	vm0 =	vmmov $0x3;
	s16 =	simm.s32 $0x2800  }
0x4: {  	s17 =	simm.s32 $0x2A00;
	vm1 =	vmmov $0xf;
	vm2 =	vcmask $0x3F30;
	s18 =	simm.s32 $0x2C00;
	s19 =	simm.s32 $0x80;
	v0 =	vunpack.c.l.s4.s8 v0  }
0x5: {  	s20 =	simm.s32 $0x2E00;
	s0 =	sand.u32 $0x1, s0;
	s1 =	sshll.u32 s1, $0x1;
	v2 =	vunpack.c.l.s4.s8 v1;
	v4 =	vunpack.c.l.s4.s8 v4;
	v5 =	vunpack.c.l.s4.s8 v5  }
0x6: {  	s21 =	simm.s32 $0x6E00;
	s22 =	simm.s32 $0x2;
	v6 =	vunpack.c.l.s4.s8 v6;
	v7 =	vunpack.c.l.s4.s8 v7;
	v8 =	vunpack.c.l.s2.s4 v8;
	s1 =	sor.u32 s0, s1  }
0x7: {  	s23 =	simm.s32 $0x0;
	[smem:$0x7FF] =	sst s2;
	s7 =	smul.u32 $0x140, s1;
	v3 =	vunpack.c.0.s8.s32 v0;
	v2 =	vunpack.c.0.s8.s32 v2;
	v5 =	vunpack.c.0.s8.s32 v5  }
0x8: {  	s4 =	sadd.s32 $0x4E5800, s8;
	s5 =	sadd.s32 $0x17200, s8;
	s6 =	sadd.s32 $0x3800, s8;
	v4 =	vunpack.c.0.s8.s32 v4;
	v6 =	vunpack.c.0.s8.s32 v6;
	v7 =	vunpack.c.0.s8.s32 v7  }
0x9: {  	s9 =	sadd.s32 $0x52E00, s8;
	s30 =	sadd.s32 $0x52C00, s8;
	_ =	strace $0x80000047;
	v8 =	vunpack.c.l.s4.s8 v8;
	v0 =	vmov s7;
	v5 =	vand.u32 $0xF, v5  }
0xa: {  	[dreg:$0x2] =	wrdreg s9;
	s0 =	ssub.s32 $0x2, s0;
	s1 =	smul.u32 $0x1400, s1;
	v3 =	vand.u32 $0xF, v3;
	v4 =	vcombine.low v4, v5;
	v5 =	vand.u32 $0xF, v6  }
0xb: {  	[dreg:$0x3] =	wrdreg s30;
	s31 =	sshrl.u32 s0, $0x1;
	s3 =	sadd.s32 $0x140, s7;
	v8 =	vunpack.c.0.s8.s32 v8;
	v5 =	vcombine.low v7, v5;
	v7 =	vimm.s32 $0x7060504  }
0xc: {  	s0 =	ssub.s32 s0, s31;
	s7 =	sshrl.u32 s7, $0x3;
	s1 =	sadd.s32 s1, s8;
	v1 =	vmov s3;
	v2 =	vcombine.low v2, v3;
	v7 =	vunpack.c.0.s8.s32 v7  }
0xd: {  	s11 =	smax.u32 s0, $0x1;
	s3 =	sadd.s32 $0x2AC00, s8;
	s7 =	sadd.s32 s7, s8;
	v3 =	vimm.s32 $0x0;
	v6 =	vlaneseq.u32;
	v8 =	vand.u32 $0x3, v8  }
0xe: {  	s9 =	sadd.s32 $0x54800, s1;
	s1 =	simm.s32 $0xAE00;
	s10 =	sadd.s32 $0x54200, s7;
	v7 =	vsel vm2, v7, v8;
	vm2 =	vmmov $0xff;
	v8 =	vimm.f32 $1.000000000e+00  }
.LBB2_1:
0xf: {  	s0 =	rddreg [dreg:$0x2]  }
0x10: {  	[tilespmem:s1], [sflag:$0x7] =	stream.linear.gather [hbm4b:s0+s2], $0xA000, $0x38;
	[tilespmem:$0x14F80] =	vst v63  }
0x11: {  	_ =	swait.ge [sflag:s13], $0xA000  }
0x12: {  	[sflag:s13] =	ssyncset.done $0x0  }
0x13: {  	s31 =	rddreg [dreg:$0x3];
	[sflag:s13] =	ssyncadd.s32 $0xFFFF6000  }
0x14: {  	[tilespmem:s14], [sflag:$0x7] =	stream.linear.gather [hbm4b:s31+s2], $0x180, $0x38;
	[tilespmem:$0x14F80] =	vst v63  }
0x15: {  	_ =	swait.ge [sflag:s13], $0x180  }
0x16: {  	[sflag:s13] =	ssyncset.done $0x0  }
0x17: {  	s7 =	simm.s32 $0x0;
	s0 =	simm.s32 $0x40;
	[sflag:s13] =	ssyncadd.s32 $0xFFFFFE80  }
.LBB2_2:
0x18: {  	p0 =	sne.s32 s0, $0x7C0;
	[tilespmem:s7+$0x2A00] =	vst v3;
	s1 =	smov.u32 s0;
	s0 =	sadd.s32 $0x40, s0  }
.Ltmp0:
0x19: {  	[tilespmem:s7+$0x2C00] =	vst v3;
	(pc) =	sbr.rel @p0 .LBB2_2-.Ltmp0, $2  }
0x1a: {  	_ =	sdelay $0x2  }
0x1b: {  	s7 =	sshra.s32 s1, $0x2  }
0x1c: {  	[tilespmem:s7+$0x2A00] =	vst v3  }
0x1d: {  	s1 =	simm.s32 $0x0;
	[tilespmem:s7+$0x2C00] =	vst v3;
	s0 =	simm.s32 $0x0;
	s7 =	simm.s32 $0x0  }
.LBB2_4:
0x1e: {  	p0 =	sne.s32 s7, $0x130  }
.Ltmp1:
0x1f: {  	_ = 	snop;
	(pc) =	sbr.rel @p0 .LBB2_4-.Ltmp1, $4  }
0x20: {  	_ = 	snop  }
0x21: {  	s8 =	sadd.s32 s7, s5  }
0x22: {  	[tilespmem:s0], [sflag:$0x3] =	stream.linear.gather [hbm4b:s8+s1], $0x80, $0x38;
	[tilespmem:$0x14F80] =	vst v63  }
0x23: {  	s7 =	sadd.s32 $0x10, s7;
	s0 =	sadd.s32 $0x100, s0  }
0x24: {  	s7 =	simm.s32 $0x1400  }
.LBB2_6:
0x25: {  	p0 =	seq.s32 s1, $0x130  }
.Ltmp2:
0x26: {  	_ = 	snop;
	(pc) =	sbr.rel @!p0 .LBB2_6-.Ltmp2, $4  }
0x27: {  	_ = 	snop  }
0x28: {  	s8 =	sadd.s32 s1, s6;
	s0 =	simm.s32 $0x0  }
0x29: {  	[tilespmem:s7], [sflag:$0x5] =	stream.linear.gather [hbm4b:s8+s0], $0x80, $0x38;
	[tilespmem:$0x14F80] =	vst v63  }
0x2a: {  	s1 =	sadd.s32 $0x10, s1;
	s7 =	sadd.s32 $0x100, s7  }
.Ltmp3:
0x2b: {  	(pc) =	sbr.rel .LBB2_9-.Ltmp3, $2  }
0x2c: {  	_ =	sdelay $0x2  }
0x2d: {  	p0 =	por $0x1, $0x1;
	s24 =	simm.s32 $0x0  }
.LBB2_8:
0x2e: {  	p1 =	seq.s32 s25, $0xFA  }
.Ltmp4:
0x2f: {  	_ = 	snop;
	(pc) =	sbr.rel @p1 .LBB2_21-.Ltmp4, $2  }
0x30: {  	_ =	sdelay $0x2  }
0x31: {  	p0 =	por !p0, !p0;
	s0 =	smov.u32 s25  }
.LBB2_9:
0x32: {  	s1 =	sand.u32 $0x1, s0  }
0x33: {  	s7 =	sadd.s32 $0x3, s1  }
0x34: {  	p1 =	seq.s32 s0, $0xF9;
	_ =	swait.ge [sflag:s7], $0xA00  }
.Ltmp5:
0x35: {  	[sflag:s7] =	ssyncset.done $0x0;
	(pc) =	sbr.rel @p1 .LBB2_15-.Ltmp5, $4  }
0x36: {  	s31 =	sadd.s32 $0x5, s1;
	[sflag:s7] =	ssyncadd.s32 $0xFFFFF600  }
0x37: {  	_ =	swait.ge [sflag:s31], $0xA00  }
0x38: {  	[sflag:s31] =	ssyncset.done $0x0  }
0x39: {  	s25 =	sadd.s32 $0x1, s0;
	[sflag:s31] =	ssyncadd.s32 $0xFFFFF600  }
0x3a: {  	s7 =	simm.s32 $0x1;
	s26 =	smul.u32 $0x140, s25;
	s28 =	sxor.u32 $0x1, s1  }
0x3b: {  	s7 =	simm.s32 @!p0 $0x0;
	s30 =	sadd.s32 $0x3, s28  }
0x3c: {  	s29 =	sshll.u32 s7, $0x7;
	s31 =	sadd.s32 s5, s26;
	s7 =	simm.s32 $0x10  }
0x3d: {  	s1 =	sor.u32 $0x1400, s29;
	s12 =	sadd.s32 $0x0, s31;
	s8 =	sadd.s32 $0x100, s29  }
.LBB2_11:
0x3e: {  	[tilespmem:s29], [sflag:s30] =	stream.linear.gather [hbm4b:s12+s2], $0x80, $0x38;
	[tilespmem:$0x14F80] =	vst v63  }
0x3f: {  	s12 =	smov.u32 s7;
	s29 =	smov.u32 s8;
	p1 =	sne.s32 s7, $0x130  }
.Ltmp6:
0x40: {  	s7 =	sadd.s32 $0x10, s7;
	(pc) =	sbr.rel @p1 .LBB2_11-.Ltmp6, $2  }
0x41: {  	_ =	sdelay $0x2  }
0x42: {  	s8 =	sadd.s32 $0x100, s8;
	s12 =	sadd.s32 s12, s31  }
0x43: {  	[tilespmem:s29], [sflag:s30] =	stream.linear.gather [hbm4b:s12+s2], $0x80, $0x38;
	[tilespmem:$0x14F80] =	vst v63  }
0x44: {  	s28 =	sadd.s32 $0x5, s28;
	s26 =	sadd.s32 s6, s26  }
0x45: {  	s7 =	simm.s32 $0x10;
	s8 =	sadd.s32 $0x100, s1;
	s12 =	sadd.s32 $0x0, s26  }
.LBB2_13:
0x46: {  	[tilespmem:s1], [sflag:s28] =	stream.linear.gather [hbm4b:s12+s2], $0x80, $0x38;
	[tilespmem:$0x14F80] =	vst v63  }
0x47: {  	s12 =	smov.u32 s7;
	s1 =	smov.u32 s8;
	p1 =	sne.s32 s7, $0x130  }
.Ltmp7:
0x48: {  	s7 =	sadd.s32 $0x10, s7;
	(pc) =	sbr.rel @p1 .LBB2_13-.Ltmp7, $2  }
0x49: {  	_ =	sdelay $0x2  }
0x4a: {  	s8 =	sadd.s32 $0x100, s8;
	s12 =	sadd.s32 s12, s26  }
0x4b: {  	[tilespmem:s1], [sflag:s28] =	stream.linear.gather [hbm4b:s12+s2], $0x80, $0x38;
	[tilespmem:$0x14F80] =	vst v63  }
.LBB2_15:
.Ltmp8:
0x4c: {  	(pc) =	sbr.rel .LBB2_16-.Ltmp8, $3  }
0x4d: {  	_ =	sdelay $0x1  }
0x4e: {  	s1 =	sshll.u32 s0, $0x7  }
0x4f: {  	s26 =	smul.u32 $0xA00, s0;
	s29 =	simm.s32 $0x0;
	s28 =	sand.u32 $0x80, s1  }
.LBB2_19:
0x50: {  	v9 =	vld [tilespmem:s31+$0x2E70]  }
0x51: {  	v10 =	vld [tilespmem:s31+$0x6E70];
	_ =	sdelay $0x4  }
0x52: {  	v9 =	vadd.f32 v10, v9;
	_ =	sdelay $0x1  }
0x53: {  	[tilespmem:s0+$0xAE70] =	vst.add.f32.msk $0xffff, v9  }
0x54: {  	v9 =	vld [tilespmem:$0x2880]  }
0x55: {  	v10 =	vld [tilespmem:$0x2A80]  }
0x56: {  	v11 =	vld [tilespmem:$0x2C80]  }
0x57: {  	v12 =	vld [tilespmem:$0x2890]  }
0x58: {  	v13 =	vld [tilespmem:$0x2A90]  }
0x59: {  	v57 =	vld [tilespmem:$0x2CA0];
	[tilespmem:$0x2800] =	vst v9  }
0x5a: {  	v9 =	vld [tilespmem:$0x2C90];
	[tilespmem:$0x2A00] =	vst v10  }
0x5b: {  	v10 =	vld [tilespmem:$0x28A0];
	[tilespmem:$0x2C00] =	vst v11  }
0x5c: {  	v11 =	vld [tilespmem:$0x2AA0];
	[tilespmem:$0x2810] =	vst v12  }
0x5d: {  	v58 =	vld [tilespmem:$0x28B0];
	[tilespmem:$0x2A10] =	vst v13  }
0x5e: {  	v59 =	vld [tilespmem:$0x2AC0];
	[tilespmem:$0x2C20] =	vst v57  }
0x5f: {  	[tilespmem:$0x2C10] =	vst v9;
	v9 =	vld [tilespmem:$0x2AB0]  }
0x60: {  	[tilespmem:$0x2820] =	vst v10;
	v10 =	vld [tilespmem:$0x2CB0]  }
0x61: {  	[tilespmem:$0x2A20] =	vst v11;
	v11 =	vld [tilespmem:$0x28C0]  }
0x62: {  	v60 =	vld [tilespmem:$0x2CC0];
	[tilespmem:$0x2830] =	vst v58  }
0x63: {  	v61 =	vld [tilespmem:$0x28E0];
	[tilespmem:$0x2A40] =	vst v59  }
0x64: {  	[tilespmem:$0x2A30] =	vst v9;
	v9 =	vld [tilespmem:$0x28D0]  }
0x65: {  	[tilespmem:$0x2C30] =	vst v10;
	v10 =	vld [tilespmem:$0x2AD0]  }
0x66: {  	[tilespmem:$0x2840] =	vst v11;
	v11 =	vld [tilespmem:$0x2CD0]  }
0x67: {  	v62 =	vld [tilespmem:$0x2AE0];
	[tilespmem:$0x2C40] =	vst v60  }
0x68: {  	v63 =	vld [tilespmem:$0x2CF0];
	[tilespmem:$0x2860] =	vst v61  }
0x69: {  	[tilespmem:$0x2850] =	vst v9;
	v9 =	vld [tilespmem:$0x2CE0]  }
0x6a: {  	[tilespmem:$0x2A50] =	vst v10;
	v10 =	vld [tilespmem:$0x28F0]  }
0x6b: {  	[tilespmem:$0x2C50] =	vst v11;
	v11 =	vld [tilespmem:$0x2AF0]  }
0x6c: {  	[tilespmem:$0x2A60] =	vst v62  }
0x6d: {  	[tilespmem:$0x2C70] =	vst v63  }
0x6e: {  	[tilespmem:$0x2C60] =	vst v9  }
0x6f: {  	[tilespmem:$0x2870] =	vst v10  }
0x70: {  	[tilespmem:$0x2A70] =	vst v11  }
.LBB2_20:
0x71: {  	s29 =	sadd.s32 $0x1, s29  }
0x72: {  	p2 =	seq.s32 s29, $0xA0  }
.Ltmp9:
0x73: {  	_ = 	snop;
	(pc) =	sbr.rel @p2 .LBB2_8-.Ltmp9, $3  }
0x74: {  	_ =	sdelay $0x1  }
0x75: {  	p1 =	sgt.s32 s24, $0x7F;
	s0 =	sadd.s32 $0xFFFFFF80, s24  }
0x76: {  	s24 =	smov.u32 @p1 s0  }
.LBB2_16:
0x77: {  	s1 =	sshll.u32 s29, $0x5  }
0x78: {  	s0 =	sshll.u32 s29, $0x4;
	s1 =	sand.u32 $0x1F00, s1  }
0x79: {  	s7 =	sand.u32 $0x70, s0;
	s1 =	sor.u32 s28, s1  }
0x7a: {  	s1 =	sor.u32 s7, s1  }
0x7b: {  	v9 =	vld [tilespmem:s1+$0x0];
	_ =	sdelay $0x4  }
0x7c: {  	vm3 =	vge.s32 v9, v0;
	vm4 =	vlt.s32 v9, v1  }
0x7d: {  	vm3 =	vmand vm3, vm4  }
0x7e: {  	v10 =	vmpcnt.ones.xlane vm3;
	_ =	sdelay $0x1  }
0x7f: {  	(v2sf) =	vpush v10, $0x0;
	_ =	sdelay $0xe  }
0x80: {  	s30 =	spop (v2sf)  }
0x81: {  	p1 =	slt.s32 s30, $0x1  }
0x82: {  	v10 =	vsel @!p1 vm3, $0x1, v3  }
0x83: {  	v11 =	vperm.xlane @!p1 v10, v2  }
0x84: {  	vm4 =	veq.s32 @!p1 v6, $0x0  }
0x85: {  	v11 =	vsel @!p1 vm4, $0x0, v11  }
0x86: {  	v10 =	vadd.s32 @!p1 v10, v11  }
0x87: {  	v11 =	vperm.xlane @!p1 v10, v4;
	_ =	sdelay $0x1  }
0x88: {  	v11 =	vsel @!p1 vm0, $0x0, v11  }
0x89: {  	v10 =	vadd.s32 @!p1 v11, v10  }
0x8a: {  	v11 =	vperm.xlane @!p1 v10, v5;
	_ =	sdelay $0x1  }
0x8b: {  	v11 =	vsel @!p1 vm1, $0x0, v11  }
0x8c: {  	v10 =	vadd.s32 @!p1 v11, v10;
	v11 =	vmov @!p1 s24  }
0x8d: {  	v12 =	vperm.xlane @!p1 v10, v7;
	v11 =	vadd.s32 @!p1 $0xFFFFFFFF, v11  }
0x8e: {  	v11 =	vbroadcast @!p1 v11, $0x0  }
0x8f: {  	v12 =	vsel @!p1 vm2, $0x0, v12  }
0x90: {  	v11 =	vadd.s32 @!p1 v12, v11  }
0x91: {  	v10 =	vadd.s32 @!p1 v10, v11;
	_ =	sdelay $0x3  }
0x92: {  	v9 =	vsub.s32 @!p1 v9, v0  }
0x93: {  	[tilespmem:v10+s16+$0x0] =	vst.idx.msk @!p1 vm3, v9  }
0x94: {  	v9 =	vld @!p1 [tilespmem:s1+$0x1400];
	_ =	sdelay $0x3  }
0x95: {  	s0 =	sadd.s32 @!p1 s26, s0  }
0x96: {  	s24 =	sadd.s32 s24, s30;
	v11 =	vor.u32 @!p1 s0, v6;
	[tilespmem:v10+s17+$0x0] =	vst.idx.msk @!p1 vm3, v9  }
0x97: {  	[tilespmem:v10+s18+$0x0] =	vst.idx.msk @!p1 vm3, v11;
	p1 =	slt.s32 s24, $0x80  }
.Ltmp10:
0x98: {  	_ = 	snop;
	(pc) =	sbr.rel @p1 .LBB2_20-.Ltmp10, $1  }
0x99: {  	_ =	sdelay $0x3  }
0x9a: {  	[tilespmem:s20], [sflag:$0x1] =	stream.indirect.gather [hbm4b:s3+s19], $0x80, s17, s19, $0xb8;
	[tilespmem:$0x14F80] =	vst v63  }
0x9b: {  	_ = 	snop  }
0x9c: {  	[tilespmem:s21], [sflag:$0x2] =	stream.indirect.gather [hbm4b:s4+s19], $0x80, s18, s19, $0xb8;
	[tilespmem:$0x14F80] =	vst v63  }
0x9d: {  	_ =	swait.ge [sflag:s15], $0x4000  }
0x9e: {  	[sflag:s15] =	ssyncset.done $0x0  }
0x9f: {  	[sflag:s15] =	ssyncadd.s32 $0xFFFFC000  }
0xa0: {  	_ =	swait.ge [sflag:s22], $0x4000  }
0xa1: {  	[sflag:s22] =	ssyncset.done $0x0  }
0xa2: {  	s30 =	simm.s32 $0x2800;
	[sflag:s22] =	ssyncadd.s32 $0xFFFFC000  }
0xa3: {  	v9 =	vld [tilespmem:s30+$0x0];
	_ =	sdelay $0x4  }
0xa4: {  	(v2sf) =	vpush v9, $0x0;
	_ =	sdelay $0x2  }
0xa5: {  	v9 =	vbroadcast v9, $0x0;
	_ =	sdelay $0x5  }
0xa6: {  	s31 =	simm.s32 $0x0;
	[tilespmem:v9+s14+$0x0] =	vst.idx.add.f32.msk $0x1, v8  }
0xa7: {  	v9 =	vld [tilespmem:s31+$0x2E00]  }
0xa8: {  	v10 =	vld [tilespmem:s31+$0x6E00];
	_ =	sdelay $0x3  }
0xa9: {  	s0 =	spop (v2sf)  }
0xaa: {  	v9 =	vadd.f32 v10, v9;
	s0 =	sshll.u32 s0, $0x9  }
0xab: {  	s0 =	sshra.s32 s0, $0x2  }
0xac: {  	[tilespmem:s0+$0xAE00] =	vst.add.f32.msk $0xffff, v9  }
0xad: {  	v9 =	vld [tilespmem:s31+$0x2E10]  }
0xae: {  	v10 =	vld [tilespmem:s31+$0x6E10];
	_ =	sdelay $0x4  }
0xaf: {  	v9 =	vadd.f32 v10, v9;
	_ =	sdelay $0x1  }
0xb0: {  	[tilespmem:s0+$0xAE10] =	vst.add.f32.msk $0xffff, v9  }
0xb1: {  	v9 =	vld [tilespmem:s31+$0x2E20]  }
0xb2: {  	v10 =	vld [tilespmem:s31+$0x6E20];
	_ =	sdelay $0x4  }
0xb3: {  	v9 =	vadd.f32 v10, v9;
	_ =	sdelay $0x1  }
0xb4: {  	[tilespmem:s0+$0xAE20] =	vst.add.f32.msk $0xffff, v9  }
0xb5: {  	v9 =	vld [tilespmem:s31+$0x2E30]  }
0xb6: {  	v10 =	vld [tilespmem:s31+$0x6E30];
	_ =	sdelay $0x4  }
0xb7: {  	v9 =	vadd.f32 v10, v9;
	_ =	sdelay $0x1  }
0xb8: {  	[tilespmem:s0+$0xAE30] =	vst.add.f32.msk $0xffff, v9  }
0xb9: {  	v9 =	vld [tilespmem:s31+$0x2E40]  }
0xba: {  	v10 =	vld [tilespmem:s31+$0x6E40];
	_ =	sdelay $0x4  }
0xbb: {  	v9 =	vadd.f32 v10, v9;
	_ =	sdelay $0x1  }
0xbc: {  	[tilespmem:s0+$0xAE40] =	vst.add.f32.msk $0xffff, v9  }
0xbd: {  	v9 =	vld [tilespmem:s31+$0x2E50]  }
0xbe: {  	v10 =	vld [tilespmem:s31+$0x6E50];
	_ =	sdelay $0x4  }
0xbf: {  	v9 =	vadd.f32 v10, v9;
	_ =	sdelay $0x1  }
0xc0: {  	[tilespmem:s0+$0xAE50] =	vst.add.f32.msk $0xffff, v9  }
0xc1: {  	v9 =	vld [tilespmem:s31+$0x2E60]  }
0xc2: {  	v10 =	vld [tilespmem:s31+$0x6E60];
	_ =	sdelay $0x4  }
0xc3: {  	v9 =	vadd.f32 v10, v9;
	_ =	sdelay $0x1  }
0xc4: {  	s1 =	simm.s32 $0x200;
	[tilespmem:s0+$0xAE60] =	vst.add.f32.msk $0xffff, v9  }
.LBB2_18:
0xc5: {  	p1 =	sne.s32 s1, $0xFE00  }
0xc6: {  	v9 =	vld [tilespmem:s31+$0x2E70];
	s30 =	sadd.s32 $0x1, s30;
	s7 =	smov.u32 s1;
	s1 =	sadd.s32 $0x200, s1  }
0xc7: {  	v10 =	vld [tilespmem:s31+$0x6E70];
	_ =	sdelay $0x4  }
0xc8: {  	v9 =	vadd.f32 v10, v9;
	_ =	sdelay $0x1  }
0xc9: {  	[tilespmem:s0+$0xAE70] =	vst.add.f32.msk $0xffff, v9  }
0xca: {  	v9 =	vld [tilespmem:s30+$0x0];
	_ =	sdelay $0x4  }
0xcb: {  	(v2sf) =	vpush v9, $0x0;
	_ =	sdelay $0x2  }
0xcc: {  	v9 =	vbroadcast v9, $0x0;
	_ =	sdelay $0x5  }
0xcd: {  	s31 =	sshra.s32 s7, $0x2;
	[tilespmem:v9+s14+$0x0] =	vst.idx.add.f32.msk $0x1, v8  }
0xce: {  	v9 =	vld [tilespmem:s31+$0x2E00]  }
0xcf: {  	v10 =	vld [tilespmem:s31+$0x6E00];
	_ =	sdelay $0x3  }
0xd0: {  	s0 =	spop (v2sf)  }
0xd1: {  	v9 =	vadd.f32 v10, v9;
	s0 =	sshll.u32 s0, $0x9  }
0xd2: {  	s0 =	sshra.s32 s0, $0x2  }
0xd3: {  	[tilespmem:s0+$0xAE00] =	vst.add.f32.msk $0xffff, v9  }
0xd4: {  	v9 =	vld [tilespmem:s31+$0x2E10]  }
0xd5: {  	v10 =	vld [tilespmem:s31+$0x6E10];
	_ =	sdelay $0x4  }
0xd6: {  	v9 =	vadd.f32 v10, v9;
	_ =	sdelay $0x1  }
0xd7: {  	[tilespmem:s0+$0xAE10] =	vst.add.f32.msk $0xffff, v9  }
0xd8: {  	v9 =	vld [tilespmem:s31+$0x2E20]  }
0xd9: {  	v10 =	vld [tilespmem:s31+$0x6E20];
	_ =	sdelay $0x4  }
0xda: {  	v9 =	vadd.f32 v10, v9;
	_ =	sdelay $0x1  }
0xdb: {  	[tilespmem:s0+$0xAE20] =	vst.add.f32.msk $0xffff, v9  }
0xdc: {  	v9 =	vld [tilespmem:s31+$0x2E30]  }
0xdd: {  	v10 =	vld [tilespmem:s31+$0x6E30];
	_ =	sdelay $0x4  }
0xde: {  	v9 =	vadd.f32 v10, v9;
	_ =	sdelay $0x1  }
0xdf: {  	[tilespmem:s0+$0xAE30] =	vst.add.f32.msk $0xffff, v9  }
0xe0: {  	v9 =	vld [tilespmem:s31+$0x2E40]  }
0xe1: {  	v10 =	vld [tilespmem:s31+$0x6E40];
	_ =	sdelay $0x4  }
0xe2: {  	v9 =	vadd.f32 v10, v9;
	_ =	sdelay $0x1  }
0xe3: {  	[tilespmem:s0+$0xAE40] =	vst.add.f32.msk $0xffff, v9  }
0xe4: {  	v9 =	vld [tilespmem:s31+$0x2E50]  }
0xe5: {  	v10 =	vld [tilespmem:s31+$0x6E50];
	_ =	sdelay $0x4  }
0xe6: {  	v9 =	vadd.f32 v10, v9;
	_ =	sdelay $0x1  }
0xe7: {  	[tilespmem:s0+$0xAE50] =	vst.add.f32.msk $0xffff, v9  }
0xe8: {  	v9 =	vld [tilespmem:s31+$0x2E60]  }
0xe9: {  	v10 =	vld [tilespmem:s31+$0x6E60];
	_ =	sdelay $0x2  }
.Ltmp11:
0xea: {  	(pc) =	sbr.rel @p1 .LBB2_18-.Ltmp11, $3  }
0xeb: {  	_ = 	snop  }
0xec: {  	v9 =	vadd.f32 v10, v9;
	_ =	sdelay $0x1  }
0xed: {  	[tilespmem:s0+$0xAE60] =	vst.add.f32.msk $0xffff, v9  }
.Ltmp12:
0xee: {  	_ = 	snop;
	(pc) =	sbr.rel .LBB2_19-.Ltmp12, $1  }
0xef: {  	_ =	sdelay $0x3  }
.LBB2_21:
0xf0: {  	[tilespmem:s20], [sflag:$0x1] =	stream.indirect.gather [hbm4b:s3+s19], $0x80, s17, s19, $0xb8;
	[tilespmem:$0x14F80] =	vst v63  }
0xf1: {  	_ = 	snop  }
0xf2: {  	[tilespmem:s21], [sflag:$0x2] =	stream.indirect.gather [hbm4b:s4+s19], $0x80, s18, s19, $0xb8;
	[tilespmem:$0x14F80] =	vst v63  }
0xf3: {  	_ =	swait.ge [sflag:s15], $0x4000  }
0xf4: {  	[sflag:s15] =	ssyncset.done $0x0  }
0xf5: {  	[sflag:s15] =	ssyncadd.s32 $0xFFFFC000  }
0xf6: {  	_ =	swait.ge [sflag:s22], $0x4000  }
0xf7: {  	p1 =	sle.s32 s24, $0x0;
	[sflag:s22] =	ssyncset.done $0x0  }
0xf8: {  	s25 =	simm.s32 $0x2800;
	p0 =	por p1, p1;
	[sflag:s22] =	ssyncadd.s32 $0xFFFFC000  }
0xf9: {  	v9 =	vld @!p0 [tilespmem:s25+$0x0];
	_ =	sdelay $0x4  }
0xfa: {  	(v2sf) =	vpush @!p0 v9, $0x0;
	_ =	sdelay $0x2  }
0xfb: {  	v9 =	vbroadcast @!p0 v9, $0x0;
	_ =	sdelay $0x4  }
0xfc: {  	v10 =	vimm.f32 @!p0 $1.000000000e+00;
	s0 =	simm.s32 @!p0 $0x14E00  }
0xfd: {  	s28 =	simm.s32 $0x2E40;
	[tilespmem:v9+s0+$0x0] =	vst.idx.add.f32.msk @!p0 $0x1, v10  }
0xfe: {  	s26 =	simm.s32 $0x6E40;
	v9 =	vld @!p0 [tilespmem:s28+$0xFFFFFFC0]  }
0xff: {  	v10 =	vld @!p0 [tilespmem:s26+$0xFFFFFFC0];
	_ =	sdelay $0x3  }
0x100: {  	s0 =	spop @!p1 (v2sf)  }
0x101: {  	v9 =	vadd.f32 @!p0 v10, v9;
	s0 =	sshll.u32 @!p0 s0, $0x9  }
0x102: {  	s1 =	sshra.s32 @!p0 s0, $0x2  }
0x103: {  	[tilespmem:s1+$0xAE00] =	vst.add.f32.msk @!p0 $0xffff, v9  }
0x104: {  	v9 =	vld @!p0 [tilespmem:s28+$0xFFFFFFD0]  }
0x105: {  	v10 =	vld @!p0 [tilespmem:s26+$0xFFFFFFD0];
	_ =	sdelay $0x4  }
0x106: {  	v9 =	vadd.f32 @!p0 v10, v9;
	_ =	sdelay $0x1  }
0x107: {  	[tilespmem:s1+$0xAE10] =	vst.add.f32.msk @!p0 $0xffff, v9  }
0x108: {  	v9 =	vld @!p0 [tilespmem:s28+$0xFFFFFFE0]  }
0x109: {  	v10 =	vld @!p0 [tilespmem:s26+$0xFFFFFFE0];
	_ =	sdelay $0x4  }
0x10a: {  	v9 =	vadd.f32 @!p0 v10, v9;
	_ =	sdelay $0x1  }
0x10b: {  	[tilespmem:s1+$0xAE20] =	vst.add.f32.msk @!p0 $0xffff, v9  }
0x10c: {  	v9 =	vld @!p0 [tilespmem:s28+$0xFFFFFFF0]  }
0x10d: {  	v10 =	vld @!p0 [tilespmem:s26+$0xFFFFFFF0];
	_ =	sdelay $0x4  }
0x10e: {  	v9 =	vadd.f32 @!p0 v10, v9;
	_ =	sdelay $0x1  }
0x10f: {  	[tilespmem:s1+$0xAE30] =	vst.add.f32.msk @!p0 $0xffff, v9  }
0x110: {  	v9 =	vld @!p0 [tilespmem:s28+$0x0]  }
0x111: {  	v10 =	vld @!p0 [tilespmem:s26+$0x0];
	_ =	sdelay $0x4  }
0x112: {  	v9 =	vadd.f32 @!p0 v10, v9;
	_ =	sdelay $0x1  }
0x113: {  	[tilespmem:s1+$0xAE40] =	vst.add.f32.msk @!p0 $0xffff, v9  }
0x114: {  	v9 =	vld @!p0 [tilespmem:s28+$0x10]  }
0x115: {  	v10 =	vld @!p0 [tilespmem:s26+$0x10];
	_ =	sdelay $0x4  }
0x116: {  	v9 =	vadd.f32 @!p0 v10, v9;
	_ =	sdelay $0x1  }
0x117: {  	[tilespmem:s1+$0xAE50] =	vst.add.f32.msk @!p0 $0xffff, v9  }
0x118: {  	v9 =	vld @!p0 [tilespmem:s28+$0x20]  }
0x119: {  	v10 =	vld @!p0 [tilespmem:s26+$0x20];
	_ =	sdelay $0x4  }
0x11a: {  	v9 =	vadd.f32 @!p0 v10, v9;
	_ =	sdelay $0x1  }
0x11b: {  	s29 =	simm.s32 $0x1;
	s31 =	simm.s32 $0x2EC0;
	s30 =	simm.s32 $0x6E40;
	[tilespmem:s1+$0xAE60] =	vst.add.f32.msk @!p0 $0xffff, v9  }
.LBB2_22:
0x11c: {  	s25 =	sadd.s32 $0x1, s25;
	s26 =	sadd.s32 $0x80, s26  }
0x11d: {  	v9 =	vld @!p0 [tilespmem:s28+$0x30];
	s0 =	smov.u32 s29;
	s29 =	sadd.s32 $0x1, s29;
	s28 =	smov.u32 s31  }
0x11e: {  	p1 =	sne.s32 s29, $0x80;
	v10 =	vld @!p0 [tilespmem:s30+$0x30];
	s30 =	smov.u32 s26;
	_ =	sdelay $0x4  }
0x11f: {  	v9 =	vadd.f32 @!p0 v10, v9  }
0x120: {  	p2 =	sge.s32 s0, s24  }
0x121: {  	[tilespmem:s1+$0xAE70] =	vst.add.f32.msk @!p0 $0xffff, v9;
	p0 =	por p2, p2  }
0x122: {  	v9 =	vld @!p0 [tilespmem:s25+$0x0];
	_ =	sdelay $0x4  }
0x123: {  	v10 =	vbroadcast @!p0 v9, $0x0;
	(v2sf) =	vpush @!p0 v9, $0x0;
	_ =	sdelay $0x7  }
0x124: {  	s0 =	simm.s32 @!p0 $0x14E00;
	v9 =	vimm.f32 @!p0 $1.000000000e+00  }
0x125: {  	[tilespmem:v10+s0+$0x0] =	vst.idx.add.f32.msk @!p0 $0x1, v9  }
0x126: {  	v9 =	vld @!p0 [tilespmem:s31+$0xFFFFFFC0]  }
0x127: {  	v10 =	vld @!p0 [tilespmem:s26+$0xFFFFFFC0];
	_ =	sdelay $0x3  }
0x128: {  	s0 =	spop @!p2 (v2sf)  }
0x129: {  	v9 =	vadd.f32 @!p0 v10, v9;
	s0 =	sshll.u32 @!p0 s0, $0x9  }
0x12a: {  	s1 =	sshra.s32 @!p0 s0, $0x2  }
0x12b: {  	[tilespmem:s1+$0xAE00] =	vst.add.f32.msk @!p0 $0xffff, v9  }
0x12c: {  	v9 =	vld @!p0 [tilespmem:s31+$0xFFFFFFD0]  }
0x12d: {  	v10 =	vld @!p0 [tilespmem:s26+$0xFFFFFFD0];
	_ =	sdelay $0x4  }
0x12e: {  	v9 =	vadd.f32 @!p0 v10, v9;
	_ =	sdelay $0x1  }
0x12f: {  	[tilespmem:s1+$0xAE10] =	vst.add.f32.msk @!p0 $0xffff, v9  }
0x130: {  	v9 =	vld @!p0 [tilespmem:s31+$0xFFFFFFE0]  }
0x131: {  	v10 =	vld @!p0 [tilespmem:s26+$0xFFFFFFE0];
	_ =	sdelay $0x4  }
0x132: {  	v9 =	vadd.f32 @!p0 v10, v9;
	_ =	sdelay $0x1  }
0x133: {  	[tilespmem:s1+$0xAE20] =	vst.add.f32.msk @!p0 $0xffff, v9  }
0x134: {  	v9 =	vld @!p0 [tilespmem:s31+$0xFFFFFFF0]  }
0x135: {  	v10 =	vld @!p0 [tilespmem:s26+$0xFFFFFFF0];
	_ =	sdelay $0x4  }
0x136: {  	v9 =	vadd.f32 @!p0 v10, v9;
	_ =	sdelay $0x1  }
0x137: {  	[tilespmem:s1+$0xAE30] =	vst.add.f32.msk @!p0 $0xffff, v9  }
0x138: {  	v9 =	vld @!p0 [tilespmem:s31+$0x0]  }
0x139: {  	v10 =	vld @!p0 [tilespmem:s26+$0x0];
	_ =	sdelay $0x4  }
0x13a: {  	v9 =	vadd.f32 @!p0 v10, v9;
	_ =	sdelay $0x1  }
0x13b: {  	[tilespmem:s1+$0xAE40] =	vst.add.f32.msk @!p0 $0xffff, v9  }
0x13c: {  	v9 =	vld @!p0 [tilespmem:s31+$0x10]  }
0x13d: {  	v10 =	vld @!p0 [tilespmem:s26+$0x10];
	_ =	sdelay $0x4  }
0x13e: {  	v9 =	vadd.f32 @!p0 v10, v9;
	_ =	sdelay $0x1  }
0x13f: {  	[tilespmem:s1+$0xAE50] =	vst.add.f32.msk @!p0 $0xffff, v9  }
0x140: {  	v9 =	vld @!p0 [tilespmem:s31+$0x20]  }
0x141: {  	v10 =	vld @!p0 [tilespmem:s26+$0x20];
	_ =	sdelay $0x2  }
.Ltmp13:
0x142: {  	(pc) =	sbr.rel @p1 .LBB2_22-.Ltmp13, $3  }
0x143: {  	_ = 	snop  }
0x144: {  	v9 =	vadd.f32 @!p0 v10, v9;
	_ =	sdelay $0x1  }
0x145: {  	s31 =	sadd.s32 $0x80, s31;
	[tilespmem:s1+$0xAE60] =	vst.add.f32.msk @!p0 $0xffff, v9  }
0x146: {  	v9 =	vld @!p0 [tilespmem:s28+$0x30]  }
0x147: {  	v10 =	vld @!p0 [tilespmem:s30+$0x30];
	_ =	sdelay $0x4  }
0x148: {  	v9 =	vadd.f32 @!p0 v10, v9;
	_ =	sdelay $0x1  }
0x149: {  	[tilespmem:s1+$0xAE70] =	vst.add.f32.msk @!p0 $0xffff, v9;
	s1 =	simm.s32 $0xAE00  }
0x14a: {  	[hbm4b:s9+s2] =	stream.linear.scatter [tilespmem:s1], [sflag:$0x7], $0xA000, $0x38;
	[tilespmem:$0x14F80] =	vst v63  }
0x14b: {  	s23 =	sadd.s32 $0x1, s23;
	_ =	swait.ge [sflag:s13], $0xA000  }
0x14c: {  	p0 =	sne.s32 s23, s11;
	[sflag:s13] =	ssyncset.done $0x0  }
.Ltmp14:
0x14d: {  	[sflag:s13] =	ssyncadd.s32 $0xFFFF6000;
	(pc) =	sbr.rel @p0 .LBB2_1-.Ltmp14, $4  }
0x14e: {  	[hbm4b:s10+s2] =	stream.linear.scatter [tilespmem:s14], [sflag:$0x7], $0x140, $0x38;
	[tilespmem:$0x14F80] =	vst v63  }
0x14f: {  	_ =	swait.ge [sflag:s13], $0x140  }
0x150: {  	[sflag:s13] =	ssyncset.done $0x0  }
0x151: {  	[sflag:s13] =	ssyncadd.s32 $0xFFFFFEC0  }
0x152: {  	_ =	sfence.sel $0x180000  }
0x153: {  	[bflag:$0x0] =	sbarrier.arrive $0xFFFF  }
0x154: {  	_ =	strace $0x90000047  }
0x155: {  	s0 =	stileid.u32;
	[bflag:$0x2] =	sbarrier.arrive $0xFFFF  }
0x156: {  	p0 =	sne.s32 s0, $0x0;
	s0 =	rddreg [dreg:$0x1]  }
0x157: {  	s0 =	sadd.s32 @!p0 $0x100000, s0  }
0x158: {  	[sflag:s0] =	ssyncadd.tile.s32 @!p0 $0x1;
	_ =	shalt  }
.Lfunc_end2:
_tile_overlayer_lowered:
.L_overlay_start_2:
0x159: {  	(tag) =	ssettag $0x2  }
0x15a: {  	s0 =	rddreg [dreg:$0x0];
	s2 =	stileid.u32  }
0x15b: {  	s1 =	rddreg [dreg:$0x1];
	p0 =	sne.s32 s2, $0x0  }
0x15c: {  	s3 =	rddreg [dreg:$0x2];
	[bflag:$0x3] =	sbarrier.arrive $0xFFFF;
	s2 =	simm.s32 @!p0 $0x1C07  }
0x15d: {  	[timem:s3], [sflag:s2] =	dma.local @!p0 [hbm:s0], s1  }
0x15e: {  	s0 =	simm.s32 @!p0 $0x7  }
0x15f: {  	_ =	swait.ge @!p0 [sflag:s0], s1  }
0x160: {  	s1 =	ssub.s32 @!p0 $0x0, s1;
	[sflag:s0] =	ssyncset.done @!p0 $0x0  }
0x161: {  	[sflag:s0] =	ssyncadd.s32 @!p0 s1  }
0x162: {  	[bflag:$0x3] =	sbarrier.arrive $0xFFFF  }
0x163: {  	_ =	shalt  }

// kernel: kernel.13.cloned.1.call-start
scs
__scs_entry_jumppad:
0x0: {  	(pc) =	sbr.rel $0x88, $3  }
0x1: {  	(tag) =	ssettag $0x0;
	lr =	simm.s32 $0x1  }
0x2: {  	[smem:$0x3F8F] =	sst lr;
	_ =	strace $0xD0000000  }
0x3: {  	_ = 	snop  }
0x4: {  	_ = 	snop  }
0x5: {  	_ = 	snop  }
0x6: {  	_ = 	snop  }
0x7: {  	_ = 	snop  }
__scs_overlays_trampoline_lowered:
0x8: {  	[smem:$0x3F9E] =	sst s0  }
0x9: {  	[smem:$0x3F9F] =	sst s1  }
0xa: {  	[smem:$0x3FA0] =	sst s2  }
0xb: {  	[smem:$0x3FA1] =	sst s3  }
0xc: {  	[smem:$0x3FA2] =	sst s4  }
0xd: {  	[smem:$0x3FA3] =	sst s5  }
0xe: {  	[smem:$0x3FA4] =	sst s6  }
0xf: {  	[smem:$0x3FA5] =	sst s7  }
0x10: {  	[smem:$0x3FA6] =	sst s8  }
0x11: {  	[smem:$0x3FA7] =	sst s9;
	s0 =	simm.s32 @!p0 $0x0  }
0x12: {  	s1 =	sld [smem:$0x3F8D];
	s0 =	simm.s32 @p0 $0x1  }
0x13: {  	[smem:$0x3FA8] =	sst s0;
	s0 =	simm.s32 @!p1 $0x0  }
0x14: {  	s2 =	sld [smem:$0x3F8C];
	s0 =	simm.s32 @p1 $0x1  }
0x15: {  	[smem:$0x3FA9] =	sst s0;
	s0 =	simm.s32 @!p2 $0x0  }
0x16: {  	s3 =	sld [smem:$0x3FDB];
	s0 =	simm.s32 @p2 $0x1  }
0x17: {  	s4 =	simm.s32 $0x1BF5;
	[smem:$0x3FAB] =	sst s0  }
0x18: {  	s0 =	sld [smem:$0x3F8E];
	_ =	swait.ge [sflag:s4], $0x0  }
0x19: {  	s7 =	sld [smem:$0x3F8F]  }
0x1a: {  	s8 =	sadd.s32 $0xFFFFE003, lr  }
0x1b: {  	s9 =	sadd.s32 $0xFFFFFEF7, lr;
	s5 =	simm.s32 $0xFFFFFFFF;
	p2 =	slt.u32 s8, $0xFFFFF086  }
0x1c: {  	p1 =	slt.u32 s9, $0xF7A;
	s5 =	simm.s32 @!p2 $0x0  }
0x1d: {  	s5 =	simm.s32 @p1 $0x1;
	p0 =	seq.s32 s7, s2  }
0x1e: {  	s7 =	smul.u32 @!p0 $0xF7A, s2;
	p2 =	seq.s32 @!p0 s5, $0x0  }
0x1f: {  	s9 =	smul.u32 $0xF7A, s1;
	s8 =	simm.s32 @!p0 $0x1BF5;
	p2 =	por !p2, p0  }
0x20: {  	[sflag:s8] =	ssyncset.s32 @!p0 $0xFFFFF086;
	s6 =	sadd.s32 @!p0 s3, s7;
	s7 =	simm.s32 @!p0 $0x108  }
0x21: {  	s3 =	sadd.s32 s3, s9;
	s6 =	sadd.s32 @!p0 $0x88, s6;
	s7 =	simm.s32 @p2 $0x1082  }
0x22: {  	[simem:s7], [sflag:s8] =	dma.local @!p0 [hbm:s6], $0xF7A  }
0x23: {  	s9 =	sor.u32 $0xD0000000, s2;
	s6 =	simm.s32 $0x108;
	_ =	swait.ge @!p0 [sflag:s8], $0x0  }
0x24: {  	s3 =	sadd.s32 $0x88, s3;
	s6 =	simm.s32 @!p1 $0x1082;
	[sflag:s4] =	ssyncset.s32 $0xFFFFF086  }
0x25: {  	[simem:s6], [sflag:s4] =	dma.local [hbm:s3], $0xF7A  }
0x26: {  	[smem:$0x3F8F] =	sst s1;
	(tag) =	ssettag s2;
	_ =	strace s9  }
0x27: {  	s1 =	sld [smem:$0x3F9F]  }
0x28: {  	s2 =	sld [smem:$0x3FA0]  }
0x29: {  	s4 =	sld [smem:$0x3FA2]  }
0x2a: {  	p0 =	seq.s32 s5, $0x0;
	s5 =	sld [smem:$0x3FA3]  }
0x2b: {  	s6 =	sld [smem:$0x3FA4]  }
0x2c: {  	s7 =	sld [smem:$0x3FA5]  }
0x2d: {  	s3 =	simm.s32 $0x108;
	s8 =	sld [smem:$0x3FA6]  }
0x2e: {  	s3 =	simm.s32 @!p0 $0x1082;
	s9 =	sld [smem:$0x3FA7]  }
0x2f: {  	lr =	sadd.s32 s0, s3;
	s0 =	sld [smem:$0x3F9E]  }
0x30: {  	s3 =	sld [smem:$0x3FA1]  }
0x31: {  	[smem:$0x3FAA] =	sst s10  }
0x32: {  	s10 =	sld [smem:$0x3FA8];
	_ =	sdelay $0x3  }
0x33: {  	p0 =	seq.s32 s10, $0x1;
	s10 =	sld [smem:$0x3FAA];
	_ =	sdelay $0x3  }
0x34: {  	[smem:$0x3FAA] =	sst s10  }
0x35: {  	s10 =	sld [smem:$0x3FA9];
	_ =	sdelay $0x3  }
0x36: {  	p1 =	seq.s32 s10, $0x1;
	s10 =	sld [smem:$0x3FAA];
	_ =	sdelay $0x3  }
0x37: {  	[smem:$0x3FAA] =	sst s10  }
0x38: {  	s10 =	sld [smem:$0x3FAB]  }
0x39: {  	_ = 	snop;
	(pc) =	sbr.ind lr, $3  }
0x3a: {  	_ = 	snop  }
0x3b: {  	_ = 	snop  }
0x3c: {  	p2 =	seq.s32 s10, $0x1;
	s10 =	sld [smem:$0x3FAA]  }
0x3d: {  	_ =	shalt  }
0x3e: {  	_ =	shalt  }
0x3f: {  	_ =	shalt  }
0x40: {  	_ =	shalt  }
0x41: {  	_ =	shalt  }
0x42: {  	_ =	shalt  }
0x43: {  	_ =	shalt  }
0x44: {  	_ =	shalt  }
0x45: {  	_ =	shalt  }
0x46: {  	_ =	shalt  }
0x47: {  	_ =	shalt  }
0x48: {  	_ =	shalt  }
0x49: {  	_ =	shalt  }
0x4a: {  	_ =	shalt  }
0x4b: {  	_ =	shalt  }
0x4c: {  	_ =	shalt  }
0x4d: {  	_ =	shalt  }
0x4e: {  	_ =	shalt  }
0x4f: {  	_ =	shalt  }
0x50: {  	_ =	shalt  }
0x51: {  	_ =	shalt  }
0x52: {  	_ =	shalt  }
0x53: {  	_ =	shalt  }
0x54: {  	_ =	shalt  }
0x55: {  	_ =	shalt  }
0x56: {  	_ =	shalt  }
0x57: {  	_ =	shalt  }
0x58: {  	_ =	shalt  }
0x59: {  	_ =	shalt  }
0x5a: {  	_ =	shalt  }
0x5b: {  	_ =	shalt  }
0x5c: {  	_ =	shalt  }
0x5d: {  	_ =	shalt  }
0x5e: {  	_ =	shalt  }
0x5f: {  	_ =	shalt  }
0x60: {  	_ =	shalt  }
0x61: {  	_ =	shalt  }
0x62: {  	_ =	shalt  }
0x63: {  	_ =	shalt  }
0x64: {  	_ =	shalt  }
0x65: {  	_ =	shalt  }
0x66: {  	_ =	shalt  }
0x67: {  	_ =	shalt  }
0x68: {  	_ =	shalt  }
0x69: {  	_ =	shalt  }
0x6a: {  	_ =	shalt  }
0x6b: {  	_ =	shalt  }
0x6c: {  	_ =	shalt  }
0x6d: {  	_ =	shalt  }
0x6e: {  	_ =	shalt  }
0x6f: {  	_ =	shalt  }
0x70: {  	_ =	shalt  }
0x71: {  	_ =	shalt  }
0x72: {  	_ =	shalt  }
0x73: {  	_ =	shalt  }
0x74: {  	_ =	shalt  }
0x75: {  	_ =	shalt  }
0x76: {  	_ =	shalt  }
0x77: {  	_ =	shalt  }
0x78: {  	_ =	shalt  }
0x79: {  	_ =	shalt  }
0x7a: {  	_ =	shalt  }
0x7b: {  	_ =	shalt  }
0x7c: {  	_ =	shalt  }
0x7d: {  	_ =	shalt  }
0x7e: {  	_ =	shalt  }
0x7f: {  	_ =	shalt  }
0x80: {  	_ =	shalt  }
0x81: {  	_ =	shalt  }
0x82: {  	_ =	shalt  }
0x83: {  	_ =	shalt  }
0x84: {  	_ =	shalt  }
0x85: {  	_ =	shalt  }
0x86: {  	_ =	shalt  }
0x87: {  	_ =	shalt  }
.Lfunc_end0:
.L_simem_size_0:
called_computation.1_lowered:
.L_overlay_start_0:
0x88: {  	s2 =	sld [smem:$0x3FD9]  }
0x89: {  	s3 =	sld [smem:$0x3FFE];
	_ =	sdelay $0x1  }
0x8a: {  	s1 =	srdreg.scid  }
0x8b: {  	s0 =	sand.u32 $0x1, s1  }
0x8c: {  	s16 =	sshll.u32 s0, $0xA;
	s2 =	sadd.s32 s3, s2  }
0x8d: {  	s2 =	sadd.s32 s2, s16  }
0x8e: {  	[smem:$0x3FB6] =	sst s2  }
0x8f: {  	_ = 	snop  }
0x90: {  	(tm) =	ssettm $0x1  }
0x91: {  	s17 =	sld [smem:$0x3FFB];
	_ =	sdelay $0x3  }
0x92: {  	_ =	strace s17  }
0x93: {  	s2 =	sld [smem:$0x3FFC];
	_ =	sdelay $0x3  }
0x94: {  	_ =	strace s2  }
0x95: {  	s2 =	sld [smem:$0x3FFD];
	_ =	sdelay $0x3  }
0x96: {  	_ =	strace s2  }
0x97: {  	_ =	strace $0x8FFFFFFF  }
0x98: {  	s18 =	sld [smem:$0x3FDB];
	_ =	sdelay $0x1  }
0x99: {  	s19 =	simm.s32 $_scs_section_size  }
0x9a: {  	s4 =	simm.s32 $_size__tile_overlayer_lowered;
	s5 =	simm.s32 $_tile_overlayer_lowered  }
0x9b: {  	s22 =	simm.s32 $0x1BFF;
	s21 =	sshll.u32 s5, $0x1;
	s2 =	sadd.s32 s19, s18  }
0x9c: {  	s6 =	simm.s32 $0x0;
	s20 =	sshll.u32 s4, $0x1;
	s4 =	sadd.s32 s21, s2  }
0x9d: {  	[timem:s6], [sflag:s22] =	dma.local [hbm:s4], s20  }
0x9e: {  	_ =	swait.ge [sflag:s22], s20  }
0x9f: {  	s3 =	ssub.s32 $0x0, s20;
	[sflag:s22] =	ssyncset.done $0x0  }
0xa0: {  	[sflag:s22] =	ssyncadd.s32 s3;
	_ =	sdelay $0x1  }
0xa1: {  	s23 =	simm.s32 $0x1B8B  }
0xa2: {  	_ =	swait.ge [sflag:s23], $0x1  }
0xa3: {  	[sflag:s23] =	ssyncset.done $0x0  }
0xa4: {  	s25 =	simm.s32 $0x1B8E;
	s24 =	sld [smem:$0x3FFE];
	[sflag:s23] =	ssyncadd.s32 $0xFFFFFFFF  }
0xa5: {  	s26 =	simm.s32 $execute0_lowered;
	[smem:$0x3FD2] =	sst s25  }
0xa6: {  	s4 =	sshll.u32 s26, $0x1;
	_ =	strace $0x80000049;
	[dreg:$0x1] =	wrdreg $0xFFFFFFFF  }
0xa7: {  	s28 =	simm.s32 $_size_execute0_lowered;
	s2 =	sadd.s32 s2, s4;
	[dreg:$0x0] =	wrdreg $0x0  }
0xa8: {  	s4 =	sshll.u32 s28, $0x1;
	[dreg:$0x2] =	wrdreg s2  }
0xa9: {  	[dreg:$0x3] =	wrdreg s4  }
0xaa: {  	[dreg:$0x4] =	wrdreg $0xC0  }
0xab: {  	_ =	task [dreg:s6], $0x5FFFF  }
0xac: {  	[dreg:$0x1] =	wrdreg $0xFFFFFFFF  }
0xad: {  	[dreg:$0x0] =	wrdreg $0x60  }
0xae: {  	[dreg:$0x2] =	wrdreg s24  }
0xaf: {  	[dreg:$0x3] =	wrdreg $0x9  }
0xb0: {  	_ =	task.clear_ibuf [dreg:s6], $0x4FFFF;
	_ =	strace $0x90000049  }
0xb1: {  	s29 =	simm.s32 $0x9;
	_ =	strace $0x8000004B  }
0xb2: {  	_ =	swait.ge [sflag:s29], $0x1  }
0xb3: {  	[sflag:s29] =	ssyncadd.s32 $0xFFFFFFFF  }
0xb4: {  	_ =	strace $0x9000004B  }
0xb5: {  	_ =	sfence  }
0xb6: {  	s30 =	sld [smem:$0x0];
	_ =	sdelay $0x2  }
0xb7: {  	s31 =	sshll.u32 s1, $0xD;
	s1 =	sshrl.u32 s1, $0x2  }
0xb8: {  	s3 =	sand.u32 $0x4000, s31;
	s1 =	sadd.s32 s1, s30  }
0xb9: {  	s0 =	sor.u32 s3, s0;
	s1 =	sshll.u32 s1, $0x11  }
0xba: {  	s0 =	sor.u32 s1, s0  }
0xbb: {  	s0 =	sadd.s32 $0x8F2B, s0  }
0xbc: {  	[sflag:s0] =	ssyncadd.remote.s32 $0x1  }
0xbd: {  	_ =	sfence.sel $0xFFFF  }
0xbe: {  	[dreg:$0x0] =	wrdreg $0xFFFFFFFF;
	(pc) =	sbr.abs _section_cstart, $3  }
0xbf: {  	[dreg:$0x1] =	wrdreg $0xFFFFFFFF  }
0xc0: {  	_ =	task.clear_ibuf [dreg:s6], $0x2FFFF;
	_ =	strace $0x9FFFFFFF  }
0xc1: {  	(tm) =	ssettm $0x7FFFFFFF  }
tec
execute0_lowered:
.L_overlay_start_1:
0x0: {  	(tag) =	ssettag $0x1  }
0x1: {  	s0 =	srdreg.scid;
	s1 =	stileid.u32;
	v0 =	vimm.s32 $0xEDCBA987;
	v1 =	vimm.s32 $0x65432100  }
0x2: {  	s8 =	rddreg [dreg:$0x0];
	s2 =	simm.s32 $0x0;
	v4 =	vimm.s32 $0x54321000;
	v5 =	vimm.s32 $0xDCBA9876;
	v6 =	vimm.s32 $0xBA987654;
	s13 =	simm.s32 $0x7  }
0x3: {  	v7 =	vimm.s32 $0x32100000;
	v8 =	vimm.s32 $0xE40000;
	s14 =	simm.s32 $0x14E00;
	s15 =	simm.s32 $0x1;
	vm0 =	vmmov $0x3;
	s16 =	simm.s32 $0x2800  }
0x4: {  	s17 =	simm.s32 $0x2A00;
	vm1 =	vmmov $0xf;
	vm2 =	vcmask $0x3F30;
	s18 =	simm.s32 $0x2C00;
	s19 =	simm.s32 $0x80;
	v0 =	vunpack.c.l.s4.s8 v0  }
0x5: {  	s20 =	simm.s32 $0x2E00;
	s0 =	sand.u32 $0x1, s0;
	s1 =	sshll.u32 s1, $0x1;
	v2 =	vunpack.c.l.s4.s8 v1;
	v4 =	vunpack.c.l.s4.s8 v4;
	v5 =	vunpack.c.l.s4.s8 v5  }
0x6: {  	s21 =	simm.s32 $0x6E00;
	s22 =	simm.s32 $0x2;
	v6 =	vunpack.c.l.s4.s8 v6;
	v7 =	vunpack.c.l.s4.s8 v7;
	v8 =	vunpack.c.l.s2.s4 v8;
	s1 =	sor.u32 s0, s1  }
0x7: {  	s23 =	simm.s32 $0x0;
	[smem:$0x7FF] =	sst s2;
	s7 =	smul.u32 $0x140, s1;
	v3 =	vunpack.c.0.s8.s32 v0;
	v2 =	vunpack.c.0.s8.s32 v2;
	v5 =	vunpack.c.0.s8.s32 v5  }
0x8: {  	s4 =	sadd.s32 $0x4E5800, s8;
	s5 =	sadd.s32 $0x17200, s8;
	s6 =	sadd.s32 $0x3800, s8;
	v4 =	vunpack.c.0.s8.s32 v4;
	v6 =	vunpack.c.0.s8.s32 v6;
	v7 =	vunpack.c.0.s8.s32 v7  }
0x9: {  	s9 =	sadd.s32 $0x52E00, s8;
	s30 =	sadd.s32 $0x52C00, s8;
	_ =	strace $0x8000004A;
	v8 =	vunpack.c.l.s4.s8 v8;
	v0 =	vmov s7;
	v5 =	vand.u32 $0xF, v5  }
0xa: {  	[dreg:$0x2] =	wrdreg s9;
	s0 =	ssub.s32 $0x2, s0;
	s1 =	smul.u32 $0x1400, s1;
	v3 =	vand.u32 $0xF, v3;
	v4 =	vcombine.low v4, v5;
	v5 =	vand.u32 $0xF, v6  }
0xb: {  	[dreg:$0x3] =	wrdreg s30;
	s31 =	sshrl.u32 s0, $0x1;
	s3 =	sadd.s32 $0x140, s7;
	v8 =	vunpack.c.0.s8.s32 v8;
	v5 =	vcombine.low v7, v5;
	v7 =	vimm.s32 $0x7060504  }
0xc: {  	s0 =	ssub.s32 s0, s31;
	s7 =	sshrl.u32 s7, $0x3;
	s1 =	sadd.s32 s1, s8;
	v1 =	vmov s3;
	v2 =	vcombine.low v2, v3;
	v7 =	vunpack.c.0.s8.s32 v7  }
0xd: {  	s11 =	smax.u32 s0, $0x1;
	s3 =	sadd.s32 $0x2AC00, s8;
	s7 =	sadd.s32 s7, s8;
	v3 =	vimm.s32 $0x0;
	v6 =	vlaneseq.u32;
	v8 =	vand.u32 $0x3, v8  }
0xe: {  	s9 =	sadd.s32 $0x54800, s1;
	s1 =	simm.s32 $0xAE00;
	s10 =	sadd.s32 $0x54200, s7;
	v7 =	vsel vm2, v7, v8;
	vm2 =	vmmov $0xff;
	v8 =	vimm.f32 $1.000000000e+00  }
.LBB2_1:
0xf: {  	s0 =	rddreg [dreg:$0x2]  }
0x10: {  	[tilespmem:s1], [sflag:$0x7] =	stream.linear.gather [hbm4b:s0+s2], $0xA000, $0x38;
	[tilespmem:$0x14F80] =	vst v63  }
0x11: {  	_ =	swait.ge [sflag:s13], $0xA000  }
0x12: {  	[sflag:s13] =	ssyncset.done $0x0  }
0x13: {  	s31 =	rddreg [dreg:$0x3];
	[sflag:s13] =	ssyncadd.s32 $0xFFFF6000  }
0x14: {  	[tilespmem:s14], [sflag:$0x7] =	stream.linear.gather [hbm4b:s31+s2], $0x180, $0x38;
	[tilespmem:$0x14F80] =	vst v63  }
0x15: {  	_ =	swait.ge [sflag:s13], $0x180  }
0x16: {  	[sflag:s13] =	ssyncset.done $0x0  }
0x17: {  	s7 =	simm.s32 $0x0;
	s0 =	simm.s32 $0x40;
	[sflag:s13] =	ssyncadd.s32 $0xFFFFFE80  }
.LBB2_2:
0x18: {  	p0 =	sne.s32 s0, $0x7C0;
	[tilespmem:s7+$0x2A00] =	vst v3;
	s1 =	smov.u32 s0;
	s0 =	sadd.s32 $0x40, s0  }
.Ltmp0:
0x19: {  	[tilespmem:s7+$0x2C00] =	vst v3;
	(pc) =	sbr.rel @p0 .LBB2_2-.Ltmp0, $2  }
0x1a: {  	_ =	sdelay $0x2  }
0x1b: {  	s7 =	sshra.s32 s1, $0x2  }
0x1c: {  	[tilespmem:s7+$0x2A00] =	vst v3  }
0x1d: {  	s1 =	simm.s32 $0x0;
	[tilespmem:s7+$0x2C00] =	vst v3;
	s0 =	simm.s32 $0x0;
	s7 =	simm.s32 $0x0  }
.LBB2_4:
0x1e: {  	p0 =	sne.s32 s7, $0x130  }
.Ltmp1:
0x1f: {  	_ = 	snop;
	(pc) =	sbr.rel @p0 .LBB2_4-.Ltmp1, $4  }
0x20: {  	_ = 	snop  }
0x21: {  	s8 =	sadd.s32 s7, s5  }
0x22: {  	[tilespmem:s0], [sflag:$0x3] =	stream.linear.gather [hbm4b:s8+s1], $0x80, $0x38;
	[tilespmem:$0x14F80] =	vst v63  }
0x23: {  	s7 =	sadd.s32 $0x10, s7;
	s0 =	sadd.s32 $0x100, s0  }
0x24: {  	s7 =	simm.s32 $0x1400  }
.LBB2_6:
0x25: {  	p0 =	seq.s32 s1, $0x130  }
.Ltmp2:
0x26: {  	_ = 	snop;
	(pc) =	sbr.rel @!p0 .LBB2_6-.Ltmp2, $4  }
0x27: {  	_ = 	snop  }
0x28: {  	s8 =	sadd.s32 s1, s6;
	s0 =	simm.s32 $0x0  }
0x29: {  	[tilespmem:s7], [sflag:$0x5] =	stream.linear.gather [hbm4b:s8+s0], $0x80, $0x38;
	[tilespmem:$0x14F80] =	vst v63  }
0x2a: {  	s1 =	sadd.s32 $0x10, s1;
	s7 =	sadd.s32 $0x100, s7  }
.Ltmp3:
0x2b: {  	(pc) =	sbr.rel .LBB2_9-.Ltmp3, $2  }
0x2c: {  	_ =	sdelay $0x2  }
0x2d: {  	p0 =	por $0x1, $0x1;
	s24 =	simm.s32 $0x0  }
.LBB2_8:
0x2e: {  	p1 =	seq.s32 s25, $0xFA  }
.Ltmp4:
0x2f: {  	_ = 	snop;
	(pc) =	sbr.rel @p1 .LBB2_21-.Ltmp4, $2  }
0x30: {  	_ =	sdelay $0x2  }
0x31: {  	p0 =	por !p0, !p0;
	s0 =	smov.u32 s25  }
.LBB2_9:
0x32: {  	s1 =	sand.u32 $0x1, s0  }
0x33: {  	s7 =	sadd.s32 $0x3, s1  }
0x34: {  	p1 =	seq.s32 s0, $0xF9;
	_ =	swait.ge [sflag:s7], $0xA00  }
.Ltmp5:
0x35: {  	[sflag:s7] =	ssyncset.done $0x0;
	(pc) =	sbr.rel @p1 .LBB2_15-.Ltmp5, $4  }
0x36: {  	s31 =	sadd.s32 $0x5, s1;
	[sflag:s7] =	ssyncadd.s32 $0xFFFFF600  }
0x37: {  	_ =	swait.ge [sflag:s31], $0xA00  }
0x38: {  	[sflag:s31] =	ssyncset.done $0x0  }
0x39: {  	s25 =	sadd.s32 $0x1, s0;
	[sflag:s31] =	ssyncadd.s32 $0xFFFFF600  }
0x3a: {  	s7 =	simm.s32 $0x1;
	s26 =	smul.u32 $0x140, s25;
	s28 =	sxor.u32 $0x1, s1  }
0x3b: {  	s7 =	simm.s32 @!p0 $0x0;
	s30 =	sadd.s32 $0x3, s28  }
0x3c: {  	s29 =	sshll.u32 s7, $0x7;
	s31 =	sadd.s32 s5, s26;
	s7 =	simm.s32 $0x10  }
0x3d: {  	s1 =	sor.u32 $0x1400, s29;
	s12 =	sadd.s32 $0x0, s31;
	s8 =	sadd.s32 $0x100, s29  }
.LBB2_11:
0x3e: {  	[tilespmem:s29], [sflag:s30] =	stream.linear.gather [hbm4b:s12+s2], $0x80, $0x38;
	[tilespmem:$0x14F80] =	vst v63  }
0x3f: {  	s12 =	smov.u32 s7;
	s29 =	smov.u32 s8;
	p1 =	sne.s32 s7, $0x130  }
.Ltmp6:
0x40: {  	s7 =	sadd.s32 $0x10, s7;
	(pc) =	sbr.rel @p1 .LBB2_11-.Ltmp6, $2  }
0x41: {  	_ =	sdelay $0x2  }
0x42: {  	s8 =	sadd.s32 $0x100, s8;
	s12 =	sadd.s32 s12, s31  }
0x43: {  	[tilespmem:s29], [sflag:s30] =	stream.linear.gather [hbm4b:s12+s2], $0x80, $0x38;
	[tilespmem:$0x14F80] =	vst v63  }
0x44: {  	s28 =	sadd.s32 $0x5, s28;
	s26 =	sadd.s32 s6, s26  }
0x45: {  	s7 =	simm.s32 $0x10;
	s8 =	sadd.s32 $0x100, s1;
	s12 =	sadd.s32 $0x0, s26  }
.LBB2_13:
0x46: {  	[tilespmem:s1], [sflag:s28] =	stream.linear.gather [hbm4b:s12+s2], $0x80, $0x38;
	[tilespmem:$0x14F80] =	vst v63  }
0x47: {  	s12 =	smov.u32 s7;
	s1 =	smov.u32 s8;
	p1 =	sne.s32 s7, $0x130  }
.Ltmp7:
0x48: {  	s7 =	sadd.s32 $0x10, s7;
	(pc) =	sbr.rel @p1 .LBB2_13-.Ltmp7, $2  }
0x49: {  	_ =	sdelay $0x2  }
0x4a: {  	s8 =	sadd.s32 $0x100, s8;
	s12 =	sadd.s32 s12, s26  }
0x4b: {  	[tilespmem:s1], [sflag:s28] =	stream.linear.gather [hbm4b:s12+s2], $0x80, $0x38;
	[tilespmem:$0x14F80] =	vst v63  }
.LBB2_15:
.Ltmp8:
0x4c: {  	(pc) =	sbr.rel .LBB2_16-.Ltmp8, $3  }
0x4d: {  	_ =	sdelay $0x1  }
0x4e: {  	s1 =	sshll.u32 s0, $0x7  }
0x4f: {  	s26 =	smul.u32 $0xA00, s0;
	s29 =	simm.s32 $0x0;
	s28 =	sand.u32 $0x80, s1  }
.LBB2_19:
0x50: {  	v9 =	vld [tilespmem:s31+$0x2E70]  }
0x51: {  	v10 =	vld [tilespmem:s31+$0x6E70];
	_ =	sdelay $0x4  }
0x52: {  	v9 =	vadd.f32 v10, v9;
	_ =	sdelay $0x1  }
0x53: {  	[tilespmem:s0+$0xAE70] =	vst.add.f32.msk $0xffff, v9  }
0x54: {  	v9 =	vld [tilespmem:$0x2880]  }
0x55: {  	v10 =	vld [tilespmem:$0x2A80]  }
0x56: {  	v11 =	vld [tilespmem:$0x2C80]  }
0x57: {  	v12 =	vld [tilespmem:$0x2890]  }
0x58: {  	v13 =	vld [tilespmem:$0x2A90]  }
0x59: {  	v57 =	vld [tilespmem:$0x2CA0];
	[tilespmem:$0x2800] =	vst v9  }
0x5a: {  	v9 =	vld [tilespmem:$0x2C90];
	[tilespmem:$0x2A00] =	vst v10  }
0x5b: {  	v10 =	vld [tilespmem:$0x28A0];
	[tilespmem:$0x2C00] =	vst v11  }
0x5c: {  	v11 =	vld [tilespmem:$0x2AA0];
	[tilespmem:$0x2810] =	vst v12  }
0x5d: {  	v58 =	vld [tilespmem:$0x28B0];
	[tilespmem:$0x2A10] =	vst v13  }
0x5e: {  	v59 =	vld [tilespmem:$0x2AC0];
	[tilespmem:$0x2C20] =	vst v57  }
0x5f: {  	[tilespmem:$0x2C10] =	vst v9;
	v9 =	vld [tilespmem:$0x2AB0]  }
0x60: {  	[tilespmem:$0x2820] =	vst v10;
	v10 =	vld [tilespmem:$0x2CB0]  }
0x61: {  	[tilespmem:$0x2A20] =	vst v11;
	v11 =	vld [tilespmem:$0x28C0]  }
0x62: {  	v60 =	vld [tilespmem:$0x2CC0];
	[tilespmem:$0x2830] =	vst v58  }
0x63: {  	v61 =	vld [tilespmem:$0x28E0];
	[tilespmem:$0x2A40] =	vst v59  }
0x64: {  	[tilespmem:$0x2A30] =	vst v9;
	v9 =	vld [tilespmem:$0x28D0]  }
0x65: {  	[tilespmem:$0x2C30] =	vst v10;
	v10 =	vld [tilespmem:$0x2AD0]  }
0x66: {  	[tilespmem:$0x2840] =	vst v11;
	v11 =	vld [tilespmem:$0x2CD0]  }
0x67: {  	v62 =	vld [tilespmem:$0x2AE0];
	[tilespmem:$0x2C40] =	vst v60  }
0x68: {  	v63 =	vld [tilespmem:$0x2CF0];
	[tilespmem:$0x2860] =	vst v61  }
0x69: {  	[tilespmem:$0x2850] =	vst v9;
	v9 =	vld [tilespmem:$0x2CE0]  }
0x6a: {  	[tilespmem:$0x2A50] =	vst v10;
	v10 =	vld [tilespmem:$0x28F0]  }
0x6b: {  	[tilespmem:$0x2C50] =	vst v11;
	v11 =	vld [tilespmem:$0x2AF0]  }
0x6c: {  	[tilespmem:$0x2A60] =	vst v62  }
0x6d: {  	[tilespmem:$0x2C70] =	vst v63  }
0x6e: {  	[tilespmem:$0x2C60] =	vst v9  }
0x6f: {  	[tilespmem:$0x2870] =	vst v10  }
0x70: {  	[tilespmem:$0x2A70] =	vst v11  }
.LBB2_20:
0x71: {  	s29 =	sadd.s32 $0x1, s29  }
0x72: {  	p2 =	seq.s32 s29, $0xA0  }
.Ltmp9:
0x73: {  	_ = 	snop;
	(pc) =	sbr.rel @p2 .LBB2_8-.Ltmp9, $3  }
0x74: {  	_ =	sdelay $0x1  }
0x75: {  	p1 =	sgt.s32 s24, $0x7F;
	s0 =	sadd.s32 $0xFFFFFF80, s24  }
0x76: {  	s24 =	smov.u32 @p1 s0  }
.LBB2_16:
0x77: {  	s1 =	sshll.u32 s29, $0x5  }
0x78: {  	s0 =	sshll.u32 s29, $0x4;
	s1 =	sand.u32 $0x1F00, s1  }
0x79: {  	s7 =	sand.u32 $0x70, s0;
	s1 =	sor.u32 s28, s1  }
0x7a: {  	s1 =	sor.u32 s7, s1  }
0x7b: {  	v9 =	vld [tilespmem:s1+$0x0];
	_ =	sdelay $0x4  }
0x7c: {  	vm3 =	vge.s32 v9, v0;
	vm4 =	vlt.s32 v9, v1  }
0x7d: {  	vm3 =	vmand vm3, vm4  }
0x7e: {  	v10 =	vmpcnt.ones.xlane vm3;
	_ =	sdelay $0x1  }
0x7f: {  	(v2sf) =	vpush v10, $0x0;
	_ =	sdelay $0xe  }
0x80: {  	s30 =	spop (v2sf)  }
0x81: {  	p1 =	slt.s32 s30, $0x1  }
0x82: {  	v10 =	vsel @!p1 vm3, $0x1, v3  }
0x83: {  	v11 =	vperm.xlane @!p1 v10, v2  }
0x84: {  	vm4 =	veq.s32 @!p1 v6, $0x0  }
0x85: {  	v11 =	vsel @!p1 vm4, $0x0, v11  }
0x86: {  	v10 =	vadd.s32 @!p1 v10, v11  }
0x87: {  	v11 =	vperm.xlane @!p1 v10, v4;
	_ =	sdelay $0x1  }
0x88: {  	v11 =	vsel @!p1 vm0, $0x0, v11  }
0x89: {  	v10 =	vadd.s32 @!p1 v11, v10  }
0x8a: {  	v11 =	vperm.xlane @!p1 v10, v5;
	_ =	sdelay $0x1  }
0x8b: {  	v11 =	vsel @!p1 vm1, $0x0, v11  }
0x8c: {  	v10 =	vadd.s32 @!p1 v11, v10;
	v11 =	vmov @!p1 s24  }
0x8d: {  	v12 =	vperm.xlane @!p1 v10, v7;
	v11 =	vadd.s32 @!p1 $0xFFFFFFFF, v11  }
0x8e: {  	v11 =	vbroadcast @!p1 v11, $0x0  }
0x8f: {  	v12 =	vsel @!p1 vm2, $0x0, v12  }
0x90: {  	v11 =	vadd.s32 @!p1 v12, v11  }
0x91: {  	v10 =	vadd.s32 @!p1 v10, v11;
	_ =	sdelay $0x3  }
0x92: {  	v9 =	vsub.s32 @!p1 v9, v0  }
0x93: {  	[tilespmem:v10+s16+$0x0] =	vst.idx.msk @!p1 vm3, v9  }
0x94: {  	v9 =	vld @!p1 [tilespmem:s1+$0x1400];
	_ =	sdelay $0x3  }
0x95: {  	s0 =	sadd.s32 @!p1 s26, s0  }
0x96: {  	s24 =	sadd.s32 s24, s30;
	v11 =	vor.u32 @!p1 s0, v6;
	[tilespmem:v10+s17+$0x0] =	vst.idx.msk @!p1 vm3, v9  }
0x97: {  	[tilespmem:v10+s18+$0x0] =	vst.idx.msk @!p1 vm3, v11;
	p1 =	slt.s32 s24, $0x80  }
.Ltmp10:
0x98: {  	_ = 	snop;
	(pc) =	sbr.rel @p1 .LBB2_20-.Ltmp10, $1  }
0x99: {  	_ =	sdelay $0x3  }
0x9a: {  	[tilespmem:s20], [sflag:$0x1] =	stream.indirect.gather [hbm4b:s3+s19], $0x80, s17, s19, $0xb8;
	[tilespmem:$0x14F80] =	vst v63  }
0x9b: {  	_ = 	snop  }
0x9c: {  	[tilespmem:s21], [sflag:$0x2] =	stream.indirect.gather [hbm4b:s4+s19], $0x80, s18, s19, $0xb8;
	[tilespmem:$0x14F80] =	vst v63  }
0x9d: {  	_ =	swait.ge [sflag:s15], $0x4000  }
0x9e: {  	[sflag:s15] =	ssyncset.done $0x0  }
0x9f: {  	[sflag:s15] =	ssyncadd.s32 $0xFFFFC000  }
0xa0: {  	_ =	swait.ge [sflag:s22], $0x4000  }
0xa1: {  	[sflag:s22] =	ssyncset.done $0x0  }
0xa2: {  	s30 =	simm.s32 $0x2800;
	[sflag:s22] =	ssyncadd.s32 $0xFFFFC000  }
0xa3: {  	v9 =	vld [tilespmem:s30+$0x0];
	_ =	sdelay $0x4  }
0xa4: {  	(v2sf) =	vpush v9, $0x0;
	_ =	sdelay $0x2  }
0xa5: {  	v9 =	vbroadcast v9, $0x0;
	_ =	sdelay $0x5  }
0xa6: {  	s31 =	simm.s32 $0x0;
	[tilespmem:v9+s14+$0x0] =	vst.idx.add.f32.msk $0x1, v8  }
0xa7: {  	v9 =	vld [tilespmem:s31+$0x2E00]  }
0xa8: {  	v10 =	vld [tilespmem:s31+$0x6E00];
	_ =	sdelay $0x3  }
0xa9: {  	s0 =	spop (v2sf)  }
0xaa: {  	v9 =	vadd.f32 v10, v9;
	s0 =	sshll.u32 s0, $0x9  }
0xab: {  	s0 =	sshra.s32 s0, $0x2  }
0xac: {  	[tilespmem:s0+$0xAE00] =	vst.add.f32.msk $0xffff, v9  }
0xad: {  	v9 =	vld [tilespmem:s31+$0x2E10]  }
0xae: {  	v10 =	vld [tilespmem:s31+$0x6E10];
	_ =	sdelay $0x4  }
0xaf: {  	v9 =	vadd.f32 v10, v9;
	_ =	sdelay $0x1  }
0xb0: {  	[tilespmem:s0+$0xAE10] =	vst.add.f32.msk $0xffff, v9  }
0xb1: {  	v9 =	vld [tilespmem:s31+$0x2E20]  }
0xb2: {  	v10 =	vld [tilespmem:s31+$0x6E20];
	_ =	sdelay $0x4  }
0xb3: {  	v9 =	vadd.f32 v10, v9;
	_ =	sdelay $0x1  }
0xb4: {  	[tilespmem:s0+$0xAE20] =	vst.add.f32.msk $0xffff, v9  }
0xb5: {  	v9 =	vld [tilespmem:s31+$0x2E30]  }
0xb6: {  	v10 =	vld [tilespmem:s31+$0x6E30];
	_ =	sdelay $0x4  }
0xb7: {  	v9 =	vadd.f32 v10, v9;
	_ =	sdelay $0x1  }
0xb8: {  	[tilespmem:s0+$0xAE30] =	vst.add.f32.msk $0xffff, v9  }
0xb9: {  	v9 =	vld [tilespmem:s31+$0x2E40]  }
0xba: {  	v10 =	vld [tilespmem:s31+$0x6E40];
	_ =	sdelay $0x4  }
0xbb: {  	v9 =	vadd.f32 v10, v9;
	_ =	sdelay $0x1  }
0xbc: {  	[tilespmem:s0+$0xAE40] =	vst.add.f32.msk $0xffff, v9  }
0xbd: {  	v9 =	vld [tilespmem:s31+$0x2E50]  }
0xbe: {  	v10 =	vld [tilespmem:s31+$0x6E50];
	_ =	sdelay $0x4  }
0xbf: {  	v9 =	vadd.f32 v10, v9;
	_ =	sdelay $0x1  }
0xc0: {  	[tilespmem:s0+$0xAE50] =	vst.add.f32.msk $0xffff, v9  }
0xc1: {  	v9 =	vld [tilespmem:s31+$0x2E60]  }
0xc2: {  	v10 =	vld [tilespmem:s31+$0x6E60];
	_ =	sdelay $0x4  }
0xc3: {  	v9 =	vadd.f32 v10, v9;
	_ =	sdelay $0x1  }
0xc4: {  	s1 =	simm.s32 $0x200;
	[tilespmem:s0+$0xAE60] =	vst.add.f32.msk $0xffff, v9  }
.LBB2_18:
0xc5: {  	p1 =	sne.s32 s1, $0xFE00  }
0xc6: {  	v9 =	vld [tilespmem:s31+$0x2E70];
	s30 =	sadd.s32 $0x1, s30;
	s7 =	smov.u32 s1;
	s1 =	sadd.s32 $0x200, s1  }
0xc7: {  	v10 =	vld [tilespmem:s31+$0x6E70];
	_ =	sdelay $0x4  }
0xc8: {  	v9 =	vadd.f32 v10, v9;
	_ =	sdelay $0x1  }
0xc9: {  	[tilespmem:s0+$0xAE70] =	vst.add.f32.msk $0xffff, v9  }
0xca: {  	v9 =	vld [tilespmem:s30+$0x0];
	_ =	sdelay $0x4  }
0xcb: {  	(v2sf) =	vpush v9, $0x0;
	_ =	sdelay $0x2  }
0xcc: {  	v9 =	vbroadcast v9, $0x0;
	_ =	sdelay $0x5  }
0xcd: {  	s31 =	sshra.s32 s7, $0x2;
	[tilespmem:v9+s14+$0x0] =	vst.idx.add.f32.msk $0x1, v8  }
0xce: {  	v9 =	vld [tilespmem:s31+$0x2E00]  }
0xcf: {  	v10 =	vld [tilespmem:s31+$0x6E00];
	_ =	sdelay $0x3  }
0xd0: {  	s0 =	spop (v2sf)  }
0xd1: {  	v9 =	vadd.f32 v10, v9;
	s0 =	sshll.u32 s0, $0x9  }
0xd2: {  	s0 =	sshra.s32 s0, $0x2  }
0xd3: {  	[tilespmem:s0+$0xAE00] =	vst.add.f32.msk $0xffff, v9  }
0xd4: {  	v9 =	vld [tilespmem:s31+$0x2E10]  }
0xd5: {  	v10 =	vld [tilespmem:s31+$0x6E10];
	_ =	sdelay $0x4  }
0xd6: {  	v9 =	vadd.f32 v10, v9;
	_ =	sdelay $0x1  }
0xd7: {  	[tilespmem:s0+$0xAE10] =	vst.add.f32.msk $0xffff, v9  }
0xd8: {  	v9 =	vld [tilespmem:s31+$0x2E20]  }
0xd9: {  	v10 =	vld [tilespmem:s31+$0x6E20];
	_ =	sdelay $0x4  }
0xda: {  	v9 =	vadd.f32 v10, v9;
	_ =	sdelay $0x1  }
0xdb: {  	[tilespmem:s0+$0xAE20] =	vst.add.f32.msk $0xffff, v9  }
0xdc: {  	v9 =	vld [tilespmem:s31+$0x2E30]  }
0xdd: {  	v10 =	vld [tilespmem:s31+$0x6E30];
	_ =	sdelay $0x4  }
0xde: {  	v9 =	vadd.f32 v10, v9;
	_ =	sdelay $0x1  }
0xdf: {  	[tilespmem:s0+$0xAE30] =	vst.add.f32.msk $0xffff, v9  }
0xe0: {  	v9 =	vld [tilespmem:s31+$0x2E40]  }
0xe1: {  	v10 =	vld [tilespmem:s31+$0x6E40];
	_ =	sdelay $0x4  }
0xe2: {  	v9 =	vadd.f32 v10, v9;
	_ =	sdelay $0x1  }
0xe3: {  	[tilespmem:s0+$0xAE40] =	vst.add.f32.msk $0xffff, v9  }
0xe4: {  	v9 =	vld [tilespmem:s31+$0x2E50]  }
0xe5: {  	v10 =	vld [tilespmem:s31+$0x6E50];
	_ =	sdelay $0x4  }
0xe6: {  	v9 =	vadd.f32 v10, v9;
	_ =	sdelay $0x1  }
0xe7: {  	[tilespmem:s0+$0xAE50] =	vst.add.f32.msk $0xffff, v9  }
0xe8: {  	v9 =	vld [tilespmem:s31+$0x2E60]  }
0xe9: {  	v10 =	vld [tilespmem:s31+$0x6E60];
	_ =	sdelay $0x2  }
.Ltmp11:
0xea: {  	(pc) =	sbr.rel @p1 .LBB2_18-.Ltmp11, $3  }
0xeb: {  	_ = 	snop  }
0xec: {  	v9 =	vadd.f32 v10, v9;
	_ =	sdelay $0x1  }
0xed: {  	[tilespmem:s0+$0xAE60] =	vst.add.f32.msk $0xffff, v9  }
.Ltmp12:
0xee: {  	_ = 	snop;
	(pc) =	sbr.rel .LBB2_19-.Ltmp12, $1  }
0xef: {  	_ =	sdelay $0x3  }
.LBB2_21:
0xf0: {  	[tilespmem:s20], [sflag:$0x1] =	stream.indirect.gather [hbm4b:s3+s19], $0x80, s17, s19, $0xb8;
	[tilespmem:$0x14F80] =	vst v63  }
0xf1: {  	_ = 	snop  }
0xf2: {  	[tilespmem:s21], [sflag:$0x2] =	stream.indirect.gather [hbm4b:s4+s19], $0x80, s18, s19, $0xb8;
	[tilespmem:$0x14F80] =	vst v63  }
0xf3: {  	_ =	swait.ge [sflag:s15], $0x4000  }
0xf4: {  	[sflag:s15] =	ssyncset.done $0x0  }
0xf5: {  	[sflag:s15] =	ssyncadd.s32 $0xFFFFC000  }
0xf6: {  	_ =	swait.ge [sflag:s22], $0x4000  }
0xf7: {  	p1 =	sle.s32 s24, $0x0;
	[sflag:s22] =	ssyncset.done $0x0  }
0xf8: {  	s25 =	simm.s32 $0x2800;
	p0 =	por p1, p1;
	[sflag:s22] =	ssyncadd.s32 $0xFFFFC000  }
0xf9: {  	v9 =	vld @!p0 [tilespmem:s25+$0x0];
	_ =	sdelay $0x4  }
0xfa: {  	(v2sf) =	vpush @!p0 v9, $0x0;
	_ =	sdelay $0x2  }
0xfb: {  	v9 =	vbroadcast @!p0 v9, $0x0;
	_ =	sdelay $0x4  }
0xfc: {  	v10 =	vimm.f32 @!p0 $1.000000000e+00;
	s0 =	simm.s32 @!p0 $0x14E00  }
0xfd: {  	s28 =	simm.s32 $0x2E40;
	[tilespmem:v9+s0+$0x0] =	vst.idx.add.f32.msk @!p0 $0x1, v10  }
0xfe: {  	s26 =	simm.s32 $0x6E40;
	v9 =	vld @!p0 [tilespmem:s28+$0xFFFFFFC0]  }
0xff: {  	v10 =	vld @!p0 [tilespmem:s26+$0xFFFFFFC0];
	_ =	sdelay $0x3  }
0x100: {  	s0 =	spop @!p1 (v2sf)  }
0x101: {  	v9 =	vadd.f32 @!p0 v10, v9;
	s0 =	sshll.u32 @!p0 s0, $0x9  }
0x102: {  	s1 =	sshra.s32 @!p0 s0, $0x2  }
0x103: {  	[tilespmem:s1+$0xAE00] =	vst.add.f32.msk @!p0 $0xffff, v9  }
0x104: {  	v9 =	vld @!p0 [tilespmem:s28+$0xFFFFFFD0]  }
0x105: {  	v10 =	vld @!p0 [tilespmem:s26+$0xFFFFFFD0];
	_ =	sdelay $0x4  }
0x106: {  	v9 =	vadd.f32 @!p0 v10, v9;
	_ =	sdelay $0x1  }
0x107: {  	[tilespmem:s1+$0xAE10] =	vst.add.f32.msk @!p0 $0xffff, v9  }
0x108: {  	v9 =	vld @!p0 [tilespmem:s28+$0xFFFFFFE0]  }
0x109: {  	v10 =	vld @!p0 [tilespmem:s26+$0xFFFFFFE0];
	_ =	sdelay $0x4  }
0x10a: {  	v9 =	vadd.f32 @!p0 v10, v9;
	_ =	sdelay $0x1  }
0x10b: {  	[tilespmem:s1+$0xAE20] =	vst.add.f32.msk @!p0 $0xffff, v9  }
0x10c: {  	v9 =	vld @!p0 [tilespmem:s28+$0xFFFFFFF0]  }
0x10d: {  	v10 =	vld @!p0 [tilespmem:s26+$0xFFFFFFF0];
	_ =	sdelay $0x4  }
0x10e: {  	v9 =	vadd.f32 @!p0 v10, v9;
	_ =	sdelay $0x1  }
0x10f: {  	[tilespmem:s1+$0xAE30] =	vst.add.f32.msk @!p0 $0xffff, v9  }
0x110: {  	v9 =	vld @!p0 [tilespmem:s28+$0x0]  }
0x111: {  	v10 =	vld @!p0 [tilespmem:s26+$0x0];
	_ =	sdelay $0x4  }
0x112: {  	v9 =	vadd.f32 @!p0 v10, v9;
	_ =	sdelay $0x1  }
0x113: {  	[tilespmem:s1+$0xAE40] =	vst.add.f32.msk @!p0 $0xffff, v9  }
0x114: {  	v9 =	vld @!p0 [tilespmem:s28+$0x10]  }
0x115: {  	v10 =	vld @!p0 [tilespmem:s26+$0x10];
	_ =	sdelay $0x4  }
0x116: {  	v9 =	vadd.f32 @!p0 v10, v9;
	_ =	sdelay $0x1  }
0x117: {  	[tilespmem:s1+$0xAE50] =	vst.add.f32.msk @!p0 $0xffff, v9  }
0x118: {  	v9 =	vld @!p0 [tilespmem:s28+$0x20]  }
0x119: {  	v10 =	vld @!p0 [tilespmem:s26+$0x20];
	_ =	sdelay $0x4  }
0x11a: {  	v9 =	vadd.f32 @!p0 v10, v9;
	_ =	sdelay $0x1  }
0x11b: {  	s29 =	simm.s32 $0x1;
	s31 =	simm.s32 $0x2EC0;
	s30 =	simm.s32 $0x6E40;
	[tilespmem:s1+$0xAE60] =	vst.add.f32.msk @!p0 $0xffff, v9  }
.LBB2_22:
0x11c: {  	s25 =	sadd.s32 $0x1, s25;
	s26 =	sadd.s32 $0x80, s26  }
0x11d: {  	v9 =	vld @!p0 [tilespmem:s28+$0x30];
	s0 =	smov.u32 s29;
	s29 =	sadd.s32 $0x1, s29;
	s28 =	smov.u32 s31  }
0x11e: {  	p1 =	sne.s32 s29, $0x80;
	v10 =	vld @!p0 [tilespmem:s30+$0x30];
	s30 =	smov.u32 s26;
	_ =	sdelay $0x4  }
0x11f: {  	v9 =	vadd.f32 @!p0 v10, v9  }
0x120: {  	p2 =	sge.s32 s0, s24  }
0x121: {  	[tilespmem:s1+$0xAE70] =	vst.add.f32.msk @!p0 $0xffff, v9;
	p0 =	por p2, p2  }
0x122: {  	v9 =	vld @!p0 [tilespmem:s25+$0x0];
	_ =	sdelay $0x4  }
0x123: {  	v10 =	vbroadcast @!p0 v9, $0x0;
	(v2sf) =	vpush @!p0 v9, $0x0;
	_ =	sdelay $0x7  }
0x124: {  	s0 =	simm.s32 @!p0 $0x14E00;
	v9 =	vimm.f32 @!p0 $1.000000000e+00  }
0x125: {  	[tilespmem:v10+s0+$0x0] =	vst.idx.add.f32.msk @!p0 $0x1, v9  }
0x126: {  	v9 =	vld @!p0 [tilespmem:s31+$0xFFFFFFC0]  }
0x127: {  	v10 =	vld @!p0 [tilespmem:s26+$0xFFFFFFC0];
	_ =	sdelay $0x3  }
0x128: {  	s0 =	spop @!p2 (v2sf)  }
0x129: {  	v9 =	vadd.f32 @!p0 v10, v9;
	s0 =	sshll.u32 @!p0 s0, $0x9  }
0x12a: {  	s1 =	sshra.s32 @!p0 s0, $0x2  }
0x12b: {  	[tilespmem:s1+$0xAE00] =	vst.add.f32.msk @!p0 $0xffff, v9  }
0x12c: {  	v9 =	vld @!p0 [tilespmem:s31+$0xFFFFFFD0]  }
0x12d: {  	v10 =	vld @!p0 [tilespmem:s26+$0xFFFFFFD0];
	_ =	sdelay $0x4  }
0x12e: {  	v9 =	vadd.f32 @!p0 v10, v9;
	_ =	sdelay $0x1  }
0x12f: {  	[tilespmem:s1+$0xAE10] =	vst.add.f32.msk @!p0 $0xffff, v9  }
0x130: {  	v9 =	vld @!p0 [tilespmem:s31+$0xFFFFFFE0]  }
0x131: {  	v10 =	vld @!p0 [tilespmem:s26+$0xFFFFFFE0];
	_ =	sdelay $0x4  }
0x132: {  	v9 =	vadd.f32 @!p0 v10, v9;
	_ =	sdelay $0x1  }
0x133: {  	[tilespmem:s1+$0xAE20] =	vst.add.f32.msk @!p0 $0xffff, v9  }
0x134: {  	v9 =	vld @!p0 [tilespmem:s31+$0xFFFFFFF0]  }
0x135: {  	v10 =	vld @!p0 [tilespmem:s26+$0xFFFFFFF0];
	_ =	sdelay $0x4  }
0x136: {  	v9 =	vadd.f32 @!p0 v10, v9;
	_ =	sdelay $0x1  }
0x137: {  	[tilespmem:s1+$0xAE30] =	vst.add.f32.msk @!p0 $0xffff, v9  }
0x138: {  	v9 =	vld @!p0 [tilespmem:s31+$0x0]  }
0x139: {  	v10 =	vld @!p0 [tilespmem:s26+$0x0];
	_ =	sdelay $0x4  }
0x13a: {  	v9 =	vadd.f32 @!p0 v10, v9;
	_ =	sdelay $0x1  }
0x13b: {  	[tilespmem:s1+$0xAE40] =	vst.add.f32.msk @!p0 $0xffff, v9  }
0x13c: {  	v9 =	vld @!p0 [tilespmem:s31+$0x10]  }
0x13d: {  	v10 =	vld @!p0 [tilespmem:s26+$0x10];
	_ =	sdelay $0x4  }
0x13e: {  	v9 =	vadd.f32 @!p0 v10, v9;
	_ =	sdelay $0x1  }
0x13f: {  	[tilespmem:s1+$0xAE50] =	vst.add.f32.msk @!p0 $0xffff, v9  }
0x140: {  	v9 =	vld @!p0 [tilespmem:s31+$0x20]  }
0x141: {  	v10 =	vld @!p0 [tilespmem:s26+$0x20];
	_ =	sdelay $0x2  }
.Ltmp13:
0x142: {  	(pc) =	sbr.rel @p1 .LBB2_22-.Ltmp13, $3  }
0x143: {  	_ = 	snop  }
0x144: {  	v9 =	vadd.f32 @!p0 v10, v9;
	_ =	sdelay $0x1  }
0x145: {  	s31 =	sadd.s32 $0x80, s31;
	[tilespmem:s1+$0xAE60] =	vst.add.f32.msk @!p0 $0xffff, v9  }
0x146: {  	v9 =	vld @!p0 [tilespmem:s28+$0x30]  }
0x147: {  	v10 =	vld @!p0 [tilespmem:s30+$0x30];
	_ =	sdelay $0x4  }
0x148: {  	v9 =	vadd.f32 @!p0 v10, v9;
	_ =	sdelay $0x1  }
0x149: {  	[tilespmem:s1+$0xAE70] =	vst.add.f32.msk @!p0 $0xffff, v9;
	s1 =	simm.s32 $0xAE00  }
0x14a: {  	[hbm4b:s9+s2] =	stream.linear.scatter [tilespmem:s1], [sflag:$0x7], $0xA000, $0x38;
	[tilespmem:$0x14F80] =	vst v63  }
0x14b: {  	s23 =	sadd.s32 $0x1, s23;
	_ =	swait.ge [sflag:s13], $0xA000  }
0x14c: {  	p0 =	sne.s32 s23, s11;
	[sflag:s13] =	ssyncset.done $0x0  }
.Ltmp14:
0x14d: {  	[sflag:s13] =	ssyncadd.s32 $0xFFFF6000;
	(pc) =	sbr.rel @p0 .LBB2_1-.Ltmp14, $4  }
0x14e: {  	[hbm4b:s10+s2] =	stream.linear.scatter [tilespmem:s14], [sflag:$0x7], $0x140, $0x38;
	[tilespmem:$0x14F80] =	vst v63  }
0x14f: {  	_ =	swait.ge [sflag:s13], $0x140  }
0x150: {  	[sflag:s13] =	ssyncset.done $0x0  }
0x151: {  	[sflag:s13] =	ssyncadd.s32 $0xFFFFFEC0  }
0x152: {  	_ =	sfence.sel $0x180000  }
0x153: {  	[bflag:$0x0] =	sbarrier.arrive $0xFFFF  }
0x154: {  	_ =	strace $0x9000004A  }
0x155: {  	s0 =	stileid.u32;
	[bflag:$0x2] =	sbarrier.arrive $0xFFFF  }
0x156: {  	p0 =	sne.s32 s0, $0x0;
	s0 =	rddreg [dreg:$0x1]  }
0x157: {  	s0 =	sadd.s32 @!p0 $0x100000, s0  }
0x158: {  	[sflag:s0] =	ssyncadd.tile.s32 @!p0 $0x1;
	_ =	shalt  }
.Lfunc_end2:
_tile_overlayer_lowered:
.L_overlay_start_2:
0x159: {  	(tag) =	ssettag $0x2  }
0x15a: {  	s0 =	rddreg [dreg:$0x0];
	s2 =	stileid.u32  }
0x15b: {  	s1 =	rddreg [dreg:$0x1];
	p0 =	sne.s32 s2, $0x0  }
0x15c: {  	s3 =	rddreg [dreg:$0x2];
	[bflag:$0x3] =	sbarrier.arrive $0xFFFF;
	s2 =	simm.s32 @!p0 $0x1C07  }
0x15d: {  	[timem:s3], [sflag:s2] =	dma.local @!p0 [hbm:s0], s1  }
0x15e: {  	s0 =	simm.s32 @!p0 $0x7  }
0x15f: {  	_ =	swait.ge @!p0 [sflag:s0], s1  }
0x160: {  	s1 =	ssub.s32 @!p0 $0x0, s1;
	[sflag:s0] =	ssyncset.done @!p0 $0x0  }
0x161: {  	[sflag:s0] =	ssyncadd.s32 @!p0 s1  }
0x162: {  	[bflag:$0x3] =	sbarrier.arrive $0xFFFF  }
0x163: {  	_ =	shalt  }

// kernel: kernel.16.cloned.1.call-start
scs
__scs_entry_jumppad:
0x0: {  	(pc) =	sbr.rel $0x88, $3  }
0x1: {  	(tag) =	ssettag $0x0;
	lr =	simm.s32 $0x1  }
0x2: {  	[smem:$0x3F8F] =	sst lr;
	_ =	strace $0xD0000000  }
0x3: {  	_ = 	snop  }
0x4: {  	_ = 	snop  }
0x5: {  	_ = 	snop  }
0x6: {  	_ = 	snop  }
0x7: {  	_ = 	snop  }
__scs_overlays_trampoline_lowered:
0x8: {  	[smem:$0x3F9E] =	sst s0  }
0x9: {  	[smem:$0x3F9F] =	sst s1  }
0xa: {  	[smem:$0x3FA0] =	sst s2  }
0xb: {  	[smem:$0x3FA1] =	sst s3  }
0xc: {  	[smem:$0x3FA2] =	sst s4  }
0xd: {  	[smem:$0x3FA3] =	sst s5  }
0xe: {  	[smem:$0x3FA4] =	sst s6  }
0xf: {  	[smem:$0x3FA5] =	sst s7  }
0x10: {  	[smem:$0x3FA6] =	sst s8  }
0x11: {  	[smem:$0x3FA7] =	sst s9;
	s0 =	simm.s32 @!p0 $0x0  }
0x12: {  	s1 =	sld [smem:$0x3F8D];
	s0 =	simm.s32 @p0 $0x1  }
0x13: {  	[smem:$0x3FA8] =	sst s0;
	s0 =	simm.s32 @!p1 $0x0  }
0x14: {  	s2 =	sld [smem:$0x3F8C];
	s0 =	simm.s32 @p1 $0x1  }
0x15: {  	[smem:$0x3FA9] =	sst s0;
	s0 =	simm.s32 @!p2 $0x0  }
0x16: {  	s3 =	sld [smem:$0x3FDB];
	s0 =	simm.s32 @p2 $0x1  }
0x17: {  	s4 =	simm.s32 $0x1BF5;
	[smem:$0x3FAB] =	sst s0  }
0x18: {  	s0 =	sld [smem:$0x3F8E];
	_ =	swait.ge [sflag:s4], $0x0  }
0x19: {  	s7 =	sld [smem:$0x3F8F]  }
0x1a: {  	s8 =	sadd.s32 $0xFFFFE003, lr  }
0x1b: {  	s9 =	sadd.s32 $0xFFFFFEF7, lr;
	s5 =	simm.s32 $0xFFFFFFFF;
	p2 =	slt.u32 s8, $0xFFFFF086  }
0x1c: {  	p1 =	slt.u32 s9, $0xF7A;
	s5 =	simm.s32 @!p2 $0x0  }
0x1d: {  	s5 =	simm.s32 @p1 $0x1;
	p0 =	seq.s32 s7, s2  }
0x1e: {  	s7 =	smul.u32 @!p0 $0xF7A, s2;
	p2 =	seq.s32 @!p0 s5, $0x0  }
0x1f: {  	s9 =	smul.u32 $0xF7A, s1;
	s8 =	simm.s32 @!p0 $0x1BF5;
	p2 =	por !p2, p0  }
0x20: {  	[sflag:s8] =	ssyncset.s32 @!p0 $0xFFFFF086;
	s6 =	sadd.s32 @!p0 s3, s7;
	s7 =	simm.s32 @!p0 $0x108  }
0x21: {  	s3 =	sadd.s32 s3, s9;
	s6 =	sadd.s32 @!p0 $0x88, s6;
	s7 =	simm.s32 @p2 $0x1082  }
0x22: {  	[simem:s7], [sflag:s8] =	dma.local @!p0 [hbm:s6], $0xF7A  }
0x23: {  	s9 =	sor.u32 $0xD0000000, s2;
	s6 =	simm.s32 $0x108;
	_ =	swait.ge @!p0 [sflag:s8], $0x0  }
0x24: {  	s3 =	sadd.s32 $0x88, s3;
	s6 =	simm.s32 @!p1 $0x1082;
	[sflag:s4] =	ssyncset.s32 $0xFFFFF086  }
0x25: {  	[simem:s6], [sflag:s4] =	dma.local [hbm:s3], $0xF7A  }
0x26: {  	[smem:$0x3F8F] =	sst s1;
	(tag) =	ssettag s2;
	_ =	strace s9  }
0x27: {  	s1 =	sld [smem:$0x3F9F]  }
0x28: {  	s2 =	sld [smem:$0x3FA0]  }
0x29: {  	s4 =	sld [smem:$0x3FA2]  }
0x2a: {  	p0 =	seq.s32 s5, $0x0;
	s5 =	sld [smem:$0x3FA3]  }
0x2b: {  	s6 =	sld [smem:$0x3FA4]  }
0x2c: {  	s7 =	sld [smem:$0x3FA5]  }
0x2d: {  	s3 =	simm.s32 $0x108;
	s8 =	sld [smem:$0x3FA6]  }
0x2e: {  	s3 =	simm.s32 @!p0 $0x1082;
	s9 =	sld [smem:$0x3FA7]  }
0x2f: {  	lr =	sadd.s32 s0, s3;
	s0 =	sld [smem:$0x3F9E]  }
0x30: {  	s3 =	sld [smem:$0x3FA1]  }
0x31: {  	[smem:$0x3FAA] =	sst s10  }
0x32: {  	s10 =	sld [smem:$0x3FA8];
	_ =	sdelay $0x3  }
0x33: {  	p0 =	seq.s32 s10, $0x1;
	s10 =	sld [smem:$0x3FAA];
	_ =	sdelay $0x3  }
0x34: {  	[smem:$0x3FAA] =	sst s10  }
0x35: {  	s10 =	sld [smem:$0x3FA9];
	_ =	sdelay $0x3  }
0x36: {  	p1 =	seq.s32 s10, $0x1;
	s10 =	sld [smem:$0x3FAA];
	_ =	sdelay $0x3  }
0x37: {  	[smem:$0x3FAA] =	sst s10  }
0x38: {  	s10 =	sld [smem:$0x3FAB]  }
0x39: {  	_ = 	snop;
	(pc) =	sbr.ind lr, $3  }
0x3a: {  	_ = 	snop  }
0x3b: {  	_ = 	snop  }
0x3c: {  	p2 =	seq.s32 s10, $0x1;
	s10 =	sld [smem:$0x3FAA]  }
0x3d: {  	_ =	shalt  }
0x3e: {  	_ =	shalt  }
0x3f: {  	_ =	shalt  }
0x40: {  	_ =	shalt  }
0x41: {  	_ =	shalt  }
0x42: {  	_ =	shalt  }
0x43: {  	_ =	shalt  }
0x44: {  	_ =	shalt  }
0x45: {  	_ =	shalt  }
0x46: {  	_ =	shalt  }
0x47: {  	_ =	shalt  }
0x48: {  	_ =	shalt  }
0x49: {  	_ =	shalt  }
0x4a: {  	_ =	shalt  }
0x4b: {  	_ =	shalt  }
0x4c: {  	_ =	shalt  }
0x4d: {  	_ =	shalt  }
0x4e: {  	_ =	shalt  }
0x4f: {  	_ =	shalt  }
0x50: {  	_ =	shalt  }
0x51: {  	_ =	shalt  }
0x52: {  	_ =	shalt  }
0x53: {  	_ =	shalt  }
0x54: {  	_ =	shalt  }
0x55: {  	_ =	shalt  }
0x56: {  	_ =	shalt  }
0x57: {  	_ =	shalt  }
0x58: {  	_ =	shalt  }
0x59: {  	_ =	shalt  }
0x5a: {  	_ =	shalt  }
0x5b: {  	_ =	shalt  }
0x5c: {  	_ =	shalt  }
0x5d: {  	_ =	shalt  }
0x5e: {  	_ =	shalt  }
0x5f: {  	_ =	shalt  }
0x60: {  	_ =	shalt  }
0x61: {  	_ =	shalt  }
0x62: {  	_ =	shalt  }
0x63: {  	_ =	shalt  }
0x64: {  	_ =	shalt  }
0x65: {  	_ =	shalt  }
0x66: {  	_ =	shalt  }
0x67: {  	_ =	shalt  }
0x68: {  	_ =	shalt  }
0x69: {  	_ =	shalt  }
0x6a: {  	_ =	shalt  }
0x6b: {  	_ =	shalt  }
0x6c: {  	_ =	shalt  }
0x6d: {  	_ =	shalt  }
0x6e: {  	_ =	shalt  }
0x6f: {  	_ =	shalt  }
0x70: {  	_ =	shalt  }
0x71: {  	_ =	shalt  }
0x72: {  	_ =	shalt  }
0x73: {  	_ =	shalt  }
0x74: {  	_ =	shalt  }
0x75: {  	_ =	shalt  }
0x76: {  	_ =	shalt  }
0x77: {  	_ =	shalt  }
0x78: {  	_ =	shalt  }
0x79: {  	_ =	shalt  }
0x7a: {  	_ =	shalt  }
0x7b: {  	_ =	shalt  }
0x7c: {  	_ =	shalt  }
0x7d: {  	_ =	shalt  }
0x7e: {  	_ =	shalt  }
0x7f: {  	_ =	shalt  }
0x80: {  	_ =	shalt  }
0x81: {  	_ =	shalt  }
0x82: {  	_ =	shalt  }
0x83: {  	_ =	shalt  }
0x84: {  	_ =	shalt  }
0x85: {  	_ =	shalt  }
0x86: {  	_ =	shalt  }
0x87: {  	_ =	shalt  }
.Lfunc_end0:
.L_simem_size_0:
called_computation.2_lowered:
.L_overlay_start_0:
0x88: {  	s2 =	sld [smem:$0x3FD9]  }
0x89: {  	s3 =	sld [smem:$0x3FFE];
	_ =	sdelay $0x1  }
0x8a: {  	s1 =	srdreg.scid  }
0x8b: {  	s0 =	sand.u32 $0x1, s1  }
0x8c: {  	s14 =	sshll.u32 s0, $0xA;
	s2 =	sadd.s32 s3, s2  }
0x8d: {  	s2 =	sadd.s32 s2, s14  }
0x8e: {  	[smem:$0x3FB6] =	sst s2  }
0x8f: {  	_ = 	snop  }
0x90: {  	s2 =	sld [smem:$0x3FD0];
	_ =	sdelay $0x2  }
0x91: {  	s15 =	simm.s32 $0xA;
	s4 =	simm.s32 $0x10  }
0x92: {  	[smem:s4], [sflag:s15] =	dma.local [hbm:s2], $0x1  }
0x93: {  	_ =	swait.eq [sflag:s15], $0x1  }
0x94: {  	[sflag:s15] =	ssyncset.done $0x0  }
0x95: {  	s16 =	sld [smem:$0x10];
	[sflag:s15] =	ssyncadd.s32 $0xFFFFFFFF  }
0x96: {  	s17 =	sld [smem:$0x11];
	(tm) =	ssettm $0x1  }
0x97: {  	s18 =	sld [smem:$0x3FFB];
	_ =	sdelay $0x3  }
0x98: {  	_ =	strace s18  }
0x99: {  	s4 =	sld [smem:$0x3FFC];
	_ =	sdelay $0x3  }
0x9a: {  	_ =	strace s4  }
0x9b: {  	s4 =	sld [smem:$0x3FFD];
	_ =	sdelay $0x3  }
0x9c: {  	_ =	strace s4  }
0x9d: {  	_ =	strace $0x8FFFFFFF  }
0x9e: {  	s19 =	sld [smem:$0x3FDB];
	_ =	sdelay $0x1  }
0x9f: {  	s5 =	simm.s32 $_scs_section_size  }
0xa0: {  	s6 =	simm.s32 $_size__tile_overlayer_lowered;
	s7 =	simm.s32 $_tile_overlayer_lowered  }
0xa1: {  	s22 =	simm.s32 $0x1BFF;
	s21 =	sshll.u32 s7, $0x1;
	s4 =	sadd.s32 s5, s19  }
0xa2: {  	s8 =	simm.s32 $0x0;
	s20 =	sshll.u32 s6, $0x1;
	s6 =	sadd.s32 s21, s4  }
0xa3: {  	[timem:s8], [sflag:s22] =	dma.local [hbm:s6], s20  }
0xa4: {  	_ =	swait.ge [sflag:s22], s20  }
0xa5: {  	s5 =	ssub.s32 $0x0, s20;
	[sflag:s22] =	ssyncset.done $0x0  }
0xa6: {  	[sflag:s22] =	ssyncadd.s32 s5;
	_ =	sdelay $0x1  }
0xa7: {  	s23 =	simm.s32 $0x1B8B  }
0xa8: {  	_ =	swait.ge [sflag:s23], $0x1  }
0xa9: {  	[sflag:s23] =	ssyncset.done $0x0  }
0xaa: {  	s25 =	simm.s32 $0x1B8E;
	s24 =	sld [smem:$0x3FFE];
	[sflag:s23] =	ssyncadd.s32 $0xFFFFFFFF  }
0xab: {  	s26 =	simm.s32 $execute0_lowered;
	[smem:$0x3FD2] =	sst s25  }
0xac: {  	s6 =	sshll.u32 s26, $0x1;
	_ =	strace $0x8000004C;
	[dreg:$0x1] =	wrdreg $0xFFFFFFFF  }
0xad: {  	s28 =	simm.s32 $_size_execute0_lowered;
	s4 =	sadd.s32 s4, s6;
	[dreg:$0x0] =	wrdreg $0x0  }
0xae: {  	s6 =	sshll.u32 s28, $0x1;
	[dreg:$0x2] =	wrdreg s4  }
0xaf: {  	[dreg:$0x3] =	wrdreg s6  }
0xb0: {  	[dreg:$0x4] =	wrdreg $0xC0  }
0xb1: {  	_ =	task [dreg:s8], $0x5FFFF  }
0xb2: {  	[dreg:$0x1] =	wrdreg $0xFFFFFFFF  }
0xb3: {  	[dreg:$0x0] =	wrdreg $0x60  }
0xb4: {  	[dreg:$0x2] =	wrdreg s24  }
0xb5: {  	[dreg:$0x3] =	wrdreg s16  }
0xb6: {  	[dreg:$0x4] =	wrdreg s17  }
0xb7: {  	[dreg:$0x5] =	wrdreg $0x9  }
0xb8: {  	_ =	task.clear_ibuf [dreg:s8], $0x6FFFF;
	_ =	strace $0x9000004C  }
0xb9: {  	s29 =	simm.s32 $0x9;
	_ =	strace $0x8000004E  }
0xba: {  	_ =	swait.ge [sflag:s29], $0x1  }
0xbb: {  	[sflag:s29] =	ssyncadd.s32 $0xFFFFFFFF  }
0xbc: {  	_ =	strace $0x9000004E  }
0xbd: {  	_ =	sfence  }
0xbe: {  	s30 =	sld [smem:$0x0];
	_ =	sdelay $0x2  }
0xbf: {  	s31 =	sshll.u32 s1, $0xD;
	s1 =	sshrl.u32 s1, $0x2  }
0xc0: {  	s3 =	sand.u32 $0x4000, s31;
	s1 =	sadd.s32 s1, s30  }
0xc1: {  	s0 =	sor.u32 s3, s0;
	s1 =	sshll.u32 s1, $0x11  }
0xc2: {  	s0 =	sor.u32 s1, s0  }
0xc3: {  	s0 =	sadd.s32 $0x8F2B, s0  }
0xc4: {  	[sflag:s0] =	ssyncadd.remote.s32 $0x1  }
0xc5: {  	_ =	sfence.sel $0xFFFF  }
0xc6: {  	[dreg:$0x0] =	wrdreg $0xFFFFFFFF;
	(pc) =	sbr.abs _section_cstart, $3  }
0xc7: {  	[dreg:$0x1] =	wrdreg $0xFFFFFFFF  }
0xc8: {  	_ =	task.clear_ibuf [dreg:s8], $0x2FFFF;
	_ =	strace $0x9FFFFFFF  }
0xc9: {  	(tm) =	ssettm $0x7FFFFFFF  }
tec
execute0_lowered:
.L_overlay_start_1:
0x0: {  	(tag) =	ssettag $0x1  }
0x1: {  	s5 =	rddreg [dreg:$0x0]  }
0x2: {  	s9 =	rddreg [dreg:$0x1]  }
0x3: {  	s7 =	rddreg [dreg:$0x2]  }
0x4: {  	s0 =	rddreg [dreg:$0x3];
	s1 =	simm.s32 $0x0  }
0x5: {  	s2 =	srdreg.scid;
	s13 =	simm.s32 $0x5;
	s14 =	simm.s32 $0x80  }
0x6: {  	s15 =	simm.s32 $0x100;
	s16 =	simm.s32 $0x4100;
	s17 =	simm.s32 $0x8100  }
0x7: {  	s18 =	simm.s32 $0xC100;
	s19 =	simm.s32 $0x1;
	s20 =	simm.s32 $0x2  }
0x8: {  	s21 =	simm.s32 $0x3;
	s22 =	simm.s32 $0x4;
	s23 =	simm.s32 $0x0  }
0x9: {  	[smem:$0x7FF] =	sst s1;
	s6 =	sand.u32 $0x1, s2;
	s2 =	stileid.u32  }
0xa: {  	s3 =	sadd.s32 $0x2AC00, s5;
	s4 =	sadd.s32 $0x52C00, s5;
	_ =	strace $0x8000004D  }
0xb: {  	s8 =	ssub.s32 $0x2, s6;
	s10 =	sshll.u32 s2, $0xC;
	p0 =	slt.u32 s2, $0x2  }
0xc: {  	s30 =	sshll.u32 s2, $0x8;
	s12 =	sshll.u32 s6, $0x7;
	s6 =	sshll.u32 s6, $0xB  }
0xd: {  	s11 =	sshrl.u32 s8, $0x1;
	s10 =	sadd.s32 s10, s5;
	s5 =	simm.s32 $0x4F0000  }
0xe: {  	s8 =	ssub.s32 s8, s11;
	s11 =	sor.u32 s12, s30;
	s31 =	sadd.s32 s6, s10  }
0xf: {  	s5 =	simm.s32 @!p0 $0x4E0000;
	s6 =	smax.u32 s8, $0x1;
	s8 =	sadd.s32 $0x7AC00, s31  }
0x10: {  	s11 =	sshrl.u32 s11, $0x3;
	s10 =	sadd.s32 $0x55CC00, s31;
	s12 =	sadd.s32 $0xF20C00, s31  }
0x11: {  	s7 =	sadd.s32 s11, s7;
	s9 =	sadd.s32 s11, s9;
	s11 =	sadd.s32 $0xA3EC00, s31  }
.LBB2_1:
0x12: {  	[tilespmem:s1], [sflag:$0x5] =	stream.linear.gather [hbm4b:s9+s1], $0x80, $0x38;
	[tilespmem:$0x10100] =	vst v63  }
0x13: {  	_ =	swait.ge [sflag:s13], $0x80  }
0x14: {  	[sflag:s13] =	ssyncset.done $0x0  }
0x15: {  	[sflag:s13] =	ssyncadd.s32 $0xFFFFFF80  }
0x16: {  	[tilespmem:s14], [sflag:$0x5] =	stream.linear.gather [hbm4b:s7+s1], $0x80, $0x38;
	[tilespmem:$0x10100] =	vst v63  }
0x17: {  	_ =	swait.ge [sflag:s13], $0x80  }
0x18: {  	[sflag:s13] =	ssyncset.done $0x0  }
0x19: {  	[sflag:s13] =	ssyncadd.s32 $0xFFFFFF80  }
0x1a: {  	[tilespmem:s15], [sflag:$0x1] =	stream.indirect.gather [hbm4b:s3+s14], $0x80, s1, s14, $0xb8;
	[tilespmem:$0x10100] =	vst v63  }
0x1b: {  	_ = 	snop  }
0x1c: {  	[tilespmem:s16], [sflag:$0x2] =	stream.indirect.gather [hbm4b:s4+s14], $0x80, s1, s14, $0xb8;
	[tilespmem:$0x10100] =	vst v63  }
0x1d: {  	_ = 	snop  }
0x1e: {  	[tilespmem:s17], [sflag:$0x3] =	stream.indirect.gather [hbm4b:s3+s14], $0x80, s14, s14, $0xb8;
	[tilespmem:$0x10100] =	vst v63  }
0x1f: {  	_ = 	snop  }
0x20: {  	[tilespmem:s18], [sflag:$0x4] =	stream.indirect.gather [hbm4b:s4+s14], $0x80, s14, s14, $0xb8;
	[tilespmem:$0x10100] =	vst v63  }
0x21: {  	_ =	swait.ge [sflag:s19], $0x4000  }
0x22: {  	[sflag:s19] =	ssyncset.done $0x0  }
0x23: {  	s24 =	sadd.s32 $0x0, s8;
	[sflag:s19] =	ssyncadd.s32 $0xFFFFC000  }
0x24: {  	[hbm4b:s24+s1] =	stream.linear.scatter [tilespmem:s15], [sflag:$0x5], $0x4000, $0x38;
	[tilespmem:$0x10100] =	vst v63  }
0x25: {  	_ =	swait.ge [sflag:s13], $0x4000  }
0x26: {  	[sflag:s13] =	ssyncset.done $0x0  }
0x27: {  	[sflag:s13] =	ssyncadd.s32 $0xFFFFC000  }
0x28: {  	_ =	swait.ge [sflag:s20], $0x4000  }
0x29: {  	[sflag:s20] =	ssyncset.done $0x0  }
0x2a: {  	s29 =	sadd.s32 $0x0, s10;
	[sflag:s20] =	ssyncadd.s32 $0xFFFFC000  }
0x2b: {  	[hbm4b:s29+s1] =	stream.linear.scatter [tilespmem:s16], [sflag:$0x5], $0x4000, $0x38;
	[tilespmem:$0x10100] =	vst v63  }
0x2c: {  	_ =	swait.ge [sflag:s13], $0x4000  }
0x2d: {  	[sflag:s13] =	ssyncset.done $0x0  }
0x2e: {  	[sflag:s13] =	ssyncadd.s32 $0xFFFFC000  }
0x2f: {  	_ =	swait.ge [sflag:s21], $0x4000  }
0x30: {  	[sflag:s21] =	ssyncset.done $0x0  }
0x31: {  	s30 =	sadd.s32 $0x0, s11;
	[sflag:s21] =	ssyncadd.s32 $0xFFFFC000  }
0x32: {  	[hbm4b:s30+s1] =	stream.linear.scatter [tilespmem:s17], [sflag:$0x5], $0x4000, $0x38;
	[tilespmem:$0x10100] =	vst v63  }
0x33: {  	_ =	swait.ge [sflag:s13], $0x4000  }
0x34: {  	[sflag:s13] =	ssyncset.done $0x0  }
0x35: {  	[sflag:s13] =	ssyncadd.s32 $0xFFFFC000  }
0x36: {  	p0 =	sne.s32 s5, $0x10000;
	_ =	swait.ge [sflag:s22], $0x4000  }
.Ltmp0:
0x37: {  	[sflag:s22] =	ssyncset.done $0x0;
	(pc) =	sbr.rel @!p0 .LBB2_3-.Ltmp0, $4  }
0x38: {  	s31 =	sadd.s32 $0x0, s12;
	[sflag:s22] =	ssyncadd.s32 $0xFFFFC000  }
0x39: {  	[hbm4b:s31+s1] =	stream.linear.scatter [tilespmem:s18], [sflag:$0x5], $0x4000, $0x38;
	[tilespmem:$0x10100] =	vst v63  }
0x3a: {  	s25 =	sadd.s32 $0x200, s9;
	_ =	swait.ge [sflag:s13], $0x4000  }
0x3b: {  	s26 =	smov.u32 s7;
	s24 =	simm.s32 $0x10000;
	[sflag:s13] =	ssyncset.done $0x0  }
.LBB2_2:
0x3c: {  	[sflag:s13] =	ssyncadd.s32 $0xFFFFC000  }
0x3d: {  	s26 =	sadd.s32 $0x200, s26;
	s28 =	smov.u32 s24;
	s24 =	sadd.s32 $0x10000, s24  }
0x3e: {  	[tilespmem:s1], [sflag:$0x5] =	stream.linear.gather [hbm4b:s25+s1], $0x80, $0x38;
	[tilespmem:$0x10100] =	vst v63  }
0x3f: {  	p0 =	sne.s32 s5, s24;
	_ =	swait.ge [sflag:s13], $0x80  }
0x40: {  	[sflag:s13] =	ssyncset.done $0x0  }
0x41: {  	[sflag:s13] =	ssyncadd.s32 $0xFFFFFF80  }
0x42: {  	[tilespmem:s14], [sflag:$0x5] =	stream.linear.gather [hbm4b:s26+s1], $0x80, $0x38;
	[tilespmem:$0x10100] =	vst v63  }
0x43: {  	_ =	swait.ge [sflag:s13], $0x80  }
0x44: {  	[sflag:s13] =	ssyncset.done $0x0  }
0x45: {  	[sflag:s13] =	ssyncadd.s32 $0xFFFFFF80  }
0x46: {  	[tilespmem:s15], [sflag:$0x1] =	stream.indirect.gather [hbm4b:s3+s14], $0x80, s1, s14, $0xb8;
	[tilespmem:$0x10100] =	vst v63  }
0x47: {  	_ = 	snop  }
0x48: {  	[tilespmem:s16], [sflag:$0x2] =	stream.indirect.gather [hbm4b:s4+s14], $0x80, s1, s14, $0xb8;
	[tilespmem:$0x10100] =	vst v63  }
0x49: {  	_ = 	snop  }
0x4a: {  	[tilespmem:s17], [sflag:$0x3] =	stream.indirect.gather [hbm4b:s3+s14], $0x80, s14, s14, $0xb8;
	[tilespmem:$0x10100] =	vst v63  }
0x4b: {  	_ = 	snop  }
0x4c: {  	[tilespmem:s18], [sflag:$0x4] =	stream.indirect.gather [hbm4b:s4+s14], $0x80, s14, s14, $0xb8;
	[tilespmem:$0x10100] =	vst v63  }
0x4d: {  	_ =	swait.ge [sflag:s19], $0x4000  }
0x4e: {  	[sflag:s19] =	ssyncset.done $0x0  }
0x4f: {  	s29 =	sadd.s32 s28, s8;
	[sflag:s19] =	ssyncadd.s32 $0xFFFFC000  }
0x50: {  	[hbm4b:s29+s1] =	stream.linear.scatter [tilespmem:s15], [sflag:$0x5], $0x4000, $0x38;
	[tilespmem:$0x10100] =	vst v63  }
0x51: {  	_ =	swait.ge [sflag:s13], $0x4000  }
0x52: {  	[sflag:s13] =	ssyncset.done $0x0  }
0x53: {  	[sflag:s13] =	ssyncadd.s32 $0xFFFFC000  }
0x54: {  	_ =	swait.ge [sflag:s20], $0x4000  }
0x55: {  	[sflag:s20] =	ssyncset.done $0x0  }
0x56: {  	s29 =	sadd.s32 s28, s10;
	[sflag:s20] =	ssyncadd.s32 $0xFFFFC000  }
0x57: {  	[hbm4b:s29+s1] =	stream.linear.scatter [tilespmem:s16], [sflag:$0x5], $0x4000, $0x38;
	[tilespmem:$0x10100] =	vst v63  }
0x58: {  	_ =	swait.ge [sflag:s13], $0x4000  }
0x59: {  	[sflag:s13] =	ssyncset.done $0x0  }
0x5a: {  	[sflag:s13] =	ssyncadd.s32 $0xFFFFC000  }
0x5b: {  	_ =	swait.ge [sflag:s21], $0x4000  }
0x5c: {  	[sflag:s21] =	ssyncset.done $0x0  }
0x5d: {  	s29 =	sadd.s32 s28, s11;
	[sflag:s21] =	ssyncadd.s32 $0xFFFFC000  }
0x5e: {  	[hbm4b:s29+s1] =	stream.linear.scatter [tilespmem:s17], [sflag:$0x5], $0x4000, $0x38;
	[tilespmem:$0x10100] =	vst v63  }
0x5f: {  	_ =	swait.ge [sflag:s13], $0x4000  }
0x60: {  	[sflag:s13] =	ssyncset.done $0x0  }
0x61: {  	[sflag:s13] =	ssyncadd.s32 $0xFFFFC000  }
0x62: {  	_ =	swait.ge [sflag:s22], $0x4000  }
.Ltmp1:
0x63: {  	[sflag:s22] =	ssyncset.done $0x0;
	(pc) =	sbr.rel @p0 .LBB2_2-.Ltmp1, $4  }
0x64: {  	s28 =	sadd.s32 s28, s12;
	[sflag:s22] =	ssyncadd.s32 $0xFFFFC000  }
0x65: {  	[hbm4b:s28+s1] =	stream.linear.scatter [tilespmem:s18], [sflag:$0x5], $0x4000, $0x38;
	[tilespmem:$0x10100] =	vst v63  }
0x66: {  	_ =	swait.ge [sflag:s13], $0x4000  }
0x67: {  	s25 =	sadd.s32 $0x200, s25;
	[sflag:s13] =	ssyncset.done $0x0  }
.LBB2_3:
0x68: {  	s23 =	sadd.s32 $0x1, s23  }
0x69: {  	p0 =	sne.s32 s23, s6  }
.Ltmp2:
0x6a: {  	_ = 	snop;
	(pc) =	sbr.rel @p0 .LBB2_1-.Ltmp2, $2  }
0x6b: {  	_ =	sdelay $0x2  }
0x6c: {  	[sflag:s13] =	ssyncadd.s32 $0xFFFFC000  }
0x6d: {  	_ =	sfence.sel $0x180000  }
0x6e: {  	[bflag:$0x0] =	sbarrier.arrive $0xFFFF  }
0x6f: {  	p0 =	sne.s32 s2, $0x0;
	_ =	strace $0x9000004D  }
0x70: {  	s0 =	sadd.s32 @!p0 $0x100000, s0;
	[bflag:$0x2] =	sbarrier.arrive $0xFFFF  }
0x71: {  	[sflag:s0] =	ssyncadd.tile.s32 @!p0 $0x1;
	_ =	shalt  }
.Lfunc_end2:
_tile_overlayer_lowered:
.L_overlay_start_2:
0x72: {  	(tag) =	ssettag $0x2  }
0x73: {  	s0 =	rddreg [dreg:$0x0];
	s2 =	stileid.u32  }
0x74: {  	s1 =	rddreg [dreg:$0x1];
	p0 =	sne.s32 s2, $0x0  }
0x75: {  	s3 =	rddreg [dreg:$0x2];
	[bflag:$0x3] =	sbarrier.arrive $0xFFFF;
	s2 =	simm.s32 @!p0 $0x1C05  }
0x76: {  	[timem:s3], [sflag:s2] =	dma.local @!p0 [hbm:s0], s1  }
0x77: {  	s0 =	simm.s32 @!p0 $0x5  }
0x78: {  	_ =	swait.ge @!p0 [sflag:s0], s1  }
0x79: {  	s1 =	ssub.s32 @!p0 $0x0, s1;
	[sflag:s0] =	ssyncset.done @!p0 $0x0  }
0x7a: {  	[sflag:s0] =	ssyncadd.s32 @!p0 s1  }
0x7b: {  	[bflag:$0x3] =	sbarrier.arrive $0xFFFF  }
0x7c: {  	_ =	shalt  }

</sc_bundles>
